<compile_context>
chip_gen: v7x
topology: tpu7x:2x2x1
jax: 0.10.2.dev20260603
libtpu: 0.0.44.dev20260713+nightly
codegen_flags: <defaults>
</compile_context>

<pallas_src>
import functools

import jax
import jax.numpy as jnp
from jax import lax
from jax.experimental import pallas as pl
from jax.experimental.pallas import tpu as pltpu
from jax.experimental.pallas import tpu_sc as plsc

N_ATOMS = 10000
N_PAIRS = 320000
N_EMB = 128
N_DIST = 100
N_HID = 64

A_BLK = 2000


def _atoms_body(af_ref, wcf_ref, bcf_ref, bdf_ref, wfc_ref, afh_ref, base_ref):
    af = af_ref[...]
    afh = jnp.dot(af, wcf_ref[...], preferred_element_type=jnp.float32) + bcf_ref[...]
    afh_ref[...] = afh
    ii = jnp.tanh(jnp.dot(bdf_ref[...] * afh, wfc_ref[...],
                          preferred_element_type=jnp.float32))
    base_ref[...] = af - ii


def _atoms_stage(af, W_cf, b_cf2, b_df2, W_fc):
    return pl.pallas_call(
        _atoms_body,
        grid=(N_ATOMS // A_BLK,),
        in_specs=[
            pl.BlockSpec((A_BLK, N_EMB), lambda i: (i, 0)),
            pl.BlockSpec((N_EMB, N_HID), lambda i: (0, 0)),
            pl.BlockSpec((1, N_HID), lambda i: (0, 0)),
            pl.BlockSpec((1, N_HID), lambda i: (0, 0)),
            pl.BlockSpec((N_HID, N_EMB), lambda i: (0, 0)),
        ],
        out_specs=[
            pl.BlockSpec((A_BLK, N_HID), lambda i: (i, 0)),
            pl.BlockSpec((A_BLK, N_EMB), lambda i: (i, 0)),
        ],
        out_shape=[
            jax.ShapeDtypeStruct((N_ATOMS, N_HID), jnp.float32),
            jax.ShapeDtypeStruct((N_ATOMS, N_EMB), jnp.float32),
        ],
    )(af, W_cf, b_cf2, b_df2, W_fc)


_NW = 32
_CH = 128
_GRP = 13
_GRP_ROWS = _CH * _GRP


def _gather_stage(afh, dmj, start_blk, nb):
    HB = C_BLK // 2
    nh = nb * 2
    base_h = start_blk * 2
    q, r = divmod(nh, _NW)
    kmax = q + (1 if r else 0)
    mesh = plsc.VectorSubcoreMesh(core_axis_name="c", subcore_axis_name="s")

    @functools.partial(
        pl.kernel,
        mesh=mesh,
        out_type=jax.ShapeDtypeStruct((nb * HB, 2 * N_HID), jnp.float32),
        scratch_types=[
            pltpu.VMEM((HB,), jnp.int32),
            pltpu.VMEM((HB, N_HID), jnp.float32),
            pltpu.SemaphoreType.DMA,
        ],
        compiler_params=pltpu.CompilerParams(use_tc_tiling_on_sc=False),
    )
    def gk(afh_hbm, dmj_hbm, out_hbm, idx_v, rows_v, sem):
        wid = lax.axis_index("s") * 2 + lax.axis_index("c")
        cnt = q + jnp.where(wid < r, 1, 0)
        start_h = wid * q + jnp.minimum(wid, r)

        def half(k, carry):
            @pl.when(k < cnt)
            def _():
                lh = start_h + k
                goff = pl.multiple_of((base_h + lh) * HB, 8)
                pltpu.sync_copy(dmj_hbm.at[pl.ds(goff, HB)], idx_v)
                cps = [
                    pltpu.async_copy(
                        afh_hbm.at[idx_v.at[pl.ds(j * _CH, _CH)]],
                        rows_v.at[pl.ds(j * _CH, _CH)],
                        sem,
                    )
                    for j in range(HB // _CH)
                ]
                for cp in cps:
                    cp.wait()
                row0 = pl.multiple_of((lh // 2) * HB, 8)
                col0 = pl.multiple_of((lh % 2) * N_HID, 8)
                pltpu.sync_copy(
                    rows_v,
                    out_hbm.at[pl.ds(row0, HB), pl.ds(col0, N_HID)])
            return carry

        lax.fori_loop(0, kmax, half, 0)

    return gk(afh, dmj)


C_BLK = 2560
C_NB = N_PAIRS // C_BLK
SEG_R = 128
ACC_ROWS = N_ATOMS + 240


def _pairs_body(n_blocks, dist_ref, g_ref, dmi_ref, wdf_ref, bdf_ref, wfc_ref,
                base_ref, out_ref, acc_ref):
    i = pl.program_id(0)

    @pl.when(i == 0)
    def _init():
        acc_ref[0:N_ATOMS, :] = base_ref[...]
        acc_ref[N_ATOMS:ACC_ROWS, :] = jnp.zeros(
            (ACC_ROWS - N_ATOMS, N_EMB), jnp.float32)

    hb = C_BLK // 2
    d16 = dist_ref[...].astype(jnp.bfloat16)
    g2 = g_ref[...]
    dh_lo = lax.dot_general(d16[:, 0:hb], wdf_ref[...],
                            (((0,), (0,)), ((), ())),
                            preferred_element_type=jnp.float32) + bdf_ref[...]
    dh_hi = lax.dot_general(d16[:, hb:C_BLK], wdf_ref[...],
                            (((0,), (0,)), ((), ())),
                            preferred_element_type=jnp.float32) + bdf_ref[...]
    p_lo = (dh_lo * g2[:, 0:N_HID]).astype(jnp.bfloat16)
    p_hi = (dh_hi * g2[:, N_HID:2 * N_HID]).astype(jnp.bfloat16)
    t_lo = jnp.tanh(jnp.dot(p_lo, wfc_ref[...],
                            preferred_element_type=jnp.float32))
    t_hi = jnp.tanh(jnp.dot(p_hi, wfc_ref[...],
                            preferred_element_type=jnp.float32))

    ids = dmi_ref[0]
    m0 = jnp.min(ids)
    m1 = jnp.max(ids)
    cur0 = (m0 // 8) * 8

    def seg(k, carry):
        cur = pl.multiple_of(cur0 + k * SEG_R, 8)
        rows = cur + lax.broadcasted_iota(jnp.int32, (SEG_R, C_BLK), 0)
        oh = (rows == ids).astype(jnp.float32)
        s = (jnp.dot(oh[:, 0:C_BLK // 2], t_lo,
                     preferred_element_type=jnp.float32) +
             jnp.dot(oh[:, C_BLK // 2:C_BLK], t_hi,
                     preferred_element_type=jnp.float32))
        acc_ref[pl.ds(cur, SEG_R), :] += s
        return carry

    lax.fori_loop(0, (m1 - cur0) // SEG_R + 1, seg, 0)

    @pl.when(i == n_blocks - 1)
    def _fin():
        out_ref[...] = acc_ref[0:N_ATOMS, :]


def _pairs_stage(dist_t, gathered, dmi3, W_df, b_df2, W_fc, base,
                 blk_start, n_blocks):
    return pl.pallas_call(
        functools.partial(_pairs_body, n_blocks),
        grid=(n_blocks,),
        in_specs=[
            pl.BlockSpec((N_DIST, C_BLK), lambda i, s=blk_start: (0, s + i)),
            pl.BlockSpec((C_BLK // 2, 2 * N_HID), lambda i: (i, 0)),
            pl.BlockSpec((1, 1, C_BLK), lambda i, s=blk_start: (s + i, 0, 0)),
            pl.BlockSpec((N_DIST, N_HID), lambda i: (0, 0)),
            pl.BlockSpec((1, N_HID), lambda i: (0, 0)),
            pl.BlockSpec((N_HID, N_EMB), lambda i: (0, 0)),
            pl.BlockSpec((N_ATOMS, N_EMB), lambda i: (0, 0)),
        ],
        out_specs=pl.BlockSpec((N_ATOMS, N_EMB), lambda i: (0, 0)),
        out_shape=jax.ShapeDtypeStruct((N_ATOMS, N_EMB), jnp.float32),
        scratch_shapes=[pltpu.VMEM((ACC_ROWS, N_EMB), jnp.float32)],
    )(dist_t, gathered, dmi3, W_df, b_df2, W_fc, base)


_CHUNK_NBS = (12, 25, 42, 46)


def kernel(atom_features, distance, atom_membership, distance_membership_i,
           distance_membership_j, W_cf, W_df, W_fc, b_cf, b_df):
    del atom_membership
    dmi3 = distance_membership_i.astype(jnp.int32).reshape(C_NB, 1, C_BLK)
    dmj = distance_membership_j.astype(jnp.int32)
    b_cf2 = b_cf.reshape(1, N_HID)
    b_df2 = b_df.reshape(1, N_HID)
    afh, base = _atoms_stage(atom_features, W_cf, b_cf2, b_df2, W_fc)
    dist_t = distance.T
    wdf16 = W_df.astype(jnp.bfloat16)
    wfc16 = W_fc.astype(jnp.bfloat16)
    acc = base
    blk = 0
    for cnb in _CHUNK_NBS:
        gat = _gather_stage(afh, dmj, blk, cnb)
        acc = _pairs_stage(dist_t, gat, dmi3, wdf16, b_df2, wfc16, acc,
                           blk, cnb)
        blk += cnb
    return acc

# --- scband reference (transcript-rebuilt; emitter-appended) ---
"""Pipeline reference for scband-dtnnstep-17085379904199 (READ-ONLY COPY).

The authoritative reference and input builder live on the scoring server;
editing this copy changes nothing except your own understanding.
"""

import jax, jax.numpy as jnp
import numpy as np

N_ATOMS = 10000
N_PAIRS = 320000
N_EMB = 128
N_DIST = 100
N_HID = 64


def _glorot(key, shape):
    limit = np.sqrt(6.0 / (shape[0] + shape[1]))
    return jax.random.uniform(key, shape, jnp.float32, -limit, limit)


def setup_inputs(seed: int = 0) -> dict:
    key = jax.random.key(seed)
    k1, k2, k3, k4, k5, k6, k7, k8 = jax.random.split(key, 8)
    atom_features = jax.random.normal(k1, (N_ATOMS, N_EMB), jnp.float32)
    # RBF-expanded distances are non-negative gaussian-bin activations
    distance = jax.random.uniform(k2, (N_PAIRS, N_DIST), jnp.float32)
    atom_membership = jnp.sort(jax.random.randint(k3, (N_ATOMS,), 0, 64)).astype(jnp.int64)
    distance_membership_i = jnp.sort(
        jax.random.randint(k4, (N_PAIRS,), 0, N_ATOMS)).astype(jnp.int64)
    distance_membership_j = jax.random.randint(
        k5, (N_PAIRS,), 0, N_ATOMS).astype(jnp.int64)
    # learned parameters per __init__/build
    W_cf = _glorot(k6, (N_EMB, N_HID))
    W_df = _glorot(k7, (N_DIST, N_HID))
    W_fc = _glorot(k8, (N_HID, N_EMB))
    b_cf = jnp.zeros((N_HID,), jnp.float32)
    b_df = jnp.zeros((N_HID,), jnp.float32)
    return {
        "atom_features": atom_features,
        "distance": distance,
        "atom_membership": atom_membership,
        "distance_membership_i": distance_membership_i,
        "distance_membership_j": distance_membership_j,
        "W_cf": W_cf,
        "W_df": W_df,
        "W_fc": W_fc,
        "b_cf": b_cf,
        "b_df": b_df,
    }


def reference(atom_features, distance, atom_membership, distance_membership_i,
              distance_membership_j, W_cf, W_df, W_fc, b_cf, b_df):
    distance_hidden = jnp.matmul(distance, W_df) + b_df
    atom_features_hidden = jnp.matmul(atom_features, W_cf) + b_cf
    gathered = jnp.take(atom_features_hidden, distance_membership_j, axis=0)
    outputs = distance_hidden * gathered
    outputs = jnp.tanh(jnp.matmul(outputs, W_fc))
    output_ii = b_df * atom_features_hidden
    output_ii = jnp.tanh(jnp.matmul(output_ii, W_fc))
    agg = jax.ops.segment_sum(outputs, distance_membership_i,
                              num_segments=N_ATOMS)
    return agg - output_ii + atom_features

if __name__ == "__main__":
    import jax
    _d = setup_inputs()
    print(jax.jit(kernel)(*tuple(_d.values())))

</pallas_src>

<mosaic_0001>
#map = affine_map<(d0, d1) -> (0, 0)>
#map1 = affine_map<(d0, d1) -> (0)>
module attributes {stable_mosaic.version = 14 : i64} {
  func.func @gk(%arg0: i32, %arg1: i32, %arg2: memref<10000x64xf32, #tpu.memory_space<hbm>>, %arg3: memref<320000xi32, #tpu.memory_space<hbm>>, %arg4: memref<32000x128xf32, #tpu.memory_space<hbm>>, %arg5: memref<1280xi32, #tpu.memory_space<vmem>>, %arg6: memref<1280x64xf32, #tpu.memory_space<vmem>>, %arg7: memref<!tpu.dma_semaphore, #tpu.memory_space<semaphore_mem>>) attributes {dimension_semantics = [#tpu.dimension_semantics<core_parallel>, #tpu.dimension_semantics<subcore_parallel>], iteration_bounds = array<i64: 2, 16>, scalar_prefetch = 0 : i64, scratch_operands = 3 : i64, tpu.core_type = #tpu.core_type<sc_vector_subcore>, window_params = [{transform_indices = #map}, {transform_indices = #map1}, {transform_indices = #map}]} {
    %mul3A = arith.constant 2 : i32
    %mul3A_0 = arith.muli %arg1, %mul3A : i32
    %add3A = arith.addi %mul3A_0, %arg0 : i32
    %lt3A = arith.constant 18 : i32
    %lt3A_1 = arith.cmpi slt, %add3A, %lt3A : i32
    %jit3A = arith.constant 1 : i32
    %jit3A_2 = arith.constant 0 : i32
    %select_n3A = arith.select %lt3A_1, %jit3A, %jit3A_2 : i32
    %add3A_3 = arith.constant 1 : i32
    %add3A_4 = arith.addi %add3A_3, %select_n3A : i32
    %mul3A_5 = arith.constant 1 : i32
    %mul3A_6 = arith.muli %add3A, %mul3A_5 : i32
    %min3A = arith.constant 18 : i32
    %min3A_7 = arith.minsi %add3A, %min3A : i32
    %add3A_8 = arith.addi %mul3A_6, %min3A_7 : i32
    %scan3A = arith.constant 0 : i32
    %scan3A_9 = arith.constant 0 : i32
    %scan3A_10 = arith.constant 2 : i32
    %scan3A_11 = arith.addi %scan3A_9, %scan3A_10 : i32
    %scan3A_12 = arith.constant 1 : i32
    scf.for %scan3A_14 = %scan3A_9 to %scan3A_11 step %scan3A_12  : i32 {
      %lt3A_15 = arith.cmpi slt, %scan3A_14, %add3A_4 : i32
      %convert_element_type3A = arith.extui %lt3A_15 : i1 to i32
      %cond3A = arith.constant 0 : i32
      %cond3A_16 = arith.cmpi ne, %convert_element_type3A, %cond3A : i32
      scf.if %cond3A_16 {
        %add3A_17 = arith.addi %add3A_8, %scan3A_14 : i32
        %add3A_18 = arith.constant 24 : i32
        %add3A_19 = arith.addi %add3A_18, %add3A_17 : i32
        %mul3A_20 = arith.constant 1280 : i32
        %mul3A_21 = arith.muli %add3A_19, %mul3A_20 : i32
        %multiple_of3A = tpu.assume_multiple %mul3A_21, 8 : i32
        "tpu.region"() ({
          %run_scoped3A = tpu.sem_alloc : memref<!tpu.dma_semaphore, #tpu.memory_space<semaphore_mem>>
          %dma_start3A_219 = tpu.memref_slice %arg3[%multiple_of3A] : memref<320000xi32, #tpu.memory_space<hbm>> -> memref<1280xi32, #tpu.memory_space<hbm>>
          %dma_start3A_220 = tpu.memref_slice %arg3[%multiple_of3A] : memref<320000xi32, #tpu.memory_space<hbm>> -> memref<1280xi32, #tpu.memory_space<hbm>>
          tpu.enqueue_dma source(%dma_start3A_220 : memref<1280xi32, #tpu.memory_space<hbm>>) target(%arg5 : memref<1280xi32, #tpu.memory_space<vmem>>) target_semaphore(%run_scoped3A : memref<!tpu.dma_semaphore, #tpu.memory_space<semaphore_mem>>)
          %dma_wait3A_221 = tpu.memref_slice %arg3[%multiple_of3A] : memref<320000xi32, #tpu.memory_space<hbm>> -> memref<1280xi32, #tpu.memory_space<hbm>>
          %dma_wait3A_222 = tpu.memref_slice %arg3[%multiple_of3A] : memref<320000xi32, #tpu.memory_space<hbm>> -> memref<1280xi32, #tpu.memory_space<hbm>>
          tpu.wait_dma2 semaphore(%run_scoped3A : memref<!tpu.dma_semaphore, #tpu.memory_space<semaphore_mem>>) src(%dma_wait3A_222 : memref<1280xi32, #tpu.memory_space<hbm>>) dst(%arg5 : memref<1280xi32, #tpu.memory_space<vmem>>)
          tpu.yield
        }) : () -> ()
        %dma_start3A = arith.constant 0 : i32
        %dma_start3A_22 = arith.constant 0 : i32
        %dma_start3A_23 = tpu.memref_slice %arg6[%dma_start3A, %dma_start3A_22] : memref<1280x64xf32, #tpu.memory_space<vmem>> -> memref<128x64xf32, #tpu.memory_space<vmem>>
        %dma_start3A_24 = arith.constant 0 : i32
        %dma_start3A_25 = tpu.memref_slice %arg5[%dma_start3A_24] : memref<1280xi32, #tpu.memory_space<vmem>> -> memref<128xi32, #tpu.memory_space<vmem>>
        %dma_start3A_26 = arith.constant 0 : i32
        %dma_start3A_27 = arith.constant 0 : i32
        %dma_start3A_28 = tpu.memref_slice %arg2[%dma_start3A_26, %dma_start3A_27] : memref<10000x64xf32, #tpu.memory_space<hbm>> -> memref<10000x64xf32, #tpu.memory_space<hbm>>
        tpu.enqueue_indirect_dma source(%dma_start3A_28 : memref<10000x64xf32, #tpu.memory_space<hbm>>) target(%dma_start3A_23 : memref<128x64xf32, #tpu.memory_space<vmem>>) offsets(%dma_start3A_25 : memref<128xi32, #tpu.memory_space<vmem>>) semaphore(%arg7 : memref<!tpu.dma_semaphore, #tpu.memory_space<semaphore_mem>>)
        %dma_start3A_29 = arith.constant 128 : i32
        %dma_start3A_30 = arith.constant 0 : i32
        %dma_start3A_31 = tpu.memref_slice %arg6[%dma_start3A_29, %dma_start3A_30] : memref<1280x64xf32, #tpu.memory_space<vmem>> -> memref<128x64xf32, #tpu.memory_space<vmem>>
        %dma_start3A_32 = arith.constant 128 : i32
        %dma_start3A_33 = tpu.memref_slice %arg5[%dma_start3A_32] : memref<1280xi32, #tpu.memory_space<vmem>> -> memref<128xi32, #tpu.memory_space<vmem>>
        %dma_start3A_34 = arith.constant 0 : i32
        %dma_start3A_35 = arith.constant 0 : i32
        %dma_start3A_36 = tpu.memref_slice %arg2[%dma_start3A_34, %dma_start3A_35] : memref<10000x64xf32, #tpu.memory_space<hbm>> -> memref<10000x64xf32, #tpu.memory_space<hbm>>
        tpu.enqueue_indirect_dma source(%dma_start3A_36 : memref<10000x64xf32, #tpu.memory_space<hbm>>) target(%dma_start3A_31 : memref<128x64xf32, #tpu.memory_space<vmem>>) offsets(%dma_start3A_33 : memref<128xi32, #tpu.memory_space<vmem>>) semaphore(%arg7 : memref<!tpu.dma_semaphore, #tpu.memory_space<semaphore_mem>>)
        %dma_start3A_37 = arith.constant 256 : i32
        %dma_start3A_38 = arith.constant 0 : i32
        %dma_start3A_39 = tpu.memref_slice %arg6[%dma_start3A_37, %dma_start3A_38] : memref<1280x64xf32, #tpu.memory_space<vmem>> -> memref<128x64xf32, #tpu.memory_space<vmem>>
        %dma_start3A_40 = arith.constant 256 : i32
        %dma_start3A_41 = tpu.memref_slice %arg5[%dma_start3A_40] : memref<1280xi32, #tpu.memory_space<vmem>> -> memref<128xi32, #tpu.memory_space<vmem>>
        %dma_start3A_42 = arith.constant 0 : i32
        %dma_start3A_43 = arith.constant 0 : i32
        %dma_start3A_44 = tpu.memref_slice %arg2[%dma_start3A_42, %dma_start3A_43] : memref<10000x64xf32, #tpu.memory_space<hbm>> -> memref<10000x64xf32, #tpu.memory_space<hbm>>
        tpu.enqueue_indirect_dma source(%dma_start3A_44 : memref<10000x64xf32, #tpu.memory_space<hbm>>) target(%dma_start3A_39 : memref<128x64xf32, #tpu.memory_space<vmem>>) offsets(%dma_start3A_41 : memref<128xi32, #tpu.memory_space<vmem>>) semaphore(%arg7 : memref<!tpu.dma_semaphore, #tpu.memory_space<semaphore_mem>>)
        %dma_start3A_45 = arith.constant 384 : i32
        %dma_start3A_46 = arith.constant 0 : i32
        %dma_start3A_47 = tpu.memref_slice %arg6[%dma_start3A_45, %dma_start3A_46] : memref<1280x64xf32, #tpu.memory_space<vmem>> -> memref<128x64xf32, #tpu.memory_space<vmem>>
        %dma_start3A_48 = arith.constant 384 : i32
        %dma_start3A_49 = tpu.memref_slice %arg5[%dma_start3A_48] : memref<1280xi32, #tpu.memory_space<vmem>> -> memref<128xi32, #tpu.memory_space<vmem>>
        %dma_start3A_50 = arith.constant 0 : i32
        %dma_start3A_51 = arith.constant 0 : i32
        %dma_start3A_52 = tpu.memref_slice %arg2[%dma_start3A_50, %dma_start3A_51] : memref<10000x64xf32, #tpu.memory_space<hbm>> -> memref<10000x64xf32, #tpu.memory_space<hbm>>
        tpu.enqueue_indirect_dma source(%dma_start3A_52 : memref<10000x64xf32, #tpu.memory_space<hbm>>) target(%dma_start3A_47 : memref<128x64xf32, #tpu.memory_space<vmem>>) offsets(%dma_start3A_49 : memref<128xi32, #tpu.memory_space<vmem>>) semaphore(%arg7 : memref<!tpu.dma_semaphore, #tpu.memory_space<semaphore_mem>>)
        %dma_start3A_53 = arith.constant 512 : i32
        %dma_start3A_54 = arith.constant 0 : i32
        %dma_start3A_55 = tpu.memref_slice %arg6[%dma_start3A_53, %dma_start3A_54] : memref<1280x64xf32, #tpu.memory_space<vmem>> -> memref<128x64xf32, #tpu.memory_space<vmem>>
        %dma_start3A_56 = arith.constant 512 : i32
        %dma_start3A_57 = tpu.memref_slice %arg5[%dma_start3A_56] : memref<1280xi32, #tpu.memory_space<vmem>> -> memref<128xi32, #tpu.memory_space<vmem>>
        %dma_start3A_58 = arith.constant 0 : i32
        %dma_start3A_59 = arith.constant 0 : i32
        %dma_start3A_60 = tpu.memref_slice %arg2[%dma_start3A_58, %dma_start3A_59] : memref<10000x64xf32, #tpu.memory_space<hbm>> -> memref<10000x64xf32, #tpu.memory_space<hbm>>
        tpu.enqueue_indirect_dma source(%dma_start3A_60 : memref<10000x64xf32, #tpu.memory_space<hbm>>) target(%dma_start3A_55 : memref<128x64xf32, #tpu.memory_space<vmem>>) offsets(%dma_start3A_57 : memref<128xi32, #tpu.memory_space<vmem>>) semaphore(%arg7 : memref<!tpu.dma_semaphore, #tpu.memory_space<semaphore_mem>>)
        %dma_start3A_61 = arith.constant 640 : i32
        %dma_start3A_62 = arith.constant 0 : i32
        %dma_start3A_63 = tpu.memref_slice %arg6[%dma_start3A_61, %dma_start3A_62] : memref<1280x64xf32, #tpu.memory_space<vmem>> -> memref<128x64xf32, #tpu.memory_space<vmem>>
        %dma_start3A_64 = arith.constant 640 : i32
        %dma_start3A_65 = tpu.memref_slice %arg5[%dma_start3A_64] : memref<1280xi32, #tpu.memory_space<vmem>> -> memref<128xi32, #tpu.memory_space<vmem>>
        %dma_start3A_66 = arith.constant 0 : i32
        %dma_start3A_67 = arith.constant 0 : i32
        %dma_start3A_68 = tpu.memref_slice %arg2[%dma_start3A_66, %dma_start3A_67] : memref<10000x64xf32, #tpu.memory_space<hbm>> -> memref<10000x64xf32, #tpu.memory_space<hbm>>
        tpu.enqueue_indirect_dma source(%dma_start3A_68 : memref<10000x64xf32, #tpu.memory_space<hbm>>) target(%dma_start3A_63 : memref<128x64xf32, #tpu.memory_space<vmem>>) offsets(%dma_start3A_65 : memref<128xi32, #tpu.memory_space<vmem>>) semaphore(%arg7 : memref<!tpu.dma_semaphore, #tpu.memory_space<semaphore_mem>>)
        %dma_start3A_69 = arith.constant 768 : i32
        %dma_start3A_70 = arith.constant 0 : i32
        %dma_start3A_71 = tpu.memref_slice %arg6[%dma_start3A_69, %dma_start3A_70] : memref<1280x64xf32, #tpu.memory_space<vmem>> -> memref<128x64xf32, #tpu.memory_space<vmem>>
        %dma_start3A_72 = arith.constant 768 : i32
        %dma_start3A_73 = tpu.memref_slice %arg5[%dma_start3A_72] : memref<1280xi32, #tpu.memory_space<vmem>> -> memref<128xi32, #tpu.memory_space<vmem>>
        %dma_start3A_74 = arith.constant 0 : i32
        %dma_start3A_75 = arith.constant 0 : i32
        %dma_start3A_76 = tpu.memref_slice %arg2[%dma_start3A_74, %dma_start3A_75] : memref<10000x64xf32, #tpu.memory_space<hbm>> -> memref<10000x64xf32, #tpu.memory_space<hbm>>
        tpu.enqueue_indirect_dma source(%dma_start3A_76 : memref<10000x64xf32, #tpu.memory_space<hbm>>) target(%dma_start3A_71 : memref<128x64xf32, #tpu.memory_space<vmem>>) offsets(%dma_start3A_73 : memref<128xi32, #tpu.memory_space<vmem>>) semaphore(%arg7 : memref<!tpu.dma_semaphore, #tpu.memory_space<semaphore_mem>>)
        %dma_start3A_77 = arith.constant 896 : i32
        %dma_start3A_78 = arith.constant 0 : i32
        %dma_start3A_79 = tpu.memref_slice %arg6[%dma_start3A_77, %dma_start3A_78] : memref<1280x64xf32, #tpu.memory_space<vmem>> -> memref<128x64xf32, #tpu.memory_space<vmem>>
        %dma_start3A_80 = arith.constant 896 : i32
        %dma_start3A_81 = tpu.memref_slice %arg5[%dma_start3A_80] : memref<1280xi32, #tpu.memory_space<vmem>> -> memref<128xi32, #tpu.memory_space<vmem>>
        %dma_start3A_82 = arith.constant 0 : i32
        %dma_start3A_83 = arith.constant 0 : i32
        %dma_start3A_84 = tpu.memref_slice %arg2[%dma_start3A_82, %dma_start3A_83] : memref<10000x64xf32, #tpu.memory_space<hbm>> -> memref<10000x64xf32, #tpu.memory_space<hbm>>
        tpu.enqueue_indirect_dma source(%dma_start3A_84 : memref<10000x64xf32, #tpu.memory_space<hbm>>) target(%dma_start3A_79 : memref<128x64xf32, #tpu.memory_space<vmem>>) offsets(%dma_start3A_81 : memref<128xi32, #tpu.memory_space<vmem>>) semaphore(%arg7 : memref<!tpu.dma_semaphore, #tpu.memory_space<semaphore_mem>>)
        %dma_start3A_85 = arith.constant 1024 : i32
        %dma_start3A_86 = arith.constant 0 : i32
        %dma_start3A_87 = tpu.memref_slice %arg6[%dma_start3A_85, %dma_start3A_86] : memref<1280x64xf32, #tpu.memory_space<vmem>> -> memref<128x64xf32, #tpu.memory_space<vmem>>
        %dma_start3A_88 = arith.constant 1024 : i32
        %dma_start3A_89 = tpu.memref_slice %arg5[%dma_start3A_88] : memref<1280xi32, #tpu.memory_space<vmem>> -> memref<128xi32, #tpu.memory_space<vmem>>
        %dma_start3A_90 = arith.constant 0 : i32
        %dma_start3A_91 = arith.constant 0 : i32
        %dma_start3A_92 = tpu.memref_slice %arg2[%dma_start3A_90, %dma_start3A_91] : memref<10000x64xf32, #tpu.memory_space<hbm>> -> memref<10000x64xf32, #tpu.memory_space<hbm>>
        tpu.enqueue_indirect_dma source(%dma_start3A_92 : memref<10000x64xf32, #tpu.memory_space<hbm>>) target(%dma_start3A_87 : memref<128x64xf32, #tpu.memory_space<vmem>>) offsets(%dma_start3A_89 : memref<128xi32, #tpu.memory_space<vmem>>) semaphore(%arg7 : memref<!tpu.dma_semaphore, #tpu.memory_space<semaphore_mem>>)
        %dma_start3A_93 = arith.constant 1152 : i32
        %dma_start3A_94 = arith.constant 0 : i32
        %dma_start3A_95 = tpu.memref_slice %arg6[%dma_start3A_93, %dma_start3A_94] : memref<1280x64xf32, #tpu.memory_space<vmem>> -> memref<128x64xf32, #tpu.memory_space<vmem>>
        %dma_start3A_96 = arith.constant 1152 : i32
        %dma_start3A_97 = tpu.memref_slice %arg5[%dma_start3A_96] : memref<1280xi32, #tpu.memory_space<vmem>> -> memref<128xi32, #tpu.memory_space<vmem>>
        %dma_start3A_98 = arith.constant 0 : i32
        %dma_start3A_99 = arith.constant 0 : i32
        %dma_start3A_100 = tpu.memref_slice %arg2[%dma_start3A_98, %dma_start3A_99] : memref<10000x64xf32, #tpu.memory_space<hbm>> -> memref<10000x64xf32, #tpu.memory_space<hbm>>
        tpu.enqueue_indirect_dma source(%dma_start3A_100 : memref<10000x64xf32, #tpu.memory_space<hbm>>) target(%dma_start3A_95 : memref<128x64xf32, #tpu.memory_space<vmem>>) offsets(%dma_start3A_97 : memref<128xi32, #tpu.memory_space<vmem>>) semaphore(%arg7 : memref<!tpu.dma_semaphore, #tpu.memory_space<semaphore_mem>>)
        %dma_wait3A = arith.constant 0 : i32
        %dma_wait3A_101 = arith.constant 0 : i32
        %dma_wait3A_102 = tpu.memref_slice %arg6[%dma_wait3A, %dma_wait3A_101] : memref<1280x64xf32, #tpu.memory_space<vmem>> -> memref<128x64xf32, #tpu.memory_space<vmem>>
        %dma_wait3A_103 = arith.constant 0 : i32
        %dma_wait3A_104 = tpu.memref_slice %arg5[%dma_wait3A_103] : memref<1280xi32, #tpu.memory_space<vmem>> -> memref<128xi32, #tpu.memory_space<vmem>>
        %dma_wait3A_105 = arith.constant 0 : i32
        %dma_wait3A_106 = arith.constant 0 : i32
        %dma_wait3A_107 = tpu.memref_slice %arg2[%dma_wait3A_105, %dma_wait3A_106] : memref<10000x64xf32, #tpu.memory_space<hbm>> -> memref<10000x64xf32, #tpu.memory_space<hbm>>
        tpu.wait_indirect_dma semaphore(%arg7 : memref<!tpu.dma_semaphore, #tpu.memory_space<semaphore_mem>>) src(%dma_wait3A_107 : memref<10000x64xf32, #tpu.memory_space<hbm>>) dst(%dma_wait3A_102 : memref<128x64xf32, #tpu.memory_space<vmem>>)
        %dma_wait3A_108 = arith.constant 128 : i32
        %dma_wait3A_109 = arith.constant 0 : i32
        %dma_wait3A_110 = tpu.memref_slice %arg6[%dma_wait3A_108, %dma_wait3A_109] : memref<1280x64xf32, #tpu.memory_space<vmem>> -> memref<128x64xf32, #tpu.memory_space<vmem>>
        %dma_wait3A_111 = arith.constant 128 : i32
        %dma_wait3A_112 = tpu.memref_slice %arg5[%dma_wait3A_111] : memref<1280xi32, #tpu.memory_space<vmem>> -> memref<128xi32, #tpu.memory_space<vmem>>
        %dma_wait3A_113 = arith.constant 0 : i32
        %dma_wait3A_114 = arith.constant 0 : i32
        %dma_wait3A_115 = tpu.memref_slice %arg2[%dma_wait3A_113, %dma_wait3A_114] : memref<10000x64xf32, #tpu.memory_space<hbm>> -> memref<10000x64xf32, #tpu.memory_space<hbm>>
        tpu.wait_indirect_dma semaphore(%arg7 : memref<!tpu.dma_semaphore, #tpu.memory_space<semaphore_mem>>) src(%dma_wait3A_115 : memref<10000x64xf32, #tpu.memory_space<hbm>>) dst(%dma_wait3A_110 : memref<128x64xf32, #tpu.memory_space<vmem>>)
        %dma_wait3A_116 = arith.constant 256 : i32
        %dma_wait3A_117 = arith.constant 0 : i32
        %dma_wait3A_118 = tpu.memref_slice %arg6[%dma_wait3A_116, %dma_wait3A_117] : memref<1280x64xf32, #tpu.memory_space<vmem>> -> memref<128x64xf32, #tpu.memory_space<vmem>>
        %dma_wait3A_119 = arith.constant 256 : i32
        %dma_wait3A_120 = tpu.memref_slice %arg5[%dma_wait3A_119] : memref<1280xi32, #tpu.memory_space<vmem>> -> memref<128xi32, #tpu.memory_space<vmem>>
        %dma_wait3A_121 = arith.constant 0 : i32
        %dma_wait3A_122 = arith.constant 0 : i32
        %dma_wait3A_123 = tpu.memref_slice %arg2[%dma_wait3A_121, %dma_wait3A_122] : memref<10000x64xf32, #tpu.memory_space<hbm>> -> memref<10000x64xf32, #tpu.memory_space<hbm>>
        tpu.wait_indirect_dma semaphore(%arg7 : memref<!tpu.dma_semaphore, #tpu.memory_space<semaphore_mem>>) src(%dma_wait3A_123 : memref<10000x64xf32, #tpu.memory_space<hbm>>) dst(%dma_wait3A_118 : memref<128x64xf32, #tpu.memory_space<vmem>>)
        %dma_wait3A_124 = arith.constant 384 : i32
        %dma_wait3A_125 = arith.constant 0 : i32
        %dma_wait3A_126 = tpu.memref_slice %arg6[%dma_wait3A_124, %dma_wait3A_125] : memref<1280x64xf32, #tpu.memory_space<vmem>> -> memref<128x64xf32, #tpu.memory_space<vmem>>
        %dma_wait3A_127 = arith.constant 384 : i32
        %dma_wait3A_128 = tpu.memref_slice %arg5[%dma_wait3A_127] : memref<1280xi32, #tpu.memory_space<vmem>> -> memref<128xi32, #tpu.memory_space<vmem>>
        %dma_wait3A_129 = arith.constant 0 : i32
        %dma_wait3A_130 = arith.constant 0 : i32
        %dma_wait3A_131 = tpu.memref_slice %arg2[%dma_wait3A_129, %dma_wait3A_130] : memref<10000x64xf32, #tpu.memory_space<hbm>> -> memref<10000x64xf32, #tpu.memory_space<hbm>>
        tpu.wait_indirect_dma semaphore(%arg7 : memref<!tpu.dma_semaphore, #tpu.memory_space<semaphore_mem>>) src(%dma_wait3A_131 : memref<10000x64xf32, #tpu.memory_space<hbm>>) dst(%dma_wait3A_126 : memref<128x64xf32, #tpu.memory_space<vmem>>)
        %dma_wait3A_132 = arith.constant 512 : i32
        %dma_wait3A_133 = arith.constant 0 : i32
        %dma_wait3A_134 = tpu.memref_slice %arg6[%dma_wait3A_132, %dma_wait3A_133] : memref<1280x64xf32, #tpu.memory_space<vmem>> -> memref<128x64xf32, #tpu.memory_space<vmem>>
        %dma_wait3A_135 = arith.constant 512 : i32
        %dma_wait3A_136 = tpu.memref_slice %arg5[%dma_wait3A_135] : memref<1280xi32, #tpu.memory_space<vmem>> -> memref<128xi32, #tpu.memory_space<vmem>>
        %dma_wait3A_137 = arith.constant 0 : i32
        %dma_wait3A_138 = arith.constant 0 : i32
        %dma_wait3A_139 = tpu.memref_slice %arg2[%dma_wait3A_137, %dma_wait3A_138] : memref<10000x64xf32, #tpu.memory_space<hbm>> -> memref<10000x64xf32, #tpu.memory_space<hbm>>
        tpu.wait_indirect_dma semaphore(%arg7 : memref<!tpu.dma_semaphore, #tpu.memory_space<semaphore_mem>>) src(%dma_wait3A_139 : memref<10000x64xf32, #tpu.memory_space<hbm>>) dst(%dma_wait3A_134 : memref<128x64xf32, #tpu.memory_space<vmem>>)
        %dma_wait3A_140 = arith.constant 640 : i32
        %dma_wait3A_141 = arith.constant 0 : i32
        %dma_wait3A_142 = tpu.memref_slice %arg6[%dma_wait3A_140, %dma_wait3A_141] : memref<1280x64xf32, #tpu.memory_space<vmem>> -> memref<128x64xf32, #tpu.memory_space<vmem>>
        %dma_wait3A_143 = arith.constant 640 : i32
        %dma_wait3A_144 = tpu.memref_slice %arg5[%dma_wait3A_143] : memref<1280xi32, #tpu.memory_space<vmem>> -> memref<128xi32, #tpu.memory_space<vmem>>
        %dma_wait3A_145 = arith.constant 0 : i32
        %dma_wait3A_146 = arith.constant 0 : i32
        %dma_wait3A_147 = tpu.memref_slice %arg2[%dma_wait3A_145, %dma_wait3A_146] : memref<10000x64xf32, #tpu.memory_space<hbm>> -> memref<10000x64xf32, #tpu.memory_space<hbm>>
        tpu.wait_indirect_dma semaphore(%arg7 : memref<!tpu.dma_semaphore, #tpu.memory_space<semaphore_mem>>) src(%dma_wait3A_147 : memref<10000x64xf32, #tpu.memory_space<hbm>>) dst(%dma_wait3A_142 : memref<128x64xf32, #tpu.memory_space<vmem>>)
        %dma_wait3A_148 = arith.constant 768 : i32
        %dma_wait3A_149 = arith.constant 0 : i32
        %dma_wait3A_150 = tpu.memref_slice %arg6[%dma_wait3A_148, %dma_wait3A_149] : memref<1280x64xf32, #tpu.memory_space<vmem>> -> memref<128x64xf32, #tpu.memory_space<vmem>>
        %dma_wait3A_151 = arith.constant 768 : i32
        %dma_wait3A_152 = tpu.memref_slice %arg5[%dma_wait3A_151] : memref<1280xi32, #tpu.memory_space<vmem>> -> memref<128xi32, #tpu.memory_space<vmem>>
        %dma_wait3A_153 = arith.constant 0 : i32
        %dma_wait3A_154 = arith.constant 0 : i32
        %dma_wait3A_155 = tpu.memref_slice %arg2[%dma_wait3A_153, %dma_wait3A_154] : memref<10000x64xf32, #tpu.memory_space<hbm>> -> memref<10000x64xf32, #tpu.memory_space<hbm>>
        tpu.wait_indirect_dma semaphore(%arg7 : memref<!tpu.dma_semaphore, #tpu.memory_space<semaphore_mem>>) src(%dma_wait3A_155 : memref<10000x64xf32, #tpu.memory_space<hbm>>) dst(%dma_wait3A_150 : memref<128x64xf32, #tpu.memory_space<vmem>>)
        %dma_wait3A_156 = arith.constant 896 : i32
        %dma_wait3A_157 = arith.constant 0 : i32
        %dma_wait3A_158 = tpu.memref_slice %arg6[%dma_wait3A_156, %dma_wait3A_157] : memref<1280x64xf32, #tpu.memory_space<vmem>> -> memref<128x64xf32, #tpu.memory_space<vmem>>
        %dma_wait3A_159 = arith.constant 896 : i32
        %dma_wait3A_160 = tpu.memref_slice %arg5[%dma_wait3A_159] : memref<1280xi32, #tpu.memory_space<vmem>> -> memref<128xi32, #tpu.memory_space<vmem>>
        %dma_wait3A_161 = arith.constant 0 : i32
        %dma_wait3A_162 = arith.constant 0 : i32
        %dma_wait3A_163 = tpu.memref_slice %arg2[%dma_wait3A_161, %dma_wait3A_162] : memref<10000x64xf32, #tpu.memory_space<hbm>> -> memref<10000x64xf32, #tpu.memory_space<hbm>>
        tpu.wait_indirect_dma semaphore(%arg7 : memref<!tpu.dma_semaphore, #tpu.memory_space<semaphore_mem>>) src(%dma_wait3A_163 : memref<10000x64xf32, #tpu.memory_space<hbm>>) dst(%dma_wait3A_158 : memref<128x64xf32, #tpu.memory_space<vmem>>)
        %dma_wait3A_164 = arith.constant 1024 : i32
        %dma_wait3A_165 = arith.constant 0 : i32
        %dma_wait3A_166 = tpu.memref_slice %arg6[%dma_wait3A_164, %dma_wait3A_165] : memref<1280x64xf32, #tpu.memory_space<vmem>> -> memref<128x64xf32, #tpu.memory_space<vmem>>
        %dma_wait3A_167 = arith.constant 1024 : i32
        %dma_wait3A_168 = tpu.memref_slice %arg5[%dma_wait3A_167] : memref<1280xi32, #tpu.memory_space<vmem>> -> memref<128xi32, #tpu.memory_space<vmem>>
        %dma_wait3A_169 = arith.constant 0 : i32
        %dma_wait3A_170 = arith.constant 0 : i32
        %dma_wait3A_171 = tpu.memref_slice %arg2[%dma_wait3A_169, %dma_wait3A_170] : memref<10000x64xf32, #tpu.memory_space<hbm>> -> memref<10000x64xf32, #tpu.memory_space<hbm>>
        tpu.wait_indirect_dma semaphore(%arg7 : memref<!tpu.dma_semaphore, #tpu.memory_space<semaphore_mem>>) src(%dma_wait3A_171 : memref<10000x64xf32, #tpu.memory_space<hbm>>) dst(%dma_wait3A_166 : memref<128x64xf32, #tpu.memory_space<vmem>>)
        %dma_wait3A_172 = arith.constant 1152 : i32
        %dma_wait3A_173 = arith.constant 0 : i32
        %dma_wait3A_174 = tpu.memref_slice %arg6[%dma_wait3A_172, %dma_wait3A_173] : memref<1280x64xf32, #tpu.memory_space<vmem>> -> memref<128x64xf32, #tpu.memory_space<vmem>>
        %dma_wait3A_175 = arith.constant 1152 : i32
        %dma_wait3A_176 = tpu.memref_slice %arg5[%dma_wait3A_175] : memref<1280xi32, #tpu.memory_space<vmem>> -> memref<128xi32, #tpu.memory_space<vmem>>
        %dma_wait3A_177 = arith.constant 0 : i32
        %dma_wait3A_178 = arith.constant 0 : i32
        %dma_wait3A_179 = tpu.memref_slice %arg2[%dma_wait3A_177, %dma_wait3A_178] : memref<10000x64xf32, #tpu.memory_space<hbm>> -> memref<10000x64xf32, #tpu.memory_space<hbm>>
        tpu.wait_indirect_dma semaphore(%arg7 : memref<!tpu.dma_semaphore, #tpu.memory_space<semaphore_mem>>) src(%dma_wait3A_179 : memref<10000x64xf32, #tpu.memory_space<hbm>>) dst(%dma_wait3A_174 : memref<128x64xf32, #tpu.memory_space<vmem>>)
        %jit3A_180 = arith.constant 2 : i32
        %div3A = arith.divsi %add3A_17, %jit3A_180 : i32
        %sign3A = arith.constant 0 : i32
        %sign3A_181 = arith.cmpi sgt, %add3A_17, %sign3A : i32
        %sign3A_182 = arith.extui %sign3A_181 : i1 to i32
        %sign3A_183 = arith.constant 0 : i32
        %sign3A_184 = arith.cmpi slt, %add3A_17, %sign3A_183 : i32
        %sign3A_185 = arith.extui %sign3A_184 : i1 to i32
        %sign3A_186 = arith.subi %sign3A_182, %sign3A_185 : i32
        %sign3A_187 = arith.constant 0 : i32
        %sign3A_188 = arith.cmpi sgt, %jit3A_180, %sign3A_187 : i32
        %sign3A_189 = arith.extui %sign3A_188 : i1 to i32
        %sign3A_190 = arith.constant 0 : i32
        %sign3A_191 = arith.cmpi slt, %jit3A_180, %sign3A_190 : i32
        %sign3A_192 = arith.extui %sign3A_191 : i1 to i32
        %sign3A_193 = arith.subi %sign3A_189, %sign3A_192 : i32
        %ne3A = arith.cmpi ne, %sign3A_186, %sign3A_193 : i32
        %rem3A = arith.remsi %add3A_17, %jit3A_180 : i32
        %ne3A_194 = arith.constant 0 : i32
        %ne3A_195 = arith.cmpi ne, %rem3A, %ne3A_194 : i32
        %and3A = arith.andi %ne3A, %ne3A_195 : i1
        %sub3A = arith.constant 1 : i32
        %sub3A_196 = arith.subi %div3A, %sub3A : i32
        %select_n3A_197 = arith.select %and3A, %sub3A_196, %div3A : i32
        %mul3A_198 = arith.constant 1280 : i32
        %mul3A_199 = arith.muli %select_n3A_197, %mul3A_198 : i32
        %multiple_of3A_200 = tpu.assume_multiple %mul3A_199, 8 : i32
        %jit3A_201 = arith.constant 2 : i32
        %eq3A = arith.constant 0 : i32
        %eq3A_202 = arith.cmpi eq, %jit3A_201, %eq3A : i32
        %jit3A_203 = arith.constant 1 : i32
        %select_n3A_204 = arith.select %eq3A_202, %jit3A_203, %jit3A_201 : i32
        %rem3A_205 = arith.remsi %add3A_17, %select_n3A_204 : i32
        %ne3A_206 = arith.constant 0 : i32
        %ne3A_207 = arith.cmpi ne, %rem3A_205, %ne3A_206 : i32
        %lt3A_208 = arith.constant 0 : i32
        %lt3A_209 = arith.cmpi slt, %rem3A_205, %lt3A_208 : i32
        %lt3A_210 = arith.constant 0 : i32
        %lt3A_211 = arith.cmpi slt, %select_n3A_204, %lt3A_210 : i32
        %ne3A_212 = arith.xori %lt3A_209, %lt3A_211 : i1
        %and3A_213 = arith.andi %ne3A_212, %ne3A_207 : i1
        %add3A_214 = arith.addi %rem3A_205, %select_n3A_204 : i32
        %select_n3A_215 = arith.select %and3A_213, %add3A_214, %rem3A_205 : i32
        %mul3A_216 = arith.constant 64 : i32
        %mul3A_217 = arith.muli %select_n3A_215, %mul3A_216 : i32
        %multiple_of3A_218 = tpu.assume_multiple %mul3A_217, 8 : i32
        "tpu.region"() ({
          %run_scoped3A = tpu.sem_alloc : memref<!tpu.dma_semaphore, #tpu.memory_space<semaphore_mem>>
          %dma_start3A_219 = tpu.memref_slice %arg4[%multiple_of3A_200, %multiple_of3A_218] : memref<32000x128xf32, #tpu.memory_space<hbm>> -> memref<1280x64xf32, #tpu.memory_space<hbm>>
          %dma_start3A_220 = tpu.memref_slice %arg4[%multiple_of3A_200, %multiple_of3A_218] : memref<32000x128xf32, #tpu.memory_space<hbm>> -> memref<1280x64xf32, #tpu.memory_space<hbm>>
          tpu.enqueue_dma source(%arg6 : memref<1280x64xf32, #tpu.memory_space<vmem>>) target(%dma_start3A_220 : memref<1280x64xf32, #tpu.memory_space<hbm>>) target_semaphore(%run_scoped3A : memref<!tpu.dma_semaphore, #tpu.memory_space<semaphore_mem>>)
          %dma_wait3A_221 = tpu.memref_slice %arg4[%multiple_of3A_200, %multiple_of3A_218] : memref<32000x128xf32, #tpu.memory_space<hbm>> -> memref<1280x64xf32, #tpu.memory_space<hbm>>
          %dma_wait3A_222 = tpu.memref_slice %arg4[%multiple_of3A_200, %multiple_of3A_218] : memref<32000x128xf32, #tpu.memory_space<hbm>> -> memref<1280x64xf32, #tpu.memory_space<hbm>>
          tpu.wait_dma2 semaphore(%run_scoped3A : memref<!tpu.dma_semaphore, #tpu.memory_space<semaphore_mem>>) src(%arg6 : memref<1280x64xf32, #tpu.memory_space<vmem>>) dst(%dma_wait3A_222 : memref<1280x64xf32, #tpu.memory_space<hbm>>)
          tpu.yield
        }) : () -> ()
      } else {
      }
    }
    %scan3A_13 = arith.constant 2 : i32
    return
  }
}

#map = affine_map<(d0, d1) -> (0, 0)>
#map1 = affine_map<(d0, d1) -> (0)>
module attributes {stable_mosaic.version = 14 : i64} {
  func.func @gk(%arg0: i32, %arg1: i32, %arg2: memref<10000x64xf32, #tpu.memory_space<hbm>>, %arg3: memref<320000xi32, #tpu.memory_space<hbm>>, %arg4: memref<53760x128xf32, #tpu.memory_space<hbm>>, %arg5: memref<1280xi32, #tpu.memory_space<vmem>>, %arg6: memref<1280x64xf32, #tpu.memory_space<vmem>>, %arg7: memref<!tpu.dma_semaphore, #tpu.memory_space<semaphore_mem>>) attributes {dimension_semantics = [#tpu.dimension_semantics<core_parallel>, #tpu.dimension_semantics<subcore_parallel>], iteration_bounds = array<i64: 2, 16>, scalar_prefetch = 0 : i64, scratch_operands = 3 : i64, tpu.core_type = #tpu.core_type<sc_vector_subcore>, window_params = [{transform_indices = #map}, {transform_indices = #map1}, {transform_indices = #map}]} {
    %mul3A = arith.constant 2 : i32
    %mul3A_0 = arith.muli %arg1, %mul3A : i32
    %add3A = arith.addi %mul3A_0, %arg0 : i32
    %lt3A = arith.constant 20 : i32
    %lt3A_1 = arith.cmpi slt, %add3A, %lt3A : i32
    %jit3A = arith.constant 1 : i32
    %jit3A_2 = arith.constant 0 : i32
    %select_n3A = arith.select %lt3A_1, %jit3A, %jit3A_2 : i32
    %add3A_3 = arith.constant 2 : i32
    %add3A_4 = arith.addi %add3A_3, %select_n3A : i32
    %mul3A_5 = arith.constant 2 : i32
    %mul3A_6 = arith.muli %add3A, %mul3A_5 : i32
    %min3A = arith.constant 20 : i32
    %min3A_7 = arith.minsi %add3A, %min3A : i32
    %add3A_8 = arith.addi %mul3A_6, %min3A_7 : i32
    %scan3A = arith.constant 0 : i32
    %scan3A_9 = arith.constant 0 : i32
    %scan3A_10 = arith.constant 3 : i32
    %scan3A_11 = arith.addi %scan3A_9, %scan3A_10 : i32
    %scan3A_12 = arith.constant 1 : i32
    scf.for %scan3A_14 = %scan3A_9 to %scan3A_11 step %scan3A_12  : i32 {
      %lt3A_15 = arith.cmpi slt, %scan3A_14, %add3A_4 : i32
      %convert_element_type3A = arith.extui %lt3A_15 : i1 to i32
      %cond3A = arith.constant 0 : i32
      %cond3A_16 = arith.cmpi ne, %convert_element_type3A, %cond3A : i32
      scf.if %cond3A_16 {
        %add3A_17 = arith.addi %add3A_8, %scan3A_14 : i32
        %add3A_18 = arith.constant 74 : i32
        %add3A_19 = arith.addi %add3A_18, %add3A_17 : i32
        %mul3A_20 = arith.constant 1280 : i32
        %mul3A_21 = arith.muli %add3A_19, %mul3A_20 : i32
        %multiple_of3A = tpu.assume_multiple %mul3A_21, 8 : i32
        "tpu.region"() ({
          %run_scoped3A = tpu.sem_alloc : memref<!tpu.dma_semaphore, #tpu.memory_space<semaphore_mem>>
          %dma_start3A_219 = tpu.memref_slice %arg3[%multiple_of3A] : memref<320000xi32, #tpu.memory_space<hbm>> -> memref<1280xi32, #tpu.memory_space<hbm>>
          %dma_start3A_220 = tpu.memref_slice %arg3[%multiple_of3A] : memref<320000xi32, #tpu.memory_space<hbm>> -> memref<1280xi32, #tpu.memory_space<hbm>>
          tpu.enqueue_dma source(%dma_start3A_220 : memref<1280xi32, #tpu.memory_space<hbm>>) target(%arg5 : memref<1280xi32, #tpu.memory_space<vmem>>) target_semaphore(%run_scoped3A : memref<!tpu.dma_semaphore, #tpu.memory_space<semaphore_mem>>)
          %dma_wait3A_221 = tpu.memref_slice %arg3[%multiple_of3A] : memref<320000xi32, #tpu.memory_space<hbm>> -> memref<1280xi32, #tpu.memory_space<hbm>>
          %dma_wait3A_222 = tpu.memref_slice %arg3[%multiple_of3A] : memref<320000xi32, #tpu.memory_space<hbm>> -> memref<1280xi32, #tpu.memory_space<hbm>>
          tpu.wait_dma2 semaphore(%run_scoped3A : memref<!tpu.dma_semaphore, #tpu.memory_space<semaphore_mem>>) src(%dma_wait3A_222 : memref<1280xi32, #tpu.memory_space<hbm>>) dst(%arg5 : memref<1280xi32, #tpu.memory_space<vmem>>)
          tpu.yield
        }) : () -> ()
        %dma_start3A = arith.constant 0 : i32
        %dma_start3A_22 = arith.constant 0 : i32
        %dma_start3A_23 = tpu.memref_slice %arg6[%dma_start3A, %dma_start3A_22] : memref<1280x64xf32, #tpu.memory_space<vmem>> -> memref<128x64xf32, #tpu.memory_space<vmem>>
        %dma_start3A_24 = arith.constant 0 : i32
        %dma_start3A_25 = tpu.memref_slice %arg5[%dma_start3A_24] : memref<1280xi32, #tpu.memory_space<vmem>> -> memref<128xi32, #tpu.memory_space<vmem>>
        %dma_start3A_26 = arith.constant 0 : i32
        %dma_start3A_27 = arith.constant 0 : i32
        %dma_start3A_28 = tpu.memref_slice %arg2[%dma_start3A_26, %dma_start3A_27] : memref<10000x64xf32, #tpu.memory_space<hbm>> -> memref<10000x64xf32, #tpu.memory_space<hbm>>
        tpu.enqueue_indirect_dma source(%dma_start3A_28 : memref<10000x64xf32, #tpu.memory_space<hbm>>) target(%dma_start3A_23 : memref<128x64xf32, #tpu.memory_space<vmem>>) offsets(%dma_start3A_25 : memref<128xi32, #tpu.memory_space<vmem>>) semaphore(%arg7 : memref<!tpu.dma_semaphore, #tpu.memory_space<semaphore_mem>>)
        %dma_start3A_29 = arith.constant 128 : i32
        %dma_start3A_30 = arith.constant 0 : i32
        %dma_start3A_31 = tpu.memref_slice %arg6[%dma_start3A_29, %dma_start3A_30] : memref<1280x64xf32, #tpu.memory_space<vmem>> -> memref<128x64xf32, #tpu.memory_space<vmem>>
        %dma_start3A_32 = arith.constant 128 : i32
        %dma_start3A_33 = tpu.memref_slice %arg5[%dma_start3A_32] : memref<1280xi32, #tpu.memory_space<vmem>> -> memref<128xi32, #tpu.memory_space<vmem>>
        %dma_start3A_34 = arith.constant 0 : i32
        %dma_start3A_35 = arith.constant 0 : i32
        %dma_start3A_36 = tpu.memref_slice %arg2[%dma_start3A_34, %dma_start3A_35] : memref<10000x64xf32, #tpu.memory_space<hbm>> -> memref<10000x64xf32, #tpu.memory_space<hbm>>
        tpu.enqueue_indirect_dma source(%dma_start3A_36 : memref<10000x64xf32, #tpu.memory_space<hbm>>) target(%dma_start3A_31 : memref<128x64xf32, #tpu.memory_space<vmem>>) offsets(%dma_start3A_33 : memref<128xi32, #tpu.memory_space<vmem>>) semaphore(%arg7 : memref<!tpu.dma_semaphore, #tpu.memory_space<semaphore_mem>>)
        %dma_start3A_37 = arith.constant 256 : i32
        %dma_start3A_38 = arith.constant 0 : i32
        %dma_start3A_39 = tpu.memref_slice %arg6[%dma_start3A_37, %dma_start3A_38] : memref<1280x64xf32, #tpu.memory_space<vmem>> -> memref<128x64xf32, #tpu.memory_space<vmem>>
        %dma_start3A_40 = arith.constant 256 : i32
        %dma_start3A_41 = tpu.memref_slice %arg5[%dma_start3A_40] : memref<1280xi32, #tpu.memory_space<vmem>> -> memref<128xi32, #tpu.memory_space<vmem>>
        %dma_start3A_42 = arith.constant 0 : i32
        %dma_start3A_43 = arith.constant 0 : i32
        %dma_start3A_44 = tpu.memref_slice %arg2[%dma_start3A_42, %dma_start3A_43] : memref<10000x64xf32, #tpu.memory_space<hbm>> -> memref<10000x64xf32, #tpu.memory_space<hbm>>
        tpu.enqueue_indirect_dma source(%dma_start3A_44 : memref<10000x64xf32, #tpu.memory_space<hbm>>) target(%dma_start3A_39 : memref<128x64xf32, #tpu.memory_space<vmem>>) offsets(%dma_start3A_41 : memref<128xi32, #tpu.memory_space<vmem>>) semaphore(%arg7 : memref<!tpu.dma_semaphore, #tpu.memory_space<semaphore_mem>>)
        %dma_start3A_45 = arith.constant 384 : i32
        %dma_start3A_46 = arith.constant 0 : i32
        %dma_start3A_47 = tpu.memref_slice %arg6[%dma_start3A_45, %dma_start3A_46] : memref<1280x64xf32, #tpu.memory_space<vmem>> -> memref<128x64xf32, #tpu.memory_space<vmem>>
        %dma_start3A_48 = arith.constant 384 : i32
        %dma_start3A_49 = tpu.memref_slice %arg5[%dma_start3A_48] : memref<1280xi32, #tpu.memory_space<vmem>> -> memref<128xi32, #tpu.memory_space<vmem>>
        %dma_start3A_50 = arith.constant 0 : i32
        %dma_start3A_51 = arith.constant 0 : i32
        %dma_start3A_52 = tpu.memref_slice %arg2[%dma_start3A_50, %dma_start3A_51] : memref<10000x64xf32, #tpu.memory_space<hbm>> -> memref<10000x64xf32, #tpu.memory_space<hbm>>
        tpu.enqueue_indirect_dma source(%dma_start3A_52 : memref<10000x64xf32, #tpu.memory_space<hbm>>) target(%dma_start3A_47 : memref<128x64xf32, #tpu.memory_space<vmem>>) offsets(%dma_start3A_49 : memref<128xi32, #tpu.memory_space<vmem>>) semaphore(%arg7 : memref<!tpu.dma_semaphore, #tpu.memory_space<semaphore_mem>>)
        %dma_start3A_53 = arith.constant 512 : i32
        %dma_start3A_54 = arith.constant 0 : i32
        %dma_start3A_55 = tpu.memref_slice %arg6[%dma_start3A_53, %dma_start3A_54] : memref<1280x64xf32, #tpu.memory_space<vmem>> -> memref<128x64xf32, #tpu.memory_space<vmem>>
        %dma_start3A_56 = arith.constant 512 : i32
        %dma_start3A_57 = tpu.memref_slice %arg5[%dma_start3A_56] : memref<1280xi32, #tpu.memory_space<vmem>> -> memref<128xi32, #tpu.memory_space<vmem>>
        %dma_start3A_58 = arith.constant 0 : i32
        %dma_start3A_59 = arith.constant 0 : i32
        %dma_start3A_60 = tpu.memref_slice %arg2[%dma_start3A_58, %dma_start3A_59] : memref<10000x64xf32, #tpu.memory_space<hbm>> -> memref<10000x64xf32, #tpu.memory_space<hbm>>
        tpu.enqueue_indirect_dma source(%dma_start3A_60 : memref<10000x64xf32, #tpu.memory_space<hbm>>) target(%dma_start3A_55 : memref<128x64xf32, #tpu.memory_space<vmem>>) offsets(%dma_start3A_57 : memref<128xi32, #tpu.memory_space<vmem>>) semaphore(%arg7 : memref<!tpu.dma_semaphore, #tpu.memory_space<semaphore_mem>>)
        %dma_start3A_61 = arith.constant 640 : i32
        %dma_start3A_62 = arith.constant 0 : i32
        %dma_start3A_63 = tpu.memref_slice %arg6[%dma_start3A_61, %dma_start3A_62] : memref<1280x64xf32, #tpu.memory_space<vmem>> -> memref<128x64xf32, #tpu.memory_space<vmem>>
        %dma_start3A_64 = arith.constant 640 : i32
        %dma_start3A_65 = tpu.memref_slice %arg5[%dma_start3A_64] : memref<1280xi32, #tpu.memory_space<vmem>> -> memref<128xi32, #tpu.memory_space<vmem>>
        %dma_start3A_66 = arith.constant 0 : i32
        %dma_start3A_67 = arith.constant 0 : i32
        %dma_start3A_68 = tpu.memref_slice %arg2[%dma_start3A_66, %dma_start3A_67] : memref<10000x64xf32, #tpu.memory_space<hbm>> -> memref<10000x64xf32, #tpu.memory_space<hbm>>
        tpu.enqueue_indirect_dma source(%dma_start3A_68 : memref<10000x64xf32, #tpu.memory_space<hbm>>) target(%dma_start3A_63 : memref<128x64xf32, #tpu.memory_space<vmem>>) offsets(%dma_start3A_65 : memref<128xi32, #tpu.memory_space<vmem>>) semaphore(%arg7 : memref<!tpu.dma_semaphore, #tpu.memory_space<semaphore_mem>>)
        %dma_start3A_69 = arith.constant 768 : i32
        %dma_start3A_70 = arith.constant 0 : i32
        %dma_start3A_71 = tpu.memref_slice %arg6[%dma_start3A_69, %dma_start3A_70] : memref<1280x64xf32, #tpu.memory_space<vmem>> -> memref<128x64xf32, #tpu.memory_space<vmem>>
        %dma_start3A_72 = arith.constant 768 : i32
        %dma_start3A_73 = tpu.memref_slice %arg5[%dma_start3A_72] : memref<1280xi32, #tpu.memory_space<vmem>> -> memref<128xi32, #tpu.memory_space<vmem>>
        %dma_start3A_74 = arith.constant 0 : i32
        %dma_start3A_75 = arith.constant 0 : i32
        %dma_start3A_76 = tpu.memref_slice %arg2[%dma_start3A_74, %dma_start3A_75] : memref<10000x64xf32, #tpu.memory_space<hbm>> -> memref<10000x64xf32, #tpu.memory_space<hbm>>
        tpu.enqueue_indirect_dma source(%dma_start3A_76 : memref<10000x64xf32, #tpu.memory_space<hbm>>) target(%dma_start3A_71 : memref<128x64xf32, #tpu.memory_space<vmem>>) offsets(%dma_start3A_73 : memref<128xi32, #tpu.memory_space<vmem>>) semaphore(%arg7 : memref<!tpu.dma_semaphore, #tpu.memory_space<semaphore_mem>>)
        %dma_start3A_77 = arith.constant 896 : i32
        %dma_start3A_78 = arith.constant 0 : i32
        %dma_start3A_79 = tpu.memref_slice %arg6[%dma_start3A_77, %dma_start3A_78] : memref<1280x64xf32, #tpu.memory_space<vmem>> -> memref<128x64xf32, #tpu.memory_space<vmem>>
        %dma_start3A_80 = arith.constant 896 : i32
        %dma_start3A_81 = tpu.memref_slice %arg5[%dma_start3A_80] : memref<1280xi32, #tpu.memory_space<vmem>> -> memref<128xi32, #tpu.memory_space<vmem>>
        %dma_start3A_82 = arith.constant 0 : i32
        %dma_start3A_83 = arith.constant 0 : i32
        %dma_start3A_84 = tpu.memref_slice %arg2[%dma_start3A_82, %dma_start3A_83] : memref<10000x64xf32, #tpu.memory_space<hbm>> -> memref<10000x64xf32, #tpu.memory_space<hbm>>
        tpu.enqueue_indirect_dma source(%dma_start3A_84 : memref<10000x64xf32, #tpu.memory_space<hbm>>) target(%dma_start3A_79 : memref<128x64xf32, #tpu.memory_space<vmem>>) offsets(%dma_start3A_81 : memref<128xi32, #tpu.memory_space<vmem>>) semaphore(%arg7 : memref<!tpu.dma_semaphore, #tpu.memory_space<semaphore_mem>>)
        %dma_start3A_85 = arith.constant 1024 : i32
        %dma_start3A_86 = arith.constant 0 : i32
        %dma_start3A_87 = tpu.memref_slice %arg6[%dma_start3A_85, %dma_start3A_86] : memref<1280x64xf32, #tpu.memory_space<vmem>> -> memref<128x64xf32, #tpu.memory_space<vmem>>
        %dma_start3A_88 = arith.constant 1024 : i32
        %dma_start3A_89 = tpu.memref_slice %arg5[%dma_start3A_88] : memref<1280xi32, #tpu.memory_space<vmem>> -> memref<128xi32, #tpu.memory_space<vmem>>
        %dma_start3A_90 = arith.constant 0 : i32
        %dma_start3A_91 = arith.constant 0 : i32
        %dma_start3A_92 = tpu.memref_slice %arg2[%dma_start3A_90, %dma_start3A_91] : memref<10000x64xf32, #tpu.memory_space<hbm>> -> memref<10000x64xf32, #tpu.memory_space<hbm>>
        tpu.enqueue_indirect_dma source(%dma_start3A_92 : memref<10000x64xf32, #tpu.memory_space<hbm>>) target(%dma_start3A_87 : memref<128x64xf32, #tpu.memory_space<vmem>>) offsets(%dma_start3A_89 : memref<128xi32, #tpu.memory_space<vmem>>) semaphore(%arg7 : memref<!tpu.dma_semaphore, #tpu.memory_space<semaphore_mem>>)
        %dma_start3A_93 = arith.constant 1152 : i32
        %dma_start3A_94 = arith.constant 0 : i32
        %dma_start3A_95 = tpu.memref_slice %arg6[%dma_start3A_93, %dma_start3A_94] : memref<1280x64xf32, #tpu.memory_space<vmem>> -> memref<128x64xf32, #tpu.memory_space<vmem>>
        %dma_start3A_96 = arith.constant 1152 : i32
        %dma_start3A_97 = tpu.memref_slice %arg5[%dma_start3A_96] : memref<1280xi32, #tpu.memory_space<vmem>> -> memref<128xi32, #tpu.memory_space<vmem>>
        %dma_start3A_98 = arith.constant 0 : i32
        %dma_start3A_99 = arith.constant 0 : i32
        %dma_start3A_100 = tpu.memref_slice %arg2[%dma_start3A_98, %dma_start3A_99] : memref<10000x64xf32, #tpu.memory_space<hbm>> -> memref<10000x64xf32, #tpu.memory_space<hbm>>
        tpu.enqueue_indirect_dma source(%dma_start3A_100 : memref<10000x64xf32, #tpu.memory_space<hbm>>) target(%dma_start3A_95 : memref<128x64xf32, #tpu.memory_space<vmem>>) offsets(%dma_start3A_97 : memref<128xi32, #tpu.memory_space<vmem>>) semaphore(%arg7 : memref<!tpu.dma_semaphore, #tpu.memory_space<semaphore_mem>>)
        %dma_wait3A = arith.constant 0 : i32
        %dma_wait3A_101 = arith.constant 0 : i32
        %dma_wait3A_102 = tpu.memref_slice %arg6[%dma_wait3A, %dma_wait3A_101] : memref<1280x64xf32, #tpu.memory_space<vmem>> -> memref<128x64xf32, #tpu.memory_space<vmem>>
        %dma_wait3A_103 = arith.constant 0 : i32
        %dma_wait3A_104 = tpu.memref_slice %arg5[%dma_wait3A_103] : memref<1280xi32, #tpu.memory_space<vmem>> -> memref<128xi32, #tpu.memory_space<vmem>>
        %dma_wait3A_105 = arith.constant 0 : i32
        %dma_wait3A_106 = arith.constant 0 : i32
        %dma_wait3A_107 = tpu.memref_slice %arg2[%dma_wait3A_105, %dma_wait3A_106] : memref<10000x64xf32, #tpu.memory_space<hbm>> -> memref<10000x64xf32, #tpu.memory_space<hbm>>
        tpu.wait_indirect_dma semaphore(%arg7 : memref<!tpu.dma_semaphore, #tpu.memory_space<semaphore_mem>>) src(%dma_wait3A_107 : memref<10000x64xf32, #tpu.memory_space<hbm>>) dst(%dma_wait3A_102 : memref<128x64xf32, #tpu.memory_space<vmem>>)
        %dma_wait3A_108 = arith.constant 128 : i32
        %dma_wait3A_109 = arith.constant 0 : i32
        %dma_wait3A_110 = tpu.memref_slice %arg6[%dma_wait3A_108, %dma_wait3A_109] : memref<1280x64xf32, #tpu.memory_space<vmem>> -> memref<128x64xf32, #tpu.memory_space<vmem>>
        %dma_wait3A_111 = arith.constant 128 : i32
        %dma_wait3A_112 = tpu.memref_slice %arg5[%dma_wait3A_111] : memref<1280xi32, #tpu.memory_space<vmem>> -> memref<128xi32, #tpu.memory_space<vmem>>
        %dma_wait3A_113 = arith.constant 0 : i32
        %dma_wait3A_114 = arith.constant 0 : i32
        %dma_wait3A_115 = tpu.memref_slice %arg2[%dma_wait3A_113, %dma_wait3A_114] : memref<10000x64xf32, #tpu.memory_space<hbm>> -> memref<10000x64xf32, #tpu.memory_space<hbm>>
        tpu.wait_indirect_dma semaphore(%arg7 : memref<!tpu.dma_semaphore, #tpu.memory_space<semaphore_mem>>) src(%dma_wait3A_115 : memref<10000x64xf32, #tpu.memory_space<hbm>>) dst(%dma_wait3A_110 : memref<128x64xf32, #tpu.memory_space<vmem>>)
        %dma_wait3A_116 = arith.constant 256 : i32
        %dma_wait3A_117 = arith.constant 0 : i32
        %dma_wait3A_118 = tpu.memref_slice %arg6[%dma_wait3A_116, %dma_wait3A_117] : memref<1280x64xf32, #tpu.memory_space<vmem>> -> memref<128x64xf32, #tpu.memory_space<vmem>>
        %dma_wait3A_119 = arith.constant 256 : i32
        %dma_wait3A_120 = tpu.memref_slice %arg5[%dma_wait3A_119] : memref<1280xi32, #tpu.memory_space<vmem>> -> memref<128xi32, #tpu.memory_space<vmem>>
        %dma_wait3A_121 = arith.constant 0 : i32
        %dma_wait3A_122 = arith.constant 0 : i32
        %dma_wait3A_123 = tpu.memref_slice %arg2[%dma_wait3A_121, %dma_wait3A_122] : memref<10000x64xf32, #tpu.memory_space<hbm>> -> memref<10000x64xf32, #tpu.memory_space<hbm>>
        tpu.wait_indirect_dma semaphore(%arg7 : memref<!tpu.dma_semaphore, #tpu.memory_space<semaphore_mem>>) src(%dma_wait3A_123 : memref<10000x64xf32, #tpu.memory_space<hbm>>) dst(%dma_wait3A_118 : memref<128x64xf32, #tpu.memory_space<vmem>>)
        %dma_wait3A_124 = arith.constant 384 : i32
        %dma_wait3A_125 = arith.constant 0 : i32
        %dma_wait3A_126 = tpu.memref_slice %arg6[%dma_wait3A_124, %dma_wait3A_125] : memref<1280x64xf32, #tpu.memory_space<vmem>> -> memref<128x64xf32, #tpu.memory_space<vmem>>
        %dma_wait3A_127 = arith.constant 384 : i32
        %dma_wait3A_128 = tpu.memref_slice %arg5[%dma_wait3A_127] : memref<1280xi32, #tpu.memory_space<vmem>> -> memref<128xi32, #tpu.memory_space<vmem>>
        %dma_wait3A_129 = arith.constant 0 : i32
        %dma_wait3A_130 = arith.constant 0 : i32
        %dma_wait3A_131 = tpu.memref_slice %arg2[%dma_wait3A_129, %dma_wait3A_130] : memref<10000x64xf32, #tpu.memory_space<hbm>> -> memref<10000x64xf32, #tpu.memory_space<hbm>>
        tpu.wait_indirect_dma semaphore(%arg7 : memref<!tpu.dma_semaphore, #tpu.memory_space<semaphore_mem>>) src(%dma_wait3A_131 : memref<10000x64xf32, #tpu.memory_space<hbm>>) dst(%dma_wait3A_126 : memref<128x64xf32, #tpu.memory_space<vmem>>)
        %dma_wait3A_132 = arith.constant 512 : i32
        %dma_wait3A_133 = arith.constant 0 : i32
        %dma_wait3A_134 = tpu.memref_slice %arg6[%dma_wait3A_132, %dma_wait3A_133] : memref<1280x64xf32, #tpu.memory_space<vmem>> -> memref<128x64xf32, #tpu.memory_space<vmem>>
        %dma_wait3A_135 = arith.constant 512 : i32
        %dma_wait3A_136 = tpu.memref_slice %arg5[%dma_wait3A_135] : memref<1280xi32, #tpu.memory_space<vmem>> -> memref<128xi32, #tpu.memory_space<vmem>>
        %dma_wait3A_137 = arith.constant 0 : i32
        %dma_wait3A_138 = arith.constant 0 : i32
        %dma_wait3A_139 = tpu.memref_slice %arg2[%dma_wait3A_137, %dma_wait3A_138] : memref<10000x64xf32, #tpu.memory_space<hbm>> -> memref<10000x64xf32, #tpu.memory_space<hbm>>
        tpu.wait_indirect_dma semaphore(%arg7 : memref<!tpu.dma_semaphore, #tpu.memory_space<semaphore_mem>>) src(%dma_wait3A_139 : memref<10000x64xf32, #tpu.memory_space<hbm>>) dst(%dma_wait3A_134 : memref<128x64xf32, #tpu.memory_space<vmem>>)
        %dma_wait3A_140 = arith.constant 640 : i32
        %dma_wait3A_141 = arith.constant 0 : i32
        %dma_wait3A_142 = tpu.memref_slice %arg6[%dma_wait3A_140, %dma_wait3A_141] : memref<1280x64xf32, #tpu.memory_space<vmem>> -> memref<128x64xf32, #tpu.memory_space<vmem>>
        %dma_wait3A_143 = arith.constant 640 : i32
        %dma_wait3A_144 = tpu.memref_slice %arg5[%dma_wait3A_143] : memref<1280xi32, #tpu.memory_space<vmem>> -> memref<128xi32, #tpu.memory_space<vmem>>
        %dma_wait3A_145 = arith.constant 0 : i32
        %dma_wait3A_146 = arith.constant 0 : i32
        %dma_wait3A_147 = tpu.memref_slice %arg2[%dma_wait3A_145, %dma_wait3A_146] : memref<10000x64xf32, #tpu.memory_space<hbm>> -> memref<10000x64xf32, #tpu.memory_space<hbm>>
        tpu.wait_indirect_dma semaphore(%arg7 : memref<!tpu.dma_semaphore, #tpu.memory_space<semaphore_mem>>) src(%dma_wait3A_147 : memref<10000x64xf32, #tpu.memory_space<hbm>>) dst(%dma_wait3A_142 : memref<128x64xf32, #tpu.memory_space<vmem>>)
        %dma_wait3A_148 = arith.constant 768 : i32
        %dma_wait3A_149 = arith.constant 0 : i32
        %dma_wait3A_150 = tpu.memref_slice %arg6[%dma_wait3A_148, %dma_wait3A_149] : memref<1280x64xf32, #tpu.memory_space<vmem>> -> memref<128x64xf32, #tpu.memory_space<vmem>>
        %dma_wait3A_151 = arith.constant 768 : i32
        %dma_wait3A_152 = tpu.memref_slice %arg5[%dma_wait3A_151] : memref<1280xi32, #tpu.memory_space<vmem>> -> memref<128xi32, #tpu.memory_space<vmem>>
        %dma_wait3A_153 = arith.constant 0 : i32
        %dma_wait3A_154 = arith.constant 0 : i32
        %dma_wait3A_155 = tpu.memref_slice %arg2[%dma_wait3A_153, %dma_wait3A_154] : memref<10000x64xf32, #tpu.memory_space<hbm>> -> memref<10000x64xf32, #tpu.memory_space<hbm>>
        tpu.wait_indirect_dma semaphore(%arg7 : memref<!tpu.dma_semaphore, #tpu.memory_space<semaphore_mem>>) src(%dma_wait3A_155 : memref<10000x64xf32, #tpu.memory_space<hbm>>) dst(%dma_wait3A_150 : memref<128x64xf32, #tpu.memory_space<vmem>>)
        %dma_wait3A_156 = arith.constant 896 : i32
        %dma_wait3A_157 = arith.constant 0 : i32
        %dma_wait3A_158 = tpu.memref_slice %arg6[%dma_wait3A_156, %dma_wait3A_157] : memref<1280x64xf32, #tpu.memory_space<vmem>> -> memref<128x64xf32, #tpu.memory_space<vmem>>
        %dma_wait3A_159 = arith.constant 896 : i32
        %dma_wait3A_160 = tpu.memref_slice %arg5[%dma_wait3A_159] : memref<1280xi32, #tpu.memory_space<vmem>> -> memref<128xi32, #tpu.memory_space<vmem>>
        %dma_wait3A_161 = arith.constant 0 : i32
        %dma_wait3A_162 = arith.constant 0 : i32
        %dma_wait3A_163 = tpu.memref_slice %arg2[%dma_wait3A_161, %dma_wait3A_162] : memref<10000x64xf32, #tpu.memory_space<hbm>> -> memref<10000x64xf32, #tpu.memory_space<hbm>>
        tpu.wait_indirect_dma semaphore(%arg7 : memref<!tpu.dma_semaphore, #tpu.memory_space<semaphore_mem>>) src(%dma_wait3A_163 : memref<10000x64xf32, #tpu.memory_space<hbm>>) dst(%dma_wait3A_158 : memref<128x64xf32, #tpu.memory_space<vmem>>)
        %dma_wait3A_164 = arith.constant 1024 : i32
        %dma_wait3A_165 = arith.constant 0 : i32
        %dma_wait3A_166 = tpu.memref_slice %arg6[%dma_wait3A_164, %dma_wait3A_165] : memref<1280x64xf32, #tpu.memory_space<vmem>> -> memref<128x64xf32, #tpu.memory_space<vmem>>
        %dma_wait3A_167 = arith.constant 1024 : i32
        %dma_wait3A_168 = tpu.memref_slice %arg5[%dma_wait3A_167] : memref<1280xi32, #tpu.memory_space<vmem>> -> memref<128xi32, #tpu.memory_space<vmem>>
        %dma_wait3A_169 = arith.constant 0 : i32
        %dma_wait3A_170 = arith.constant 0 : i32
        %dma_wait3A_171 = tpu.memref_slice %arg2[%dma_wait3A_169, %dma_wait3A_170] : memref<10000x64xf32, #tpu.memory_space<hbm>> -> memref<10000x64xf32, #tpu.memory_space<hbm>>
        tpu.wait_indirect_dma semaphore(%arg7 : memref<!tpu.dma_semaphore, #tpu.memory_space<semaphore_mem>>) src(%dma_wait3A_171 : memref<10000x64xf32, #tpu.memory_space<hbm>>) dst(%dma_wait3A_166 : memref<128x64xf32, #tpu.memory_space<vmem>>)
        %dma_wait3A_172 = arith.constant 1152 : i32
        %dma_wait3A_173 = arith.constant 0 : i32
        %dma_wait3A_174 = tpu.memref_slice %arg6[%dma_wait3A_172, %dma_wait3A_173] : memref<1280x64xf32, #tpu.memory_space<vmem>> -> memref<128x64xf32, #tpu.memory_space<vmem>>
        %dma_wait3A_175 = arith.constant 1152 : i32
        %dma_wait3A_176 = tpu.memref_slice %arg5[%dma_wait3A_175] : memref<1280xi32, #tpu.memory_space<vmem>> -> memref<128xi32, #tpu.memory_space<vmem>>
        %dma_wait3A_177 = arith.constant 0 : i32
        %dma_wait3A_178 = arith.constant 0 : i32
        %dma_wait3A_179 = tpu.memref_slice %arg2[%dma_wait3A_177, %dma_wait3A_178] : memref<10000x64xf32, #tpu.memory_space<hbm>> -> memref<10000x64xf32, #tpu.memory_space<hbm>>
        tpu.wait_indirect_dma semaphore(%arg7 : memref<!tpu.dma_semaphore, #tpu.memory_space<semaphore_mem>>) src(%dma_wait3A_179 : memref<10000x64xf32, #tpu.memory_space<hbm>>) dst(%dma_wait3A_174 : memref<128x64xf32, #tpu.memory_space<vmem>>)
        %jit3A_180 = arith.constant 2 : i32
        %div3A = arith.divsi %add3A_17, %jit3A_180 : i32
        %sign3A = arith.constant 0 : i32
        %sign3A_181 = arith.cmpi sgt, %add3A_17, %sign3A : i32
        %sign3A_182 = arith.extui %sign3A_181 : i1 to i32
        %sign3A_183 = arith.constant 0 : i32
        %sign3A_184 = arith.cmpi slt, %add3A_17, %sign3A_183 : i32
        %sign3A_185 = arith.extui %sign3A_184 : i1 to i32
        %sign3A_186 = arith.subi %sign3A_182, %sign3A_185 : i32
        %sign3A_187 = arith.constant 0 : i32
        %sign3A_188 = arith.cmpi sgt, %jit3A_180, %sign3A_187 : i32
        %sign3A_189 = arith.extui %sign3A_188 : i1 to i32
        %sign3A_190 = arith.constant 0 : i32
        %sign3A_191 = arith.cmpi slt, %jit3A_180, %sign3A_190 : i32
        %sign3A_192 = arith.extui %sign3A_191 : i1 to i32
        %sign3A_193 = arith.subi %sign3A_189, %sign3A_192 : i32
        %ne3A = arith.cmpi ne, %sign3A_186, %sign3A_193 : i32
        %rem3A = arith.remsi %add3A_17, %jit3A_180 : i32
        %ne3A_194 = arith.constant 0 : i32
        %ne3A_195 = arith.cmpi ne, %rem3A, %ne3A_194 : i32
        %and3A = arith.andi %ne3A, %ne3A_195 : i1
        %sub3A = arith.constant 1 : i32
        %sub3A_196 = arith.subi %div3A, %sub3A : i32
        %select_n3A_197 = arith.select %and3A, %sub3A_196, %div3A : i32
        %mul3A_198 = arith.constant 1280 : i32
        %mul3A_199 = arith.muli %select_n3A_197, %mul3A_198 : i32
        %multiple_of3A_200 = tpu.assume_multiple %mul3A_199, 8 : i32
        %jit3A_201 = arith.constant 2 : i32
        %eq3A = arith.constant 0 : i32
        %eq3A_202 = arith.cmpi eq, %jit3A_201, %eq3A : i32
        %jit3A_203 = arith.constant 1 : i32
        %select_n3A_204 = arith.select %eq3A_202, %jit3A_203, %jit3A_201 : i32
        %rem3A_205 = arith.remsi %add3A_17, %select_n3A_204 : i32
        %ne3A_206 = arith.constant 0 : i32
        %ne3A_207 = arith.cmpi ne, %rem3A_205, %ne3A_206 : i32
        %lt3A_208 = arith.constant 0 : i32
        %lt3A_209 = arith.cmpi slt, %rem3A_205, %lt3A_208 : i32
        %lt3A_210 = arith.constant 0 : i32
        %lt3A_211 = arith.cmpi slt, %select_n3A_204, %lt3A_210 : i32
        %ne3A_212 = arith.xori %lt3A_209, %lt3A_211 : i1
        %and3A_213 = arith.andi %ne3A_212, %ne3A_207 : i1
        %add3A_214 = arith.addi %rem3A_205, %select_n3A_204 : i32
        %select_n3A_215 = arith.select %and3A_213, %add3A_214, %rem3A_205 : i32
        %mul3A_216 = arith.constant 64 : i32
        %mul3A_217 = arith.muli %select_n3A_215, %mul3A_216 : i32
        %multiple_of3A_218 = tpu.assume_multiple %mul3A_217, 8 : i32
        "tpu.region"() ({
          %run_scoped3A = tpu.sem_alloc : memref<!tpu.dma_semaphore, #tpu.memory_space<semaphore_mem>>
          %dma_start3A_219 = tpu.memref_slice %arg4[%multiple_of3A_200, %multiple_of3A_218] : memref<53760x128xf32, #tpu.memory_space<hbm>> -> memref<1280x64xf32, #tpu.memory_space<hbm>>
          %dma_start3A_220 = tpu.memref_slice %arg4[%multiple_of3A_200, %multiple_of3A_218] : memref<53760x128xf32, #tpu.memory_space<hbm>> -> memref<1280x64xf32, #tpu.memory_space<hbm>>
          tpu.enqueue_dma source(%arg6 : memref<1280x64xf32, #tpu.memory_space<vmem>>) target(%dma_start3A_220 : memref<1280x64xf32, #tpu.memory_space<hbm>>) target_semaphore(%run_scoped3A : memref<!tpu.dma_semaphore, #tpu.memory_space<semaphore_mem>>)
          %dma_wait3A_221 = tpu.memref_slice %arg4[%multiple_of3A_200, %multiple_of3A_218] : memref<53760x128xf32, #tpu.memory_space<hbm>> -> memref<1280x64xf32, #tpu.memory_space<hbm>>
          %dma_wait3A_222 = tpu.memref_slice %arg4[%multiple_of3A_200, %multiple_of3A_218] : memref<53760x128xf32, #tpu.memory_space<hbm>> -> memref<1280x64xf32, #tpu.memory_space<hbm>>
          tpu.wait_dma2 semaphore(%run_scoped3A : memref<!tpu.dma_semaphore, #tpu.memory_space<semaphore_mem>>) src(%arg6 : memref<1280x64xf32, #tpu.memory_space<vmem>>) dst(%dma_wait3A_222 : memref<1280x64xf32, #tpu.memory_space<hbm>>)
          tpu.yield
        }) : () -> ()
      } else {
      }
    }
    %scan3A_13 = arith.constant 3 : i32
    return
  }
}

#map = affine_map<(d0, d1) -> (0, 0)>
#map1 = affine_map<(d0, d1) -> (0)>
module attributes {stable_mosaic.version = 14 : i64} {
  func.func @gk(%arg0: i32, %arg1: i32, %arg2: memref<10000x64xf32, #tpu.memory_space<hbm>>, %arg3: memref<320000xi32, #tpu.memory_space<hbm>>, %arg4: memref<15360x128xf32, #tpu.memory_space<hbm>>, %arg5: memref<1280xi32, #tpu.memory_space<vmem>>, %arg6: memref<1280x64xf32, #tpu.memory_space<vmem>>, %arg7: memref<!tpu.dma_semaphore, #tpu.memory_space<semaphore_mem>>) attributes {dimension_semantics = [#tpu.dimension_semantics<core_parallel>, #tpu.dimension_semantics<subcore_parallel>], iteration_bounds = array<i64: 2, 16>, scalar_prefetch = 0 : i64, scratch_operands = 3 : i64, tpu.core_type = #tpu.core_type<sc_vector_subcore>, window_params = [{transform_indices = #map}, {transform_indices = #map1}, {transform_indices = #map}]} {
    %mul3A = arith.constant 2 : i32
    %mul3A_0 = arith.muli %arg1, %mul3A : i32
    %add3A = arith.addi %mul3A_0, %arg0 : i32
    %lt3A = arith.constant 24 : i32
    %lt3A_1 = arith.cmpi slt, %add3A, %lt3A : i32
    %jit3A = arith.constant 1 : i32
    %jit3A_2 = arith.constant 0 : i32
    %select_n3A = arith.select %lt3A_1, %jit3A, %jit3A_2 : i32
    %add3A_3 = arith.constant 0 : i32
    %add3A_4 = arith.addi %add3A_3, %select_n3A : i32
    %mul3A_5 = arith.constant 0 : i32
    %mul3A_6 = arith.muli %add3A, %mul3A_5 : i32
    %min3A = arith.constant 24 : i32
    %min3A_7 = arith.minsi %add3A, %min3A : i32
    %add3A_8 = arith.addi %mul3A_6, %min3A_7 : i32
    %scan3A = arith.constant 0 : i32
    %scan3A_9 = arith.constant 0 : i32
    %lt3A_10 = arith.cmpi slt, %scan3A_9, %add3A_4 : i32
    %convert_element_type3A = arith.extui %lt3A_10 : i1 to i32
    %cond3A = arith.constant 0 : i32
    %cond3A_11 = arith.cmpi ne, %convert_element_type3A, %cond3A : i32
    scf.if %cond3A_11 {
      %add3A_13 = arith.addi %add3A_8, %scan3A_9 : i32
      %add3A_14 = arith.constant 0 : i32
      %add3A_15 = arith.addi %add3A_14, %add3A_13 : i32
      %mul3A_16 = arith.constant 1280 : i32
      %mul3A_17 = arith.muli %add3A_15, %mul3A_16 : i32
      %multiple_of3A = tpu.assume_multiple %mul3A_17, 8 : i32
      "tpu.region"() ({
        %run_scoped3A = tpu.sem_alloc : memref<!tpu.dma_semaphore, #tpu.memory_space<semaphore_mem>>
        %dma_start3A_215 = tpu.memref_slice %arg3[%multiple_of3A] : memref<320000xi32, #tpu.memory_space<hbm>> -> memref<1280xi32, #tpu.memory_space<hbm>>
        %dma_start3A_216 = tpu.memref_slice %arg3[%multiple_of3A] : memref<320000xi32, #tpu.memory_space<hbm>> -> memref<1280xi32, #tpu.memory_space<hbm>>
        tpu.enqueue_dma source(%dma_start3A_216 : memref<1280xi32, #tpu.memory_space<hbm>>) target(%arg5 : memref<1280xi32, #tpu.memory_space<vmem>>) target_semaphore(%run_scoped3A : memref<!tpu.dma_semaphore, #tpu.memory_space<semaphore_mem>>)
        %dma_wait3A_217 = tpu.memref_slice %arg3[%multiple_of3A] : memref<320000xi32, #tpu.memory_space<hbm>> -> memref<1280xi32, #tpu.memory_space<hbm>>
        %dma_wait3A_218 = tpu.memref_slice %arg3[%multiple_of3A] : memref<320000xi32, #tpu.memory_space<hbm>> -> memref<1280xi32, #tpu.memory_space<hbm>>
        tpu.wait_dma2 semaphore(%run_scoped3A : memref<!tpu.dma_semaphore, #tpu.memory_space<semaphore_mem>>) src(%dma_wait3A_218 : memref<1280xi32, #tpu.memory_space<hbm>>) dst(%arg5 : memref<1280xi32, #tpu.memory_space<vmem>>)
        tpu.yield
      }) : () -> ()
      %dma_start3A = arith.constant 0 : i32
      %dma_start3A_18 = arith.constant 0 : i32
      %dma_start3A_19 = tpu.memref_slice %arg6[%dma_start3A, %dma_start3A_18] : memref<1280x64xf32, #tpu.memory_space<vmem>> -> memref<128x64xf32, #tpu.memory_space<vmem>>
      %dma_start3A_20 = arith.constant 0 : i32
      %dma_start3A_21 = tpu.memref_slice %arg5[%dma_start3A_20] : memref<1280xi32, #tpu.memory_space<vmem>> -> memref<128xi32, #tpu.memory_space<vmem>>
      %dma_start3A_22 = arith.constant 0 : i32
      %dma_start3A_23 = arith.constant 0 : i32
      %dma_start3A_24 = tpu.memref_slice %arg2[%dma_start3A_22, %dma_start3A_23] : memref<10000x64xf32, #tpu.memory_space<hbm>> -> memref<10000x64xf32, #tpu.memory_space<hbm>>
      tpu.enqueue_indirect_dma source(%dma_start3A_24 : memref<10000x64xf32, #tpu.memory_space<hbm>>) target(%dma_start3A_19 : memref<128x64xf32, #tpu.memory_space<vmem>>) offsets(%dma_start3A_21 : memref<128xi32, #tpu.memory_space<vmem>>) semaphore(%arg7 : memref<!tpu.dma_semaphore, #tpu.memory_space<semaphore_mem>>)
      %dma_start3A_25 = arith.constant 128 : i32
      %dma_start3A_26 = arith.constant 0 : i32
      %dma_start3A_27 = tpu.memref_slice %arg6[%dma_start3A_25, %dma_start3A_26] : memref<1280x64xf32, #tpu.memory_space<vmem>> -> memref<128x64xf32, #tpu.memory_space<vmem>>
      %dma_start3A_28 = arith.constant 128 : i32
      %dma_start3A_29 = tpu.memref_slice %arg5[%dma_start3A_28] : memref<1280xi32, #tpu.memory_space<vmem>> -> memref<128xi32, #tpu.memory_space<vmem>>
      %dma_start3A_30 = arith.constant 0 : i32
      %dma_start3A_31 = arith.constant 0 : i32
      %dma_start3A_32 = tpu.memref_slice %arg2[%dma_start3A_30, %dma_start3A_31] : memref<10000x64xf32, #tpu.memory_space<hbm>> -> memref<10000x64xf32, #tpu.memory_space<hbm>>
      tpu.enqueue_indirect_dma source(%dma_start3A_32 : memref<10000x64xf32, #tpu.memory_space<hbm>>) target(%dma_start3A_27 : memref<128x64xf32, #tpu.memory_space<vmem>>) offsets(%dma_start3A_29 : memref<128xi32, #tpu.memory_space<vmem>>) semaphore(%arg7 : memref<!tpu.dma_semaphore, #tpu.memory_space<semaphore_mem>>)
      %dma_start3A_33 = arith.constant 256 : i32
      %dma_start3A_34 = arith.constant 0 : i32
      %dma_start3A_35 = tpu.memref_slice %arg6[%dma_start3A_33, %dma_start3A_34] : memref<1280x64xf32, #tpu.memory_space<vmem>> -> memref<128x64xf32, #tpu.memory_space<vmem>>
      %dma_start3A_36 = arith.constant 256 : i32
      %dma_start3A_37 = tpu.memref_slice %arg5[%dma_start3A_36] : memref<1280xi32, #tpu.memory_space<vmem>> -> memref<128xi32, #tpu.memory_space<vmem>>
      %dma_start3A_38 = arith.constant 0 : i32
      %dma_start3A_39 = arith.constant 0 : i32
      %dma_start3A_40 = tpu.memref_slice %arg2[%dma_start3A_38, %dma_start3A_39] : memref<10000x64xf32, #tpu.memory_space<hbm>> -> memref<10000x64xf32, #tpu.memory_space<hbm>>
      tpu.enqueue_indirect_dma source(%dma_start3A_40 : memref<10000x64xf32, #tpu.memory_space<hbm>>) target(%dma_start3A_35 : memref<128x64xf32, #tpu.memory_space<vmem>>) offsets(%dma_start3A_37 : memref<128xi32, #tpu.memory_space<vmem>>) semaphore(%arg7 : memref<!tpu.dma_semaphore, #tpu.memory_space<semaphore_mem>>)
      %dma_start3A_41 = arith.constant 384 : i32
      %dma_start3A_42 = arith.constant 0 : i32
      %dma_start3A_43 = tpu.memref_slice %arg6[%dma_start3A_41, %dma_start3A_42] : memref<1280x64xf32, #tpu.memory_space<vmem>> -> memref<128x64xf32, #tpu.memory_space<vmem>>
      %dma_start3A_44 = arith.constant 384 : i32
      %dma_start3A_45 = tpu.memref_slice %arg5[%dma_start3A_44] : memref<1280xi32, #tpu.memory_space<vmem>> -> memref<128xi32, #tpu.memory_space<vmem>>
      %dma_start3A_46 = arith.constant 0 : i32
      %dma_start3A_47 = arith.constant 0 : i32
      %dma_start3A_48 = tpu.memref_slice %arg2[%dma_start3A_46, %dma_start3A_47] : memref<10000x64xf32, #tpu.memory_space<hbm>> -> memref<10000x64xf32, #tpu.memory_space<hbm>>
      tpu.enqueue_indirect_dma source(%dma_start3A_48 : memref<10000x64xf32, #tpu.memory_space<hbm>>) target(%dma_start3A_43 : memref<128x64xf32, #tpu.memory_space<vmem>>) offsets(%dma_start3A_45 : memref<128xi32, #tpu.memory_space<vmem>>) semaphore(%arg7 : memref<!tpu.dma_semaphore, #tpu.memory_space<semaphore_mem>>)
      %dma_start3A_49 = arith.constant 512 : i32
      %dma_start3A_50 = arith.constant 0 : i32
      %dma_start3A_51 = tpu.memref_slice %arg6[%dma_start3A_49, %dma_start3A_50] : memref<1280x64xf32, #tpu.memory_space<vmem>> -> memref<128x64xf32, #tpu.memory_space<vmem>>
      %dma_start3A_52 = arith.constant 512 : i32
      %dma_start3A_53 = tpu.memref_slice %arg5[%dma_start3A_52] : memref<1280xi32, #tpu.memory_space<vmem>> -> memref<128xi32, #tpu.memory_space<vmem>>
      %dma_start3A_54 = arith.constant 0 : i32
      %dma_start3A_55 = arith.constant 0 : i32
      %dma_start3A_56 = tpu.memref_slice %arg2[%dma_start3A_54, %dma_start3A_55] : memref<10000x64xf32, #tpu.memory_space<hbm>> -> memref<10000x64xf32, #tpu.memory_space<hbm>>
      tpu.enqueue_indirect_dma source(%dma_start3A_56 : memref<10000x64xf32, #tpu.memory_space<hbm>>) target(%dma_start3A_51 : memref<128x64xf32, #tpu.memory_space<vmem>>) offsets(%dma_start3A_53 : memref<128xi32, #tpu.memory_space<vmem>>) semaphore(%arg7 : memref<!tpu.dma_semaphore, #tpu.memory_space<semaphore_mem>>)
      %dma_start3A_57 = arith.constant 640 : i32
      %dma_start3A_58 = arith.constant 0 : i32
      %dma_start3A_59 = tpu.memref_slice %arg6[%dma_start3A_57, %dma_start3A_58] : memref<1280x64xf32, #tpu.memory_space<vmem>> -> memref<128x64xf32, #tpu.memory_space<vmem>>
      %dma_start3A_60 = arith.constant 640 : i32
      %dma_start3A_61 = tpu.memref_slice %arg5[%dma_start3A_60] : memref<1280xi32, #tpu.memory_space<vmem>> -> memref<128xi32, #tpu.memory_space<vmem>>
      %dma_start3A_62 = arith.constant 0 : i32
      %dma_start3A_63 = arith.constant 0 : i32
      %dma_start3A_64 = tpu.memref_slice %arg2[%dma_start3A_62, %dma_start3A_63] : memref<10000x64xf32, #tpu.memory_space<hbm>> -> memref<10000x64xf32, #tpu.memory_space<hbm>>
      tpu.enqueue_indirect_dma source(%dma_start3A_64 : memref<10000x64xf32, #tpu.memory_space<hbm>>) target(%dma_start3A_59 : memref<128x64xf32, #tpu.memory_space<vmem>>) offsets(%dma_start3A_61 : memref<128xi32, #tpu.memory_space<vmem>>) semaphore(%arg7 : memref<!tpu.dma_semaphore, #tpu.memory_space<semaphore_mem>>)
      %dma_start3A_65 = arith.constant 768 : i32
      %dma_start3A_66 = arith.constant 0 : i32
      %dma_start3A_67 = tpu.memref_slice %arg6[%dma_start3A_65, %dma_start3A_66] : memref<1280x64xf32, #tpu.memory_space<vmem>> -> memref<128x64xf32, #tpu.memory_space<vmem>>
      %dma_start3A_68 = arith.constant 768 : i32
      %dma_start3A_69 = tpu.memref_slice %arg5[%dma_start3A_68] : memref<1280xi32, #tpu.memory_space<vmem>> -> memref<128xi32, #tpu.memory_space<vmem>>
      %dma_start3A_70 = arith.constant 0 : i32
      %dma_start3A_71 = arith.constant 0 : i32
      %dma_start3A_72 = tpu.memref_slice %arg2[%dma_start3A_70, %dma_start3A_71] : memref<10000x64xf32, #tpu.memory_space<hbm>> -> memref<10000x64xf32, #tpu.memory_space<hbm>>
      tpu.enqueue_indirect_dma source(%dma_start3A_72 : memref<10000x64xf32, #tpu.memory_space<hbm>>) target(%dma_start3A_67 : memref<128x64xf32, #tpu.memory_space<vmem>>) offsets(%dma_start3A_69 : memref<128xi32, #tpu.memory_space<vmem>>) semaphore(%arg7 : memref<!tpu.dma_semaphore, #tpu.memory_space<semaphore_mem>>)
      %dma_start3A_73 = arith.constant 896 : i32
      %dma_start3A_74 = arith.constant 0 : i32
      %dma_start3A_75 = tpu.memref_slice %arg6[%dma_start3A_73, %dma_start3A_74] : memref<1280x64xf32, #tpu.memory_space<vmem>> -> memref<128x64xf32, #tpu.memory_space<vmem>>
      %dma_start3A_76 = arith.constant 896 : i32
      %dma_start3A_77 = tpu.memref_slice %arg5[%dma_start3A_76] : memref<1280xi32, #tpu.memory_space<vmem>> -> memref<128xi32, #tpu.memory_space<vmem>>
      %dma_start3A_78 = arith.constant 0 : i32
      %dma_start3A_79 = arith.constant 0 : i32
      %dma_start3A_80 = tpu.memref_slice %arg2[%dma_start3A_78, %dma_start3A_79] : memref<10000x64xf32, #tpu.memory_space<hbm>> -> memref<10000x64xf32, #tpu.memory_space<hbm>>
      tpu.enqueue_indirect_dma source(%dma_start3A_80 : memref<10000x64xf32, #tpu.memory_space<hbm>>) target(%dma_start3A_75 : memref<128x64xf32, #tpu.memory_space<vmem>>) offsets(%dma_start3A_77 : memref<128xi32, #tpu.memory_space<vmem>>) semaphore(%arg7 : memref<!tpu.dma_semaphore, #tpu.memory_space<semaphore_mem>>)
      %dma_start3A_81 = arith.constant 1024 : i32
      %dma_start3A_82 = arith.constant 0 : i32
      %dma_start3A_83 = tpu.memref_slice %arg6[%dma_start3A_81, %dma_start3A_82] : memref<1280x64xf32, #tpu.memory_space<vmem>> -> memref<128x64xf32, #tpu.memory_space<vmem>>
      %dma_start3A_84 = arith.constant 1024 : i32
      %dma_start3A_85 = tpu.memref_slice %arg5[%dma_start3A_84] : memref<1280xi32, #tpu.memory_space<vmem>> -> memref<128xi32, #tpu.memory_space<vmem>>
      %dma_start3A_86 = arith.constant 0 : i32
      %dma_start3A_87 = arith.constant 0 : i32
      %dma_start3A_88 = tpu.memref_slice %arg2[%dma_start3A_86, %dma_start3A_87] : memref<10000x64xf32, #tpu.memory_space<hbm>> -> memref<10000x64xf32, #tpu.memory_space<hbm>>
      tpu.enqueue_indirect_dma source(%dma_start3A_88 : memref<10000x64xf32, #tpu.memory_space<hbm>>) target(%dma_start3A_83 : memref<128x64xf32, #tpu.memory_space<vmem>>) offsets(%dma_start3A_85 : memref<128xi32, #tpu.memory_space<vmem>>) semaphore(%arg7 : memref<!tpu.dma_semaphore, #tpu.memory_space<semaphore_mem>>)
      %dma_start3A_89 = arith.constant 1152 : i32
      %dma_start3A_90 = arith.constant 0 : i32
      %dma_start3A_91 = tpu.memref_slice %arg6[%dma_start3A_89, %dma_start3A_90] : memref<1280x64xf32, #tpu.memory_space<vmem>> -> memref<128x64xf32, #tpu.memory_space<vmem>>
      %dma_start3A_92 = arith.constant 1152 : i32
      %dma_start3A_93 = tpu.memref_slice %arg5[%dma_start3A_92] : memref<1280xi32, #tpu.memory_space<vmem>> -> memref<128xi32, #tpu.memory_space<vmem>>
      %dma_start3A_94 = arith.constant 0 : i32
      %dma_start3A_95 = arith.constant 0 : i32
      %dma_start3A_96 = tpu.memref_slice %arg2[%dma_start3A_94, %dma_start3A_95] : memref<10000x64xf32, #tpu.memory_space<hbm>> -> memref<10000x64xf32, #tpu.memory_space<hbm>>
      tpu.enqueue_indirect_dma source(%dma_start3A_96 : memref<10000x64xf32, #tpu.memory_space<hbm>>) target(%dma_start3A_91 : memref<128x64xf32, #tpu.memory_space<vmem>>) offsets(%dma_start3A_93 : memref<128xi32, #tpu.memory_space<vmem>>) semaphore(%arg7 : memref<!tpu.dma_semaphore, #tpu.memory_space<semaphore_mem>>)
      %dma_wait3A = arith.constant 0 : i32
      %dma_wait3A_97 = arith.constant 0 : i32
      %dma_wait3A_98 = tpu.memref_slice %arg6[%dma_wait3A, %dma_wait3A_97] : memref<1280x64xf32, #tpu.memory_space<vmem>> -> memref<128x64xf32, #tpu.memory_space<vmem>>
      %dma_wait3A_99 = arith.constant 0 : i32
      %dma_wait3A_100 = tpu.memref_slice %arg5[%dma_wait3A_99] : memref<1280xi32, #tpu.memory_space<vmem>> -> memref<128xi32, #tpu.memory_space<vmem>>
      %dma_wait3A_101 = arith.constant 0 : i32
      %dma_wait3A_102 = arith.constant 0 : i32
      %dma_wait3A_103 = tpu.memref_slice %arg2[%dma_wait3A_101, %dma_wait3A_102] : memref<10000x64xf32, #tpu.memory_space<hbm>> -> memref<10000x64xf32, #tpu.memory_space<hbm>>
      tpu.wait_indirect_dma semaphore(%arg7 : memref<!tpu.dma_semaphore, #tpu.memory_space<semaphore_mem>>) src(%dma_wait3A_103 : memref<10000x64xf32, #tpu.memory_space<hbm>>) dst(%dma_wait3A_98 : memref<128x64xf32, #tpu.memory_space<vmem>>)
      %dma_wait3A_104 = arith.constant 128 : i32
      %dma_wait3A_105 = arith.constant 0 : i32
      %dma_wait3A_106 = tpu.memref_slice %arg6[%dma_wait3A_104, %dma_wait3A_105] : memref<1280x64xf32, #tpu.memory_space<vmem>> -> memref<128x64xf32, #tpu.memory_space<vmem>>
      %dma_wait3A_107 = arith.constant 128 : i32
      %dma_wait3A_108 = tpu.memref_slice %arg5[%dma_wait3A_107] : memref<1280xi32, #tpu.memory_space<vmem>> -> memref<128xi32, #tpu.memory_space<vmem>>
      %dma_wait3A_109 = arith.constant 0 : i32
      %dma_wait3A_110 = arith.constant 0 : i32
      %dma_wait3A_111 = tpu.memref_slice %arg2[%dma_wait3A_109, %dma_wait3A_110] : memref<10000x64xf32, #tpu.memory_space<hbm>> -> memref<10000x64xf32, #tpu.memory_space<hbm>>
      tpu.wait_indirect_dma semaphore(%arg7 : memref<!tpu.dma_semaphore, #tpu.memory_space<semaphore_mem>>) src(%dma_wait3A_111 : memref<10000x64xf32, #tpu.memory_space<hbm>>) dst(%dma_wait3A_106 : memref<128x64xf32, #tpu.memory_space<vmem>>)
      %dma_wait3A_112 = arith.constant 256 : i32
      %dma_wait3A_113 = arith.constant 0 : i32
      %dma_wait3A_114 = tpu.memref_slice %arg6[%dma_wait3A_112, %dma_wait3A_113] : memref<1280x64xf32, #tpu.memory_space<vmem>> -> memref<128x64xf32, #tpu.memory_space<vmem>>
      %dma_wait3A_115 = arith.constant 256 : i32
      %dma_wait3A_116 = tpu.memref_slice %arg5[%dma_wait3A_115] : memref<1280xi32, #tpu.memory_space<vmem>> -> memref<128xi32, #tpu.memory_space<vmem>>
      %dma_wait3A_117 = arith.constant 0 : i32
      %dma_wait3A_118 = arith.constant 0 : i32
      %dma_wait3A_119 = tpu.memref_slice %arg2[%dma_wait3A_117, %dma_wait3A_118] : memref<10000x64xf32, #tpu.memory_space<hbm>> -> memref<10000x64xf32, #tpu.memory_space<hbm>>
      tpu.wait_indirect_dma semaphore(%arg7 : memref<!tpu.dma_semaphore, #tpu.memory_space<semaphore_mem>>) src(%dma_wait3A_119 : memref<10000x64xf32, #tpu.memory_space<hbm>>) dst(%dma_wait3A_114 : memref<128x64xf32, #tpu.memory_space<vmem>>)
      %dma_wait3A_120 = arith.constant 384 : i32
      %dma_wait3A_121 = arith.constant 0 : i32
      %dma_wait3A_122 = tpu.memref_slice %arg6[%dma_wait3A_120, %dma_wait3A_121] : memref<1280x64xf32, #tpu.memory_space<vmem>> -> memref<128x64xf32, #tpu.memory_space<vmem>>
      %dma_wait3A_123 = arith.constant 384 : i32
      %dma_wait3A_124 = tpu.memref_slice %arg5[%dma_wait3A_123] : memref<1280xi32, #tpu.memory_space<vmem>> -> memref<128xi32, #tpu.memory_space<vmem>>
      %dma_wait3A_125 = arith.constant 0 : i32
      %dma_wait3A_126 = arith.constant 0 : i32
      %dma_wait3A_127 = tpu.memref_slice %arg2[%dma_wait3A_125, %dma_wait3A_126] : memref<10000x64xf32, #tpu.memory_space<hbm>> -> memref<10000x64xf32, #tpu.memory_space<hbm>>
      tpu.wait_indirect_dma semaphore(%arg7 : memref<!tpu.dma_semaphore, #tpu.memory_space<semaphore_mem>>) src(%dma_wait3A_127 : memref<10000x64xf32, #tpu.memory_space<hbm>>) dst(%dma_wait3A_122 : memref<128x64xf32, #tpu.memory_space<vmem>>)
      %dma_wait3A_128 = arith.constant 512 : i32
      %dma_wait3A_129 = arith.constant 0 : i32
      %dma_wait3A_130 = tpu.memref_slice %arg6[%dma_wait3A_128, %dma_wait3A_129] : memref<1280x64xf32, #tpu.memory_space<vmem>> -> memref<128x64xf32, #tpu.memory_space<vmem>>
      %dma_wait3A_131 = arith.constant 512 : i32
      %dma_wait3A_132 = tpu.memref_slice %arg5[%dma_wait3A_131] : memref<1280xi32, #tpu.memory_space<vmem>> -> memref<128xi32, #tpu.memory_space<vmem>>
      %dma_wait3A_133 = arith.constant 0 : i32
      %dma_wait3A_134 = arith.constant 0 : i32
      %dma_wait3A_135 = tpu.memref_slice %arg2[%dma_wait3A_133, %dma_wait3A_134] : memref<10000x64xf32, #tpu.memory_space<hbm>> -> memref<10000x64xf32, #tpu.memory_space<hbm>>
      tpu.wait_indirect_dma semaphore(%arg7 : memref<!tpu.dma_semaphore, #tpu.memory_space<semaphore_mem>>) src(%dma_wait3A_135 : memref<10000x64xf32, #tpu.memory_space<hbm>>) dst(%dma_wait3A_130 : memref<128x64xf32, #tpu.memory_space<vmem>>)
      %dma_wait3A_136 = arith.constant 640 : i32
      %dma_wait3A_137 = arith.constant 0 : i32
      %dma_wait3A_138 = tpu.memref_slice %arg6[%dma_wait3A_136, %dma_wait3A_137] : memref<1280x64xf32, #tpu.memory_space<vmem>> -> memref<128x64xf32, #tpu.memory_space<vmem>>
      %dma_wait3A_139 = arith.constant 640 : i32
      %dma_wait3A_140 = tpu.memref_slice %arg5[%dma_wait3A_139] : memref<1280xi32, #tpu.memory_space<vmem>> -> memref<128xi32, #tpu.memory_space<vmem>>
      %dma_wait3A_141 = arith.constant 0 : i32
      %dma_wait3A_142 = arith.constant 0 : i32
      %dma_wait3A_143 = tpu.memref_slice %arg2[%dma_wait3A_141, %dma_wait3A_142] : memref<10000x64xf32, #tpu.memory_space<hbm>> -> memref<10000x64xf32, #tpu.memory_space<hbm>>
      tpu.wait_indirect_dma semaphore(%arg7 : memref<!tpu.dma_semaphore, #tpu.memory_space<semaphore_mem>>) src(%dma_wait3A_143 : memref<10000x64xf32, #tpu.memory_space<hbm>>) dst(%dma_wait3A_138 : memref<128x64xf32, #tpu.memory_space<vmem>>)
      %dma_wait3A_144 = arith.constant 768 : i32
      %dma_wait3A_145 = arith.constant 0 : i32
      %dma_wait3A_146 = tpu.memref_slice %arg6[%dma_wait3A_144, %dma_wait3A_145] : memref<1280x64xf32, #tpu.memory_space<vmem>> -> memref<128x64xf32, #tpu.memory_space<vmem>>
      %dma_wait3A_147 = arith.constant 768 : i32
      %dma_wait3A_148 = tpu.memref_slice %arg5[%dma_wait3A_147] : memref<1280xi32, #tpu.memory_space<vmem>> -> memref<128xi32, #tpu.memory_space<vmem>>
      %dma_wait3A_149 = arith.constant 0 : i32
      %dma_wait3A_150 = arith.constant 0 : i32
      %dma_wait3A_151 = tpu.memref_slice %arg2[%dma_wait3A_149, %dma_wait3A_150] : memref<10000x64xf32, #tpu.memory_space<hbm>> -> memref<10000x64xf32, #tpu.memory_space<hbm>>
      tpu.wait_indirect_dma semaphore(%arg7 : memref<!tpu.dma_semaphore, #tpu.memory_space<semaphore_mem>>) src(%dma_wait3A_151 : memref<10000x64xf32, #tpu.memory_space<hbm>>) dst(%dma_wait3A_146 : memref<128x64xf32, #tpu.memory_space<vmem>>)
      %dma_wait3A_152 = arith.constant 896 : i32
      %dma_wait3A_153 = arith.constant 0 : i32
      %dma_wait3A_154 = tpu.memref_slice %arg6[%dma_wait3A_152, %dma_wait3A_153] : memref<1280x64xf32, #tpu.memory_space<vmem>> -> memref<128x64xf32, #tpu.memory_space<vmem>>
      %dma_wait3A_155 = arith.constant 896 : i32
      %dma_wait3A_156 = tpu.memref_slice %arg5[%dma_wait3A_155] : memref<1280xi32, #tpu.memory_space<vmem>> -> memref<128xi32, #tpu.memory_space<vmem>>
      %dma_wait3A_157 = arith.constant 0 : i32
      %dma_wait3A_158 = arith.constant 0 : i32
      %dma_wait3A_159 = tpu.memref_slice %arg2[%dma_wait3A_157, %dma_wait3A_158] : memref<10000x64xf32, #tpu.memory_space<hbm>> -> memref<10000x64xf32, #tpu.memory_space<hbm>>
      tpu.wait_indirect_dma semaphore(%arg7 : memref<!tpu.dma_semaphore, #tpu.memory_space<semaphore_mem>>) src(%dma_wait3A_159 : memref<10000x64xf32, #tpu.memory_space<hbm>>) dst(%dma_wait3A_154 : memref<128x64xf32, #tpu.memory_space<vmem>>)
      %dma_wait3A_160 = arith.constant 1024 : i32
      %dma_wait3A_161 = arith.constant 0 : i32
      %dma_wait3A_162 = tpu.memref_slice %arg6[%dma_wait3A_160, %dma_wait3A_161] : memref<1280x64xf32, #tpu.memory_space<vmem>> -> memref<128x64xf32, #tpu.memory_space<vmem>>
      %dma_wait3A_163 = arith.constant 1024 : i32
      %dma_wait3A_164 = tpu.memref_slice %arg5[%dma_wait3A_163] : memref<1280xi32, #tpu.memory_space<vmem>> -> memref<128xi32, #tpu.memory_space<vmem>>
      %dma_wait3A_165 = arith.constant 0 : i32
      %dma_wait3A_166 = arith.constant 0 : i32
      %dma_wait3A_167 = tpu.memref_slice %arg2[%dma_wait3A_165, %dma_wait3A_166] : memref<10000x64xf32, #tpu.memory_space<hbm>> -> memref<10000x64xf32, #tpu.memory_space<hbm>>
      tpu.wait_indirect_dma semaphore(%arg7 : memref<!tpu.dma_semaphore, #tpu.memory_space<semaphore_mem>>) src(%dma_wait3A_167 : memref<10000x64xf32, #tpu.memory_space<hbm>>) dst(%dma_wait3A_162 : memref<128x64xf32, #tpu.memory_space<vmem>>)
      %dma_wait3A_168 = arith.constant 1152 : i32
      %dma_wait3A_169 = arith.constant 0 : i32
      %dma_wait3A_170 = tpu.memref_slice %arg6[%dma_wait3A_168, %dma_wait3A_169] : memref<1280x64xf32, #tpu.memory_space<vmem>> -> memref<128x64xf32, #tpu.memory_space<vmem>>
      %dma_wait3A_171 = arith.constant 1152 : i32
      %dma_wait3A_172 = tpu.memref_slice %arg5[%dma_wait3A_171] : memref<1280xi32, #tpu.memory_space<vmem>> -> memref<128xi32, #tpu.memory_space<vmem>>
      %dma_wait3A_173 = arith.constant 0 : i32
      %dma_wait3A_174 = arith.constant 0 : i32
      %dma_wait3A_175 = tpu.memref_slice %arg2[%dma_wait3A_173, %dma_wait3A_174] : memref<10000x64xf32, #tpu.memory_space<hbm>> -> memref<10000x64xf32, #tpu.memory_space<hbm>>
      tpu.wait_indirect_dma semaphore(%arg7 : memref<!tpu.dma_semaphore, #tpu.memory_space<semaphore_mem>>) src(%dma_wait3A_175 : memref<10000x64xf32, #tpu.memory_space<hbm>>) dst(%dma_wait3A_170 : memref<128x64xf32, #tpu.memory_space<vmem>>)
      %jit3A_176 = arith.constant 2 : i32
      %div3A = arith.divsi %add3A_13, %jit3A_176 : i32
      %sign3A = arith.constant 0 : i32
      %sign3A_177 = arith.cmpi sgt, %add3A_13, %sign3A : i32
      %sign3A_178 = arith.extui %sign3A_177 : i1 to i32
      %sign3A_179 = arith.constant 0 : i32
      %sign3A_180 = arith.cmpi slt, %add3A_13, %sign3A_179 : i32
      %sign3A_181 = arith.extui %sign3A_180 : i1 to i32
      %sign3A_182 = arith.subi %sign3A_178, %sign3A_181 : i32
      %sign3A_183 = arith.constant 0 : i32
      %sign3A_184 = arith.cmpi sgt, %jit3A_176, %sign3A_183 : i32
      %sign3A_185 = arith.extui %sign3A_184 : i1 to i32
      %sign3A_186 = arith.constant 0 : i32
      %sign3A_187 = arith.cmpi slt, %jit3A_176, %sign3A_186 : i32
      %sign3A_188 = arith.extui %sign3A_187 : i1 to i32
      %sign3A_189 = arith.subi %sign3A_185, %sign3A_188 : i32
      %ne3A = arith.cmpi ne, %sign3A_182, %sign3A_189 : i32
      %rem3A = arith.remsi %add3A_13, %jit3A_176 : i32
      %ne3A_190 = arith.constant 0 : i32
      %ne3A_191 = arith.cmpi ne, %rem3A, %ne3A_190 : i32
      %and3A = arith.andi %ne3A, %ne3A_191 : i1
      %sub3A = arith.constant 1 : i32
      %sub3A_192 = arith.subi %div3A, %sub3A : i32
      %select_n3A_193 = arith.select %and3A, %sub3A_192, %div3A : i32
      %mul3A_194 = arith.constant 1280 : i32
      %mul3A_195 = arith.muli %select_n3A_193, %mul3A_194 : i32
      %multiple_of3A_196 = tpu.assume_multiple %mul3A_195, 8 : i32
      %jit3A_197 = arith.constant 2 : i32
      %eq3A = arith.constant 0 : i32
      %eq3A_198 = arith.cmpi eq, %jit3A_197, %eq3A : i32
      %jit3A_199 = arith.constant 1 : i32
      %select_n3A_200 = arith.select %eq3A_198, %jit3A_199, %jit3A_197 : i32
      %rem3A_201 = arith.remsi %add3A_13, %select_n3A_200 : i32
      %ne3A_202 = arith.constant 0 : i32
      %ne3A_203 = arith.cmpi ne, %rem3A_201, %ne3A_202 : i32
      %lt3A_204 = arith.constant 0 : i32
      %lt3A_205 = arith.cmpi slt, %rem3A_201, %lt3A_204 : i32
      %lt3A_206 = arith.constant 0 : i32
      %lt3A_207 = arith.cmpi slt, %select_n3A_200, %lt3A_206 : i32
      %ne3A_208 = arith.xori %lt3A_205, %lt3A_207 : i1
      %and3A_209 = arith.andi %ne3A_208, %ne3A_203 : i1
      %add3A_210 = arith.addi %rem3A_201, %select_n3A_200 : i32
      %select_n3A_211 = arith.select %and3A_209, %add3A_210, %rem3A_201 : i32
      %mul3A_212 = arith.constant 64 : i32
      %mul3A_213 = arith.muli %select_n3A_211, %mul3A_212 : i32
      %multiple_of3A_214 = tpu.assume_multiple %mul3A_213, 8 : i32
      "tpu.region"() ({
        %run_scoped3A = tpu.sem_alloc : memref<!tpu.dma_semaphore, #tpu.memory_space<semaphore_mem>>
        %dma_start3A_215 = tpu.memref_slice %arg4[%multiple_of3A_196, %multiple_of3A_214] : memref<15360x128xf32, #tpu.memory_space<hbm>> -> memref<1280x64xf32, #tpu.memory_space<hbm>>
        %dma_start3A_216 = tpu.memref_slice %arg4[%multiple_of3A_196, %multiple_of3A_214] : memref<15360x128xf32, #tpu.memory_space<hbm>> -> memref<1280x64xf32, #tpu.memory_space<hbm>>
        tpu.enqueue_dma source(%arg6 : memref<1280x64xf32, #tpu.memory_space<vmem>>) target(%dma_start3A_216 : memref<1280x64xf32, #tpu.memory_space<hbm>>) target_semaphore(%run_scoped3A : memref<!tpu.dma_semaphore, #tpu.memory_space<semaphore_mem>>)
        %dma_wait3A_217 = tpu.memref_slice %arg4[%multiple_of3A_196, %multiple_of3A_214] : memref<15360x128xf32, #tpu.memory_space<hbm>> -> memref<1280x64xf32, #tpu.memory_space<hbm>>
        %dma_wait3A_218 = tpu.memref_slice %arg4[%multiple_of3A_196, %multiple_of3A_214] : memref<15360x128xf32, #tpu.memory_space<hbm>> -> memref<1280x64xf32, #tpu.memory_space<hbm>>
        tpu.wait_dma2 semaphore(%run_scoped3A : memref<!tpu.dma_semaphore, #tpu.memory_space<semaphore_mem>>) src(%arg6 : memref<1280x64xf32, #tpu.memory_space<vmem>>) dst(%dma_wait3A_218 : memref<1280x64xf32, #tpu.memory_space<hbm>>)
        tpu.yield
      }) : () -> ()
    } else {
    }
    %scan3A_12 = arith.constant 1 : i32
    return
  }
}

#map = affine_map<(d0, d1) -> (0, 0)>
#map1 = affine_map<(d0, d1) -> (0)>
module attributes {stable_mosaic.version = 14 : i64} {
  func.func @gk(%arg0: i32, %arg1: i32, %arg2: memref<10000x64xf32, #tpu.memory_space<hbm>>, %arg3: memref<320000xi32, #tpu.memory_space<hbm>>, %arg4: memref<58880x128xf32, #tpu.memory_space<hbm>>, %arg5: memref<1280xi32, #tpu.memory_space<vmem>>, %arg6: memref<1280x64xf32, #tpu.memory_space<vmem>>, %arg7: memref<!tpu.dma_semaphore, #tpu.memory_space<semaphore_mem>>) attributes {dimension_semantics = [#tpu.dimension_semantics<core_parallel>, #tpu.dimension_semantics<subcore_parallel>], iteration_bounds = array<i64: 2, 16>, scalar_prefetch = 0 : i64, scratch_operands = 3 : i64, tpu.core_type = #tpu.core_type<sc_vector_subcore>, window_params = [{transform_indices = #map}, {transform_indices = #map1}, {transform_indices = #map}]} {
    %mul3A = arith.constant 2 : i32
    %mul3A_0 = arith.muli %arg1, %mul3A : i32
    %add3A = arith.addi %mul3A_0, %arg0 : i32
    %lt3A = arith.constant 28 : i32
    %lt3A_1 = arith.cmpi slt, %add3A, %lt3A : i32
    %jit3A = arith.constant 1 : i32
    %jit3A_2 = arith.constant 0 : i32
    %select_n3A = arith.select %lt3A_1, %jit3A, %jit3A_2 : i32
    %add3A_3 = arith.constant 2 : i32
    %add3A_4 = arith.addi %add3A_3, %select_n3A : i32
    %mul3A_5 = arith.constant 2 : i32
    %mul3A_6 = arith.muli %add3A, %mul3A_5 : i32
    %min3A = arith.constant 28 : i32
    %min3A_7 = arith.minsi %add3A, %min3A : i32
    %add3A_8 = arith.addi %mul3A_6, %min3A_7 : i32
    %scan3A = arith.constant 0 : i32
    %scan3A_9 = arith.constant 0 : i32
    %scan3A_10 = arith.constant 3 : i32
    %scan3A_11 = arith.addi %scan3A_9, %scan3A_10 : i32
    %scan3A_12 = arith.constant 1 : i32
    scf.for %scan3A_14 = %scan3A_9 to %scan3A_11 step %scan3A_12  : i32 {
      %lt3A_15 = arith.cmpi slt, %scan3A_14, %add3A_4 : i32
      %convert_element_type3A = arith.extui %lt3A_15 : i1 to i32
      %cond3A = arith.constant 0 : i32
      %cond3A_16 = arith.cmpi ne, %convert_element_type3A, %cond3A : i32
      scf.if %cond3A_16 {
        %add3A_17 = arith.addi %add3A_8, %scan3A_14 : i32
        %add3A_18 = arith.constant 158 : i32
        %add3A_19 = arith.addi %add3A_18, %add3A_17 : i32
        %mul3A_20 = arith.constant 1280 : i32
        %mul3A_21 = arith.muli %add3A_19, %mul3A_20 : i32
        %multiple_of3A = tpu.assume_multiple %mul3A_21, 8 : i32
        "tpu.region"() ({
          %run_scoped3A = tpu.sem_alloc : memref<!tpu.dma_semaphore, #tpu.memory_space<semaphore_mem>>
          %dma_start3A_219 = tpu.memref_slice %arg3[%multiple_of3A] : memref<320000xi32, #tpu.memory_space<hbm>> -> memref<1280xi32, #tpu.memory_space<hbm>>
          %dma_start3A_220 = tpu.memref_slice %arg3[%multiple_of3A] : memref<320000xi32, #tpu.memory_space<hbm>> -> memref<1280xi32, #tpu.memory_space<hbm>>
          tpu.enqueue_dma source(%dma_start3A_220 : memref<1280xi32, #tpu.memory_space<hbm>>) target(%arg5 : memref<1280xi32, #tpu.memory_space<vmem>>) target_semaphore(%run_scoped3A : memref<!tpu.dma_semaphore, #tpu.memory_space<semaphore_mem>>)
          %dma_wait3A_221 = tpu.memref_slice %arg3[%multiple_of3A] : memref<320000xi32, #tpu.memory_space<hbm>> -> memref<1280xi32, #tpu.memory_space<hbm>>
          %dma_wait3A_222 = tpu.memref_slice %arg3[%multiple_of3A] : memref<320000xi32, #tpu.memory_space<hbm>> -> memref<1280xi32, #tpu.memory_space<hbm>>
          tpu.wait_dma2 semaphore(%run_scoped3A : memref<!tpu.dma_semaphore, #tpu.memory_space<semaphore_mem>>) src(%dma_wait3A_222 : memref<1280xi32, #tpu.memory_space<hbm>>) dst(%arg5 : memref<1280xi32, #tpu.memory_space<vmem>>)
          tpu.yield
        }) : () -> ()
        %dma_start3A = arith.constant 0 : i32
        %dma_start3A_22 = arith.constant 0 : i32
        %dma_start3A_23 = tpu.memref_slice %arg6[%dma_start3A, %dma_start3A_22] : memref<1280x64xf32, #tpu.memory_space<vmem>> -> memref<128x64xf32, #tpu.memory_space<vmem>>
        %dma_start3A_24 = arith.constant 0 : i32
        %dma_start3A_25 = tpu.memref_slice %arg5[%dma_start3A_24] : memref<1280xi32, #tpu.memory_space<vmem>> -> memref<128xi32, #tpu.memory_space<vmem>>
        %dma_start3A_26 = arith.constant 0 : i32
        %dma_start3A_27 = arith.constant 0 : i32
        %dma_start3A_28 = tpu.memref_slice %arg2[%dma_start3A_26, %dma_start3A_27] : memref<10000x64xf32, #tpu.memory_space<hbm>> -> memref<10000x64xf32, #tpu.memory_space<hbm>>
        tpu.enqueue_indirect_dma source(%dma_start3A_28 : memref<10000x64xf32, #tpu.memory_space<hbm>>) target(%dma_start3A_23 : memref<128x64xf32, #tpu.memory_space<vmem>>) offsets(%dma_start3A_25 : memref<128xi32, #tpu.memory_space<vmem>>) semaphore(%arg7 : memref<!tpu.dma_semaphore, #tpu.memory_space<semaphore_mem>>)
        %dma_start3A_29 = arith.constant 128 : i32
        %dma_start3A_30 = arith.constant 0 : i32
        %dma_start3A_31 = tpu.memref_slice %arg6[%dma_start3A_29, %dma_start3A_30] : memref<1280x64xf32, #tpu.memory_space<vmem>> -> memref<128x64xf32, #tpu.memory_space<vmem>>
        %dma_start3A_32 = arith.constant 128 : i32
        %dma_start3A_33 = tpu.memref_slice %arg5[%dma_start3A_32] : memref<1280xi32, #tpu.memory_space<vmem>> -> memref<128xi32, #tpu.memory_space<vmem>>
        %dma_start3A_34 = arith.constant 0 : i32
        %dma_start3A_35 = arith.constant 0 : i32
        %dma_start3A_36 = tpu.memref_slice %arg2[%dma_start3A_34, %dma_start3A_35] : memref<10000x64xf32, #tpu.memory_space<hbm>> -> memref<10000x64xf32, #tpu.memory_space<hbm>>
        tpu.enqueue_indirect_dma source(%dma_start3A_36 : memref<10000x64xf32, #tpu.memory_space<hbm>>) target(%dma_start3A_31 : memref<128x64xf32, #tpu.memory_space<vmem>>) offsets(%dma_start3A_33 : memref<128xi32, #tpu.memory_space<vmem>>) semaphore(%arg7 : memref<!tpu.dma_semaphore, #tpu.memory_space<semaphore_mem>>)
        %dma_start3A_37 = arith.constant 256 : i32
        %dma_start3A_38 = arith.constant 0 : i32
        %dma_start3A_39 = tpu.memref_slice %arg6[%dma_start3A_37, %dma_start3A_38] : memref<1280x64xf32, #tpu.memory_space<vmem>> -> memref<128x64xf32, #tpu.memory_space<vmem>>
        %dma_start3A_40 = arith.constant 256 : i32
        %dma_start3A_41 = tpu.memref_slice %arg5[%dma_start3A_40] : memref<1280xi32, #tpu.memory_space<vmem>> -> memref<128xi32, #tpu.memory_space<vmem>>
        %dma_start3A_42 = arith.constant 0 : i32
        %dma_start3A_43 = arith.constant 0 : i32
        %dma_start3A_44 = tpu.memref_slice %arg2[%dma_start3A_42, %dma_start3A_43] : memref<10000x64xf32, #tpu.memory_space<hbm>> -> memref<10000x64xf32, #tpu.memory_space<hbm>>
        tpu.enqueue_indirect_dma source(%dma_start3A_44 : memref<10000x64xf32, #tpu.memory_space<hbm>>) target(%dma_start3A_39 : memref<128x64xf32, #tpu.memory_space<vmem>>) offsets(%dma_start3A_41 : memref<128xi32, #tpu.memory_space<vmem>>) semaphore(%arg7 : memref<!tpu.dma_semaphore, #tpu.memory_space<semaphore_mem>>)
        %dma_start3A_45 = arith.constant 384 : i32
        %dma_start3A_46 = arith.constant 0 : i32
        %dma_start3A_47 = tpu.memref_slice %arg6[%dma_start3A_45, %dma_start3A_46] : memref<1280x64xf32, #tpu.memory_space<vmem>> -> memref<128x64xf32, #tpu.memory_space<vmem>>
        %dma_start3A_48 = arith.constant 384 : i32
        %dma_start3A_49 = tpu.memref_slice %arg5[%dma_start3A_48] : memref<1280xi32, #tpu.memory_space<vmem>> -> memref<128xi32, #tpu.memory_space<vmem>>
        %dma_start3A_50 = arith.constant 0 : i32
        %dma_start3A_51 = arith.constant 0 : i32
        %dma_start3A_52 = tpu.memref_slice %arg2[%dma_start3A_50, %dma_start3A_51] : memref<10000x64xf32, #tpu.memory_space<hbm>> -> memref<10000x64xf32, #tpu.memory_space<hbm>>
        tpu.enqueue_indirect_dma source(%dma_start3A_52 : memref<10000x64xf32, #tpu.memory_space<hbm>>) target(%dma_start3A_47 : memref<128x64xf32, #tpu.memory_space<vmem>>) offsets(%dma_start3A_49 : memref<128xi32, #tpu.memory_space<vmem>>) semaphore(%arg7 : memref<!tpu.dma_semaphore, #tpu.memory_space<semaphore_mem>>)
        %dma_start3A_53 = arith.constant 512 : i32
        %dma_start3A_54 = arith.constant 0 : i32
        %dma_start3A_55 = tpu.memref_slice %arg6[%dma_start3A_53, %dma_start3A_54] : memref<1280x64xf32, #tpu.memory_space<vmem>> -> memref<128x64xf32, #tpu.memory_space<vmem>>
        %dma_start3A_56 = arith.constant 512 : i32
        %dma_start3A_57 = tpu.memref_slice %arg5[%dma_start3A_56] : memref<1280xi32, #tpu.memory_space<vmem>> -> memref<128xi32, #tpu.memory_space<vmem>>
        %dma_start3A_58 = arith.constant 0 : i32
        %dma_start3A_59 = arith.constant 0 : i32
        %dma_start3A_60 = tpu.memref_slice %arg2[%dma_start3A_58, %dma_start3A_59] : memref<10000x64xf32, #tpu.memory_space<hbm>> -> memref<10000x64xf32, #tpu.memory_space<hbm>>
        tpu.enqueue_indirect_dma source(%dma_start3A_60 : memref<10000x64xf32, #tpu.memory_space<hbm>>) target(%dma_start3A_55 : memref<128x64xf32, #tpu.memory_space<vmem>>) offsets(%dma_start3A_57 : memref<128xi32, #tpu.memory_space<vmem>>) semaphore(%arg7 : memref<!tpu.dma_semaphore, #tpu.memory_space<semaphore_mem>>)
        %dma_start3A_61 = arith.constant 640 : i32
        %dma_start3A_62 = arith.constant 0 : i32
        %dma_start3A_63 = tpu.memref_slice %arg6[%dma_start3A_61, %dma_start3A_62] : memref<1280x64xf32, #tpu.memory_space<vmem>> -> memref<128x64xf32, #tpu.memory_space<vmem>>
        %dma_start3A_64 = arith.constant 640 : i32
        %dma_start3A_65 = tpu.memref_slice %arg5[%dma_start3A_64] : memref<1280xi32, #tpu.memory_space<vmem>> -> memref<128xi32, #tpu.memory_space<vmem>>
        %dma_start3A_66 = arith.constant 0 : i32
        %dma_start3A_67 = arith.constant 0 : i32
        %dma_start3A_68 = tpu.memref_slice %arg2[%dma_start3A_66, %dma_start3A_67] : memref<10000x64xf32, #tpu.memory_space<hbm>> -> memref<10000x64xf32, #tpu.memory_space<hbm>>
        tpu.enqueue_indirect_dma source(%dma_start3A_68 : memref<10000x64xf32, #tpu.memory_space<hbm>>) target(%dma_start3A_63 : memref<128x64xf32, #tpu.memory_space<vmem>>) offsets(%dma_start3A_65 : memref<128xi32, #tpu.memory_space<vmem>>) semaphore(%arg7 : memref<!tpu.dma_semaphore, #tpu.memory_space<semaphore_mem>>)
        %dma_start3A_69 = arith.constant 768 : i32
        %dma_start3A_70 = arith.constant 0 : i32
        %dma_start3A_71 = tpu.memref_slice %arg6[%dma_start3A_69, %dma_start3A_70] : memref<1280x64xf32, #tpu.memory_space<vmem>> -> memref<128x64xf32, #tpu.memory_space<vmem>>
        %dma_start3A_72 = arith.constant 768 : i32
        %dma_start3A_73 = tpu.memref_slice %arg5[%dma_start3A_72] : memref<1280xi32, #tpu.memory_space<vmem>> -> memref<128xi32, #tpu.memory_space<vmem>>
        %dma_start3A_74 = arith.constant 0 : i32
        %dma_start3A_75 = arith.constant 0 : i32
        %dma_start3A_76 = tpu.memref_slice %arg2[%dma_start3A_74, %dma_start3A_75] : memref<10000x64xf32, #tpu.memory_space<hbm>> -> memref<10000x64xf32, #tpu.memory_space<hbm>>
        tpu.enqueue_indirect_dma source(%dma_start3A_76 : memref<10000x64xf32, #tpu.memory_space<hbm>>) target(%dma_start3A_71 : memref<128x64xf32, #tpu.memory_space<vmem>>) offsets(%dma_start3A_73 : memref<128xi32, #tpu.memory_space<vmem>>) semaphore(%arg7 : memref<!tpu.dma_semaphore, #tpu.memory_space<semaphore_mem>>)
        %dma_start3A_77 = arith.constant 896 : i32
        %dma_start3A_78 = arith.constant 0 : i32
        %dma_start3A_79 = tpu.memref_slice %arg6[%dma_start3A_77, %dma_start3A_78] : memref<1280x64xf32, #tpu.memory_space<vmem>> -> memref<128x64xf32, #tpu.memory_space<vmem>>
        %dma_start3A_80 = arith.constant 896 : i32
        %dma_start3A_81 = tpu.memref_slice %arg5[%dma_start3A_80] : memref<1280xi32, #tpu.memory_space<vmem>> -> memref<128xi32, #tpu.memory_space<vmem>>
        %dma_start3A_82 = arith.constant 0 : i32
        %dma_start3A_83 = arith.constant 0 : i32
        %dma_start3A_84 = tpu.memref_slice %arg2[%dma_start3A_82, %dma_start3A_83] : memref<10000x64xf32, #tpu.memory_space<hbm>> -> memref<10000x64xf32, #tpu.memory_space<hbm>>
        tpu.enqueue_indirect_dma source(%dma_start3A_84 : memref<10000x64xf32, #tpu.memory_space<hbm>>) target(%dma_start3A_79 : memref<128x64xf32, #tpu.memory_space<vmem>>) offsets(%dma_start3A_81 : memref<128xi32, #tpu.memory_space<vmem>>) semaphore(%arg7 : memref<!tpu.dma_semaphore, #tpu.memory_space<semaphore_mem>>)
        %dma_start3A_85 = arith.constant 1024 : i32
        %dma_start3A_86 = arith.constant 0 : i32
        %dma_start3A_87 = tpu.memref_slice %arg6[%dma_start3A_85, %dma_start3A_86] : memref<1280x64xf32, #tpu.memory_space<vmem>> -> memref<128x64xf32, #tpu.memory_space<vmem>>
        %dma_start3A_88 = arith.constant 1024 : i32
        %dma_start3A_89 = tpu.memref_slice %arg5[%dma_start3A_88] : memref<1280xi32, #tpu.memory_space<vmem>> -> memref<128xi32, #tpu.memory_space<vmem>>
        %dma_start3A_90 = arith.constant 0 : i32
        %dma_start3A_91 = arith.constant 0 : i32
        %dma_start3A_92 = tpu.memref_slice %arg2[%dma_start3A_90, %dma_start3A_91] : memref<10000x64xf32, #tpu.memory_space<hbm>> -> memref<10000x64xf32, #tpu.memory_space<hbm>>
        tpu.enqueue_indirect_dma source(%dma_start3A_92 : memref<10000x64xf32, #tpu.memory_space<hbm>>) target(%dma_start3A_87 : memref<128x64xf32, #tpu.memory_space<vmem>>) offsets(%dma_start3A_89 : memref<128xi32, #tpu.memory_space<vmem>>) semaphore(%arg7 : memref<!tpu.dma_semaphore, #tpu.memory_space<semaphore_mem>>)
        %dma_start3A_93 = arith.constant 1152 : i32
        %dma_start3A_94 = arith.constant 0 : i32
        %dma_start3A_95 = tpu.memref_slice %arg6[%dma_start3A_93, %dma_start3A_94] : memref<1280x64xf32, #tpu.memory_space<vmem>> -> memref<128x64xf32, #tpu.memory_space<vmem>>
        %dma_start3A_96 = arith.constant 1152 : i32
        %dma_start3A_97 = tpu.memref_slice %arg5[%dma_start3A_96] : memref<1280xi32, #tpu.memory_space<vmem>> -> memref<128xi32, #tpu.memory_space<vmem>>
        %dma_start3A_98 = arith.constant 0 : i32
        %dma_start3A_99 = arith.constant 0 : i32
        %dma_start3A_100 = tpu.memref_slice %arg2[%dma_start3A_98, %dma_start3A_99] : memref<10000x64xf32, #tpu.memory_space<hbm>> -> memref<10000x64xf32, #tpu.memory_space<hbm>>
        tpu.enqueue_indirect_dma source(%dma_start3A_100 : memref<10000x64xf32, #tpu.memory_space<hbm>>) target(%dma_start3A_95 : memref<128x64xf32, #tpu.memory_space<vmem>>) offsets(%dma_start3A_97 : memref<128xi32, #tpu.memory_space<vmem>>) semaphore(%arg7 : memref<!tpu.dma_semaphore, #tpu.memory_space<semaphore_mem>>)
        %dma_wait3A = arith.constant 0 : i32
        %dma_wait3A_101 = arith.constant 0 : i32
        %dma_wait3A_102 = tpu.memref_slice %arg6[%dma_wait3A, %dma_wait3A_101] : memref<1280x64xf32, #tpu.memory_space<vmem>> -> memref<128x64xf32, #tpu.memory_space<vmem>>
        %dma_wait3A_103 = arith.constant 0 : i32
        %dma_wait3A_104 = tpu.memref_slice %arg5[%dma_wait3A_103] : memref<1280xi32, #tpu.memory_space<vmem>> -> memref<128xi32, #tpu.memory_space<vmem>>
        %dma_wait3A_105 = arith.constant 0 : i32
        %dma_wait3A_106 = arith.constant 0 : i32
        %dma_wait3A_107 = tpu.memref_slice %arg2[%dma_wait3A_105, %dma_wait3A_106] : memref<10000x64xf32, #tpu.memory_space<hbm>> -> memref<10000x64xf32, #tpu.memory_space<hbm>>
        tpu.wait_indirect_dma semaphore(%arg7 : memref<!tpu.dma_semaphore, #tpu.memory_space<semaphore_mem>>) src(%dma_wait3A_107 : memref<10000x64xf32, #tpu.memory_space<hbm>>) dst(%dma_wait3A_102 : memref<128x64xf32, #tpu.memory_space<vmem>>)
        %dma_wait3A_108 = arith.constant 128 : i32
        %dma_wait3A_109 = arith.constant 0 : i32
        %dma_wait3A_110 = tpu.memref_slice %arg6[%dma_wait3A_108, %dma_wait3A_109] : memref<1280x64xf32, #tpu.memory_space<vmem>> -> memref<128x64xf32, #tpu.memory_space<vmem>>
        %dma_wait3A_111 = arith.constant 128 : i32
        %dma_wait3A_112 = tpu.memref_slice %arg5[%dma_wait3A_111] : memref<1280xi32, #tpu.memory_space<vmem>> -> memref<128xi32, #tpu.memory_space<vmem>>
        %dma_wait3A_113 = arith.constant 0 : i32
        %dma_wait3A_114 = arith.constant 0 : i32
        %dma_wait3A_115 = tpu.memref_slice %arg2[%dma_wait3A_113, %dma_wait3A_114] : memref<10000x64xf32, #tpu.memory_space<hbm>> -> memref<10000x64xf32, #tpu.memory_space<hbm>>
        tpu.wait_indirect_dma semaphore(%arg7 : memref<!tpu.dma_semaphore, #tpu.memory_space<semaphore_mem>>) src(%dma_wait3A_115 : memref<10000x64xf32, #tpu.memory_space<hbm>>) dst(%dma_wait3A_110 : memref<128x64xf32, #tpu.memory_space<vmem>>)
        %dma_wait3A_116 = arith.constant 256 : i32
        %dma_wait3A_117 = arith.constant 0 : i32
        %dma_wait3A_118 = tpu.memref_slice %arg6[%dma_wait3A_116, %dma_wait3A_117] : memref<1280x64xf32, #tpu.memory_space<vmem>> -> memref<128x64xf32, #tpu.memory_space<vmem>>
        %dma_wait3A_119 = arith.constant 256 : i32
        %dma_wait3A_120 = tpu.memref_slice %arg5[%dma_wait3A_119] : memref<1280xi32, #tpu.memory_space<vmem>> -> memref<128xi32, #tpu.memory_space<vmem>>
        %dma_wait3A_121 = arith.constant 0 : i32
        %dma_wait3A_122 = arith.constant 0 : i32
        %dma_wait3A_123 = tpu.memref_slice %arg2[%dma_wait3A_121, %dma_wait3A_122] : memref<10000x64xf32, #tpu.memory_space<hbm>> -> memref<10000x64xf32, #tpu.memory_space<hbm>>
        tpu.wait_indirect_dma semaphore(%arg7 : memref<!tpu.dma_semaphore, #tpu.memory_space<semaphore_mem>>) src(%dma_wait3A_123 : memref<10000x64xf32, #tpu.memory_space<hbm>>) dst(%dma_wait3A_118 : memref<128x64xf32, #tpu.memory_space<vmem>>)
        %dma_wait3A_124 = arith.constant 384 : i32
        %dma_wait3A_125 = arith.constant 0 : i32
        %dma_wait3A_126 = tpu.memref_slice %arg6[%dma_wait3A_124, %dma_wait3A_125] : memref<1280x64xf32, #tpu.memory_space<vmem>> -> memref<128x64xf32, #tpu.memory_space<vmem>>
        %dma_wait3A_127 = arith.constant 384 : i32
        %dma_wait3A_128 = tpu.memref_slice %arg5[%dma_wait3A_127] : memref<1280xi32, #tpu.memory_space<vmem>> -> memref<128xi32, #tpu.memory_space<vmem>>
        %dma_wait3A_129 = arith.constant 0 : i32
        %dma_wait3A_130 = arith.constant 0 : i32
        %dma_wait3A_131 = tpu.memref_slice %arg2[%dma_wait3A_129, %dma_wait3A_130] : memref<10000x64xf32, #tpu.memory_space<hbm>> -> memref<10000x64xf32, #tpu.memory_space<hbm>>
        tpu.wait_indirect_dma semaphore(%arg7 : memref<!tpu.dma_semaphore, #tpu.memory_space<semaphore_mem>>) src(%dma_wait3A_131 : memref<10000x64xf32, #tpu.memory_space<hbm>>) dst(%dma_wait3A_126 : memref<128x64xf32, #tpu.memory_space<vmem>>)
        %dma_wait3A_132 = arith.constant 512 : i32
        %dma_wait3A_133 = arith.constant 0 : i32
        %dma_wait3A_134 = tpu.memref_slice %arg6[%dma_wait3A_132, %dma_wait3A_133] : memref<1280x64xf32, #tpu.memory_space<vmem>> -> memref<128x64xf32, #tpu.memory_space<vmem>>
        %dma_wait3A_135 = arith.constant 512 : i32
        %dma_wait3A_136 = tpu.memref_slice %arg5[%dma_wait3A_135] : memref<1280xi32, #tpu.memory_space<vmem>> -> memref<128xi32, #tpu.memory_space<vmem>>
        %dma_wait3A_137 = arith.constant 0 : i32
        %dma_wait3A_138 = arith.constant 0 : i32
        %dma_wait3A_139 = tpu.memref_slice %arg2[%dma_wait3A_137, %dma_wait3A_138] : memref<10000x64xf32, #tpu.memory_space<hbm>> -> memref<10000x64xf32, #tpu.memory_space<hbm>>
        tpu.wait_indirect_dma semaphore(%arg7 : memref<!tpu.dma_semaphore, #tpu.memory_space<semaphore_mem>>) src(%dma_wait3A_139 : memref<10000x64xf32, #tpu.memory_space<hbm>>) dst(%dma_wait3A_134 : memref<128x64xf32, #tpu.memory_space<vmem>>)
        %dma_wait3A_140 = arith.constant 640 : i32
        %dma_wait3A_141 = arith.constant 0 : i32
        %dma_wait3A_142 = tpu.memref_slice %arg6[%dma_wait3A_140, %dma_wait3A_141] : memref<1280x64xf32, #tpu.memory_space<vmem>> -> memref<128x64xf32, #tpu.memory_space<vmem>>
        %dma_wait3A_143 = arith.constant 640 : i32
        %dma_wait3A_144 = tpu.memref_slice %arg5[%dma_wait3A_143] : memref<1280xi32, #tpu.memory_space<vmem>> -> memref<128xi32, #tpu.memory_space<vmem>>
        %dma_wait3A_145 = arith.constant 0 : i32
        %dma_wait3A_146 = arith.constant 0 : i32
        %dma_wait3A_147 = tpu.memref_slice %arg2[%dma_wait3A_145, %dma_wait3A_146] : memref<10000x64xf32, #tpu.memory_space<hbm>> -> memref<10000x64xf32, #tpu.memory_space<hbm>>
        tpu.wait_indirect_dma semaphore(%arg7 : memref<!tpu.dma_semaphore, #tpu.memory_space<semaphore_mem>>) src(%dma_wait3A_147 : memref<10000x64xf32, #tpu.memory_space<hbm>>) dst(%dma_wait3A_142 : memref<128x64xf32, #tpu.memory_space<vmem>>)
        %dma_wait3A_148 = arith.constant 768 : i32
        %dma_wait3A_149 = arith.constant 0 : i32
        %dma_wait3A_150 = tpu.memref_slice %arg6[%dma_wait3A_148, %dma_wait3A_149] : memref<1280x64xf32, #tpu.memory_space<vmem>> -> memref<128x64xf32, #tpu.memory_space<vmem>>
        %dma_wait3A_151 = arith.constant 768 : i32
        %dma_wait3A_152 = tpu.memref_slice %arg5[%dma_wait3A_151] : memref<1280xi32, #tpu.memory_space<vmem>> -> memref<128xi32, #tpu.memory_space<vmem>>
        %dma_wait3A_153 = arith.constant 0 : i32
        %dma_wait3A_154 = arith.constant 0 : i32
        %dma_wait3A_155 = tpu.memref_slice %arg2[%dma_wait3A_153, %dma_wait3A_154] : memref<10000x64xf32, #tpu.memory_space<hbm>> -> memref<10000x64xf32, #tpu.memory_space<hbm>>
        tpu.wait_indirect_dma semaphore(%arg7 : memref<!tpu.dma_semaphore, #tpu.memory_space<semaphore_mem>>) src(%dma_wait3A_155 : memref<10000x64xf32, #tpu.memory_space<hbm>>) dst(%dma_wait3A_150 : memref<128x64xf32, #tpu.memory_space<vmem>>)
        %dma_wait3A_156 = arith.constant 896 : i32
        %dma_wait3A_157 = arith.constant 0 : i32
        %dma_wait3A_158 = tpu.memref_slice %arg6[%dma_wait3A_156, %dma_wait3A_157] : memref<1280x64xf32, #tpu.memory_space<vmem>> -> memref<128x64xf32, #tpu.memory_space<vmem>>
        %dma_wait3A_159 = arith.constant 896 : i32
        %dma_wait3A_160 = tpu.memref_slice %arg5[%dma_wait3A_159] : memref<1280xi32, #tpu.memory_space<vmem>> -> memref<128xi32, #tpu.memory_space<vmem>>
        %dma_wait3A_161 = arith.constant 0 : i32
        %dma_wait3A_162 = arith.constant 0 : i32
        %dma_wait3A_163 = tpu.memref_slice %arg2[%dma_wait3A_161, %dma_wait3A_162] : memref<10000x64xf32, #tpu.memory_space<hbm>> -> memref<10000x64xf32, #tpu.memory_space<hbm>>
        tpu.wait_indirect_dma semaphore(%arg7 : memref<!tpu.dma_semaphore, #tpu.memory_space<semaphore_mem>>) src(%dma_wait3A_163 : memref<10000x64xf32, #tpu.memory_space<hbm>>) dst(%dma_wait3A_158 : memref<128x64xf32, #tpu.memory_space<vmem>>)
        %dma_wait3A_164 = arith.constant 1024 : i32
        %dma_wait3A_165 = arith.constant 0 : i32
        %dma_wait3A_166 = tpu.memref_slice %arg6[%dma_wait3A_164, %dma_wait3A_165] : memref<1280x64xf32, #tpu.memory_space<vmem>> -> memref<128x64xf32, #tpu.memory_space<vmem>>
        %dma_wait3A_167 = arith.constant 1024 : i32
        %dma_wait3A_168 = tpu.memref_slice %arg5[%dma_wait3A_167] : memref<1280xi32, #tpu.memory_space<vmem>> -> memref<128xi32, #tpu.memory_space<vmem>>
        %dma_wait3A_169 = arith.constant 0 : i32
        %dma_wait3A_170 = arith.constant 0 : i32
        %dma_wait3A_171 = tpu.memref_slice %arg2[%dma_wait3A_169, %dma_wait3A_170] : memref<10000x64xf32, #tpu.memory_space<hbm>> -> memref<10000x64xf32, #tpu.memory_space<hbm>>
        tpu.wait_indirect_dma semaphore(%arg7 : memref<!tpu.dma_semaphore, #tpu.memory_space<semaphore_mem>>) src(%dma_wait3A_171 : memref<10000x64xf32, #tpu.memory_space<hbm>>) dst(%dma_wait3A_166 : memref<128x64xf32, #tpu.memory_space<vmem>>)
        %dma_wait3A_172 = arith.constant 1152 : i32
        %dma_wait3A_173 = arith.constant 0 : i32
        %dma_wait3A_174 = tpu.memref_slice %arg6[%dma_wait3A_172, %dma_wait3A_173] : memref<1280x64xf32, #tpu.memory_space<vmem>> -> memref<128x64xf32, #tpu.memory_space<vmem>>
        %dma_wait3A_175 = arith.constant 1152 : i32
        %dma_wait3A_176 = tpu.memref_slice %arg5[%dma_wait3A_175] : memref<1280xi32, #tpu.memory_space<vmem>> -> memref<128xi32, #tpu.memory_space<vmem>>
        %dma_wait3A_177 = arith.constant 0 : i32
        %dma_wait3A_178 = arith.constant 0 : i32
        %dma_wait3A_179 = tpu.memref_slice %arg2[%dma_wait3A_177, %dma_wait3A_178] : memref<10000x64xf32, #tpu.memory_space<hbm>> -> memref<10000x64xf32, #tpu.memory_space<hbm>>
        tpu.wait_indirect_dma semaphore(%arg7 : memref<!tpu.dma_semaphore, #tpu.memory_space<semaphore_mem>>) src(%dma_wait3A_179 : memref<10000x64xf32, #tpu.memory_space<hbm>>) dst(%dma_wait3A_174 : memref<128x64xf32, #tpu.memory_space<vmem>>)
        %jit3A_180 = arith.constant 2 : i32
        %div3A = arith.divsi %add3A_17, %jit3A_180 : i32
        %sign3A = arith.constant 0 : i32
        %sign3A_181 = arith.cmpi sgt, %add3A_17, %sign3A : i32
        %sign3A_182 = arith.extui %sign3A_181 : i1 to i32
        %sign3A_183 = arith.constant 0 : i32
        %sign3A_184 = arith.cmpi slt, %add3A_17, %sign3A_183 : i32
        %sign3A_185 = arith.extui %sign3A_184 : i1 to i32
        %sign3A_186 = arith.subi %sign3A_182, %sign3A_185 : i32
        %sign3A_187 = arith.constant 0 : i32
        %sign3A_188 = arith.cmpi sgt, %jit3A_180, %sign3A_187 : i32
        %sign3A_189 = arith.extui %sign3A_188 : i1 to i32
        %sign3A_190 = arith.constant 0 : i32
        %sign3A_191 = arith.cmpi slt, %jit3A_180, %sign3A_190 : i32
        %sign3A_192 = arith.extui %sign3A_191 : i1 to i32
        %sign3A_193 = arith.subi %sign3A_189, %sign3A_192 : i32
        %ne3A = arith.cmpi ne, %sign3A_186, %sign3A_193 : i32
        %rem3A = arith.remsi %add3A_17, %jit3A_180 : i32
        %ne3A_194 = arith.constant 0 : i32
        %ne3A_195 = arith.cmpi ne, %rem3A, %ne3A_194 : i32
        %and3A = arith.andi %ne3A, %ne3A_195 : i1
        %sub3A = arith.constant 1 : i32
        %sub3A_196 = arith.subi %div3A, %sub3A : i32
        %select_n3A_197 = arith.select %and3A, %sub3A_196, %div3A : i32
        %mul3A_198 = arith.constant 1280 : i32
        %mul3A_199 = arith.muli %select_n3A_197, %mul3A_198 : i32
        %multiple_of3A_200 = tpu.assume_multiple %mul3A_199, 8 : i32
        %jit3A_201 = arith.constant 2 : i32
        %eq3A = arith.constant 0 : i32
        %eq3A_202 = arith.cmpi eq, %jit3A_201, %eq3A : i32
        %jit3A_203 = arith.constant 1 : i32
        %select_n3A_204 = arith.select %eq3A_202, %jit3A_203, %jit3A_201 : i32
        %rem3A_205 = arith.remsi %add3A_17, %select_n3A_204 : i32
        %ne3A_206 = arith.constant 0 : i32
        %ne3A_207 = arith.cmpi ne, %rem3A_205, %ne3A_206 : i32
        %lt3A_208 = arith.constant 0 : i32
        %lt3A_209 = arith.cmpi slt, %rem3A_205, %lt3A_208 : i32
        %lt3A_210 = arith.constant 0 : i32
        %lt3A_211 = arith.cmpi slt, %select_n3A_204, %lt3A_210 : i32
        %ne3A_212 = arith.xori %lt3A_209, %lt3A_211 : i1
        %and3A_213 = arith.andi %ne3A_212, %ne3A_207 : i1
        %add3A_214 = arith.addi %rem3A_205, %select_n3A_204 : i32
        %select_n3A_215 = arith.select %and3A_213, %add3A_214, %rem3A_205 : i32
        %mul3A_216 = arith.constant 64 : i32
        %mul3A_217 = arith.muli %select_n3A_215, %mul3A_216 : i32
        %multiple_of3A_218 = tpu.assume_multiple %mul3A_217, 8 : i32
        "tpu.region"() ({
          %run_scoped3A = tpu.sem_alloc : memref<!tpu.dma_semaphore, #tpu.memory_space<semaphore_mem>>
          %dma_start3A_219 = tpu.memref_slice %arg4[%multiple_of3A_200, %multiple_of3A_218] : memref<58880x128xf32, #tpu.memory_space<hbm>> -> memref<1280x64xf32, #tpu.memory_space<hbm>>
          %dma_start3A_220 = tpu.memref_slice %arg4[%multiple_of3A_200, %multiple_of3A_218] : memref<58880x128xf32, #tpu.memory_space<hbm>> -> memref<1280x64xf32, #tpu.memory_space<hbm>>
          tpu.enqueue_dma source(%arg6 : memref<1280x64xf32, #tpu.memory_space<vmem>>) target(%dma_start3A_220 : memref<1280x64xf32, #tpu.memory_space<hbm>>) target_semaphore(%run_scoped3A : memref<!tpu.dma_semaphore, #tpu.memory_space<semaphore_mem>>)
          %dma_wait3A_221 = tpu.memref_slice %arg4[%multiple_of3A_200, %multiple_of3A_218] : memref<58880x128xf32, #tpu.memory_space<hbm>> -> memref<1280x64xf32, #tpu.memory_space<hbm>>
          %dma_wait3A_222 = tpu.memref_slice %arg4[%multiple_of3A_200, %multiple_of3A_218] : memref<58880x128xf32, #tpu.memory_space<hbm>> -> memref<1280x64xf32, #tpu.memory_space<hbm>>
          tpu.wait_dma2 semaphore(%run_scoped3A : memref<!tpu.dma_semaphore, #tpu.memory_space<semaphore_mem>>) src(%arg6 : memref<1280x64xf32, #tpu.memory_space<vmem>>) dst(%dma_wait3A_222 : memref<1280x64xf32, #tpu.memory_space<hbm>>)
          tpu.yield
        }) : () -> ()
      } else {
      }
    }
    %scan3A_13 = arith.constant 3 : i32
    return
  }
}

module attributes {stable_mosaic.version = 14 : i64} {
  func.func @_atoms_body(%arg0: i32, %arg1: memref<2000x128xf32, #tpu.memory_space<vmem>>, %arg2: memref<128x64xf32, #tpu.memory_space<vmem>>, %arg3: memref<1x64xf32, #tpu.memory_space<vmem>>, %arg4: memref<1x64xf32, #tpu.memory_space<vmem>>, %arg5: memref<64x128xf32, #tpu.memory_space<vmem>>, %arg6: memref<2000x64xf32, #tpu.memory_space<vmem>>, %arg7: memref<2000x128xf32, #tpu.memory_space<vmem>>) attributes {dimension_semantics = [#tpu.dimension_semantics<arbitrary>], iteration_bounds = array<i64: 5>, scalar_prefetch = 0 : i64, scratch_operands = 0 : i64, tpu.core_type = #tpu.core_type<tc>, window_params = [{transform_indices = @transform_0, window_bounds = array<i64: 2000, 128>}, {pipeline_mode = #tpu.pipeline_mode<synchronous>, transform_indices = @transform_1, window_bounds = array<i64: 128, 64>}, {pipeline_mode = #tpu.pipeline_mode<synchronous>, transform_indices = @transform_2, window_bounds = array<i64: 1, 64>}, {pipeline_mode = #tpu.pipeline_mode<synchronous>, transform_indices = @transform_3, window_bounds = array<i64: 1, 64>}, {pipeline_mode = #tpu.pipeline_mode<synchronous>, transform_indices = @transform_4, window_bounds = array<i64: 64, 128>}, {transform_indices = @transform_5, window_bounds = array<i64: 2000, 64>}, {transform_indices = @transform_6, window_bounds = array<i64: 2000, 128>}]} {
    %get3A = arith.constant 0 : index
    %get3A_0 = arith.constant 0 : index
    %get3A_1 = vector.load %arg1[%get3A, %get3A_0] : memref<2000x128xf32, #tpu.memory_space<vmem>>, vector<2000x128xf32>
    %get3A_2 = arith.constant 0 : index
    %get3A_3 = arith.constant 0 : index
    %get3A_4 = vector.load %arg2[%get3A_2, %get3A_3] : memref<128x64xf32, #tpu.memory_space<vmem>>, vector<128x64xf32>
    %dot_general3A = arith.constant dense<0.000000e+00> : vector<2000x64xf32>
    %dot_general3A_5 = tpu.matmul %get3A_1, %get3A_4, %dot_general3A {dimension_numbers = #tpu.dot_dimension_numbers<[1], [0], [0], [1], [0, 0, 1, 1], [], []>, transpose_lhs_hint = false} : vector<2000x128xf32>, vector<128x64xf32>, vector<2000x64xf32> -> vector<2000x64xf32>
    %get3A_6 = arith.constant 0 : index
    %get3A_7 = arith.constant 0 : index
    %get3A_8 = vector.load %arg3[%get3A_6, %get3A_7] : memref<1x64xf32, #tpu.memory_space<vmem>>, vector<1x64xf32>
    %add3A = vector.broadcast %get3A_8 : vector<1x64xf32> to vector<2000x64xf32>
    %add3A_9 = arith.addf %dot_general3A_5, %add3A : vector<2000x64xf32>
    %swap3A = arith.constant 0 : index
    %swap3A_10 = arith.constant 0 : index
    %swap3A_11 = vector.load %arg6[%swap3A, %swap3A_10] : memref<2000x64xf32, #tpu.memory_space<vmem>>, vector<2000x64xf32>
    tpu.vector_store %arg6[%swap3A, %swap3A_10], %add3A_9 {strides = array<i32>} : memref<2000x64xf32, #tpu.memory_space<vmem>>, vector<2000x64xf32>,
    %get3A_12 = arith.constant 0 : index
    %get3A_13 = arith.constant 0 : index
    %get3A_14 = vector.load %arg4[%get3A_12, %get3A_13] : memref<1x64xf32, #tpu.memory_space<vmem>>, vector<1x64xf32>
    %mul3A = vector.broadcast %get3A_14 : vector<1x64xf32> to vector<2000x64xf32>
    %mul3A_15 = arith.mulf %mul3A, %add3A_9 : vector<2000x64xf32>
    %get3A_16 = arith.constant 0 : index
    %get3A_17 = arith.constant 0 : index
    %get3A_18 = vector.load %arg5[%get3A_16, %get3A_17] : memref<64x128xf32, #tpu.memory_space<vmem>>, vector<64x128xf32>
    %dot_general3A_19 = arith.constant dense<0.000000e+00> : vector<2000x128xf32>
    %dot_general3A_20 = tpu.matmul %mul3A_15, %get3A_18, %dot_general3A_19 {dimension_numbers = #tpu.dot_dimension_numbers<[1], [0], [0], [1], [0, 0, 1, 1], [], []>, transpose_lhs_hint = false} : vector<2000x64xf32>, vector<64x128xf32>, vector<2000x128xf32> -> vector<2000x128xf32>
    %tanh3A = math.tanh %dot_general3A_20 : vector<2000x128xf32>
    %sub3A = arith.subf %get3A_1, %tanh3A : vector<2000x128xf32>
    %swap3A_21 = arith.constant 0 : index
    %swap3A_22 = arith.constant 0 : index
    %swap3A_23 = vector.load %arg7[%swap3A_21, %swap3A_22] : memref<2000x128xf32, #tpu.memory_space<vmem>>, vector<2000x128xf32>
    tpu.vector_store %arg7[%swap3A_21, %swap3A_22], %sub3A {strides = array<i32>} : memref<2000x128xf32, #tpu.memory_space<vmem>>, vector<2000x128xf32>,
    return
  }
  func.func @transform_0(%arg0: i32) -> (i32, i32) {
    %c0_i32 = arith.constant 0 : i32
    %c0_i32_0 = arith.constant 0 : i32
    return %arg0, %c0_i32 : i32, i32
  }
  func.func @transform_1(%arg0: i32) -> (i32, i32) {
    %c0_i32 = arith.constant 0 : i32
    %c0_i32_0 = arith.constant 0 : i32
    %c0_i32_1 = arith.constant 0 : i32
    return %c0_i32, %c0_i32_0 : i32, i32
  }
  func.func @transform_2(%arg0: i32) -> (i32, i32) {
    %c0_i32 = arith.constant 0 : i32
    %c0_i32_0 = arith.constant 0 : i32
    %c0_i32_1 = arith.constant 0 : i32
    return %c0_i32, %c0_i32_0 : i32, i32
  }
  func.func @transform_3(%arg0: i32) -> (i32, i32) {
    %c0_i32 = arith.constant 0 : i32
    %c0_i32_0 = arith.constant 0 : i32
    %c0_i32_1 = arith.constant 0 : i32
    return %c0_i32, %c0_i32_0 : i32, i32
  }
  func.func @transform_4(%arg0: i32) -> (i32, i32) {
    %c0_i32 = arith.constant 0 : i32
    %c0_i32_0 = arith.constant 0 : i32
    %c0_i32_1 = arith.constant 0 : i32
    return %c0_i32, %c0_i32_0 : i32, i32
  }
  func.func @transform_5(%arg0: i32) -> (i32, i32) {
    %c0_i32 = arith.constant 0 : i32
    %c0_i32_0 = arith.constant 0 : i32
    return %arg0, %c0_i32 : i32, i32
  }
  func.func @transform_6(%arg0: i32) -> (i32, i32) {
    %c0_i32 = arith.constant 0 : i32
    %c0_i32_0 = arith.constant 0 : i32
    return %arg0, %c0_i32 : i32, i32
  }
}

module attributes {stable_mosaic.version = 14 : i64} {
  func.func @_pairs_body(%arg0: i32, %arg1: memref<100x2560xf32, #tpu.memory_space<vmem>>, %arg2: memref<1280x128xf32, #tpu.memory_space<vmem>>, %arg3: memref<1x1x2560xi32, #tpu.memory_space<vmem>>, %arg4: memref<100x64xbf16, #tpu.memory_space<vmem>>, %arg5: memref<1x64xf32, #tpu.memory_space<vmem>>, %arg6: memref<64x128xbf16, #tpu.memory_space<vmem>>, %arg7: memref<10000x128xf32, #tpu.memory_space<vmem>>, %arg8: memref<10000x128xf32, #tpu.memory_space<vmem>>, %arg9: memref<10240x128xf32, #tpu.memory_space<vmem>>) attributes {dimension_semantics = [#tpu.dimension_semantics<arbitrary>], iteration_bounds = array<i64: 12>, scalar_prefetch = 0 : i64, scratch_operands = 1 : i64, tpu.core_type = #tpu.core_type<tc>, window_params = [{transform_indices = @transform_0, window_bounds = array<i64: 100, 2560>}, {transform_indices = @transform_1, window_bounds = array<i64: 1280, 128>}, {transform_indices = @transform_2, window_bounds = array<i64: 1, 1, 2560>}, {pipeline_mode = #tpu.pipeline_mode<synchronous>, transform_indices = @transform_3, window_bounds = array<i64: 100, 64>}, {pipeline_mode = #tpu.pipeline_mode<synchronous>, transform_indices = @transform_4, window_bounds = array<i64: 1, 64>}, {pipeline_mode = #tpu.pipeline_mode<synchronous>, transform_indices = @transform_5, window_bounds = array<i64: 64, 128>}, {pipeline_mode = #tpu.pipeline_mode<synchronous>, transform_indices = @transform_6, window_bounds = array<i64: 10000, 128>}, {pipeline_mode = #tpu.pipeline_mode<synchronous>, transform_indices = @transform_7, window_bounds = array<i64: 10000, 128>}]} {
    %eq3A = arith.constant 0 : i32
    %eq3A_0 = arith.cmpi eq, %arg0, %eq3A : i32
    %convert_element_type3A = arith.extui %eq3A_0 : i1 to i32
    %cond3A = arith.constant 0 : i32
    %cond3A_1 = arith.cmpi ne, %convert_element_type3A, %cond3A : i32
    scf.if %cond3A_1 {
      %get3A_115 = arith.constant 0 : index
      %get3A_116 = arith.constant 0 : index
      %get3A_117 = vector.load %arg7[%get3A_115, %get3A_116] : memref<10000x128xf32, #tpu.memory_space<vmem>>, vector<10000x128xf32>
      %swap3A = arith.constant 0 : index
      %swap3A_118 = arith.constant 0 : index
      %swap3A_119 = vector.load %arg9[%swap3A, %swap3A_118] : memref<10240x128xf32, #tpu.memory_space<vmem>>, vector<10000x128xf32>
      tpu.vector_store %arg9[%swap3A, %swap3A_118], %get3A_117 {strides = array<i32>} : memref<10240x128xf32, #tpu.memory_space<vmem>>, vector<10000x128xf32>,
      %broadcast_in_dim3A = arith.constant 0.000000e+00 : f32
      %broadcast_in_dim3A_120 = vector.broadcast %broadcast_in_dim3A : f32 to vector<240x128xf32>
      %swap3A_121 = arith.constant 10000 : index
      %swap3A_122 = arith.constant 0 : index
      %swap3A_123 = vector.load %arg9[%swap3A_121, %swap3A_122] : memref<10240x128xf32, #tpu.memory_space<vmem>>, vector<240x128xf32>
      tpu.vector_store %arg9[%swap3A_121, %swap3A_122], %broadcast_in_dim3A_120 {strides = array<i32>} : memref<10240x128xf32, #tpu.memory_space<vmem>>, vector<240x128xf32>,
    } else {
    }
    %get3A = arith.constant 0 : index
    %get3A_2 = arith.constant 0 : index
    %get3A_3 = vector.load %arg1[%get3A, %get3A_2] : memref<100x2560xf32, #tpu.memory_space<vmem>>, vector<100x2560xf32>
    %convert_element_type3A_4 = arith.truncf %get3A_3 : vector<100x2560xf32> to vector<100x2560xbf16>
    %get3A_5 = arith.constant 0 : index
    %get3A_6 = arith.constant 0 : index
    %get3A_7 = vector.load %arg2[%get3A_5, %get3A_6] : memref<1280x128xf32, #tpu.memory_space<vmem>>, vector<1280x128xf32>
    %slice3A = vector.extract_strided_slice %convert_element_type3A_4 {offsets = [0, 0], sizes = [100, 1280], strides = [1, 1]} : vector<100x2560xbf16> to vector<100x1280xbf16>
    %get3A_8 = arith.constant 0 : index
    %get3A_9 = arith.constant 0 : index
    %get3A_10 = vector.load %arg4[%get3A_8, %get3A_9] : memref<100x64xbf16, #tpu.memory_space<vmem>>, vector<100x64xbf16>
    %dot_general3A = arith.constant dense<0.000000e+00> : vector<1280x64xf32>
    %dot_general3A_11 = tpu.matmul %slice3A, %get3A_10, %dot_general3A {dimension_numbers = #tpu.dot_dimension_numbers<[0], [0], [1], [1], [0, 1, 1, 1], [], []>, transpose_lhs_hint = false} : vector<100x1280xbf16>, vector<100x64xbf16>, vector<1280x64xf32> -> vector<1280x64xf32>
    %get3A_12 = arith.constant 0 : index
    %get3A_13 = arith.constant 0 : index
    %get3A_14 = vector.load %arg5[%get3A_12, %get3A_13] : memref<1x64xf32, #tpu.memory_space<vmem>>, vector<1x64xf32>
    %add3A = vector.broadcast %get3A_14 : vector<1x64xf32> to vector<1280x64xf32>
    %add3A_15 = arith.addf %dot_general3A_11, %add3A : vector<1280x64xf32>
    %slice3A_16 = vector.extract_strided_slice %convert_element_type3A_4 {offsets = [0, 1280], sizes = [100, 1280], strides = [1, 1]} : vector<100x2560xbf16> to vector<100x1280xbf16>
    %get3A_17 = arith.constant 0 : index
    %get3A_18 = arith.constant 0 : index
    %get3A_19 = vector.load %arg4[%get3A_17, %get3A_18] : memref<100x64xbf16, #tpu.memory_space<vmem>>, vector<100x64xbf16>
    %dot_general3A_20 = arith.constant dense<0.000000e+00> : vector<1280x64xf32>
    %dot_general3A_21 = tpu.matmul %slice3A_16, %get3A_19, %dot_general3A_20 {dimension_numbers = #tpu.dot_dimension_numbers<[0], [0], [1], [1], [0, 1, 1, 1], [], []>, transpose_lhs_hint = false} : vector<100x1280xbf16>, vector<100x64xbf16>, vector<1280x64xf32> -> vector<1280x64xf32>
    %get3A_22 = arith.constant 0 : index
    %get3A_23 = arith.constant 0 : index
    %get3A_24 = vector.load %arg5[%get3A_22, %get3A_23] : memref<1x64xf32, #tpu.memory_space<vmem>>, vector<1x64xf32>
    %add3A_25 = vector.broadcast %get3A_24 : vector<1x64xf32> to vector<1280x64xf32>
    %add3A_26 = arith.addf %dot_general3A_21, %add3A_25 : vector<1280x64xf32>
    %slice3A_27 = vector.extract_strided_slice %get3A_7 {offsets = [0, 0], sizes = [1280, 64], strides = [1, 1]} : vector<1280x128xf32> to vector<1280x64xf32>
    %mul3A = arith.mulf %add3A_15, %slice3A_27 : vector<1280x64xf32>
    %convert_element_type3A_28 = arith.truncf %mul3A : vector<1280x64xf32> to vector<1280x64xbf16>
    %slice3A_29 = vector.extract_strided_slice %get3A_7 {offsets = [0, 64], sizes = [1280, 64], strides = [1, 1]} : vector<1280x128xf32> to vector<1280x64xf32>
    %mul3A_30 = arith.mulf %add3A_26, %slice3A_29 : vector<1280x64xf32>
    %convert_element_type3A_31 = arith.truncf %mul3A_30 : vector<1280x64xf32> to vector<1280x64xbf16>
    %get3A_32 = arith.constant 0 : index
    %get3A_33 = arith.constant 0 : index
    %get3A_34 = vector.load %arg6[%get3A_32, %get3A_33] : memref<64x128xbf16, #tpu.memory_space<vmem>>, vector<64x128xbf16>
    %dot_general3A_35 = arith.constant dense<0.000000e+00> : vector<1280x128xf32>
    %dot_general3A_36 = tpu.matmul %convert_element_type3A_28, %get3A_34, %dot_general3A_35 {dimension_numbers = #tpu.dot_dimension_numbers<[1], [0], [0], [1], [0, 0, 1, 1], [], []>, transpose_lhs_hint = false} : vector<1280x64xbf16>, vector<64x128xbf16>, vector<1280x128xf32> -> vector<1280x128xf32>
    %tanh3A = math.tanh %dot_general3A_36 : vector<1280x128xf32>
    %get3A_37 = arith.constant 0 : index
    %get3A_38 = arith.constant 0 : index
    %get3A_39 = vector.load %arg6[%get3A_37, %get3A_38] : memref<64x128xbf16, #tpu.memory_space<vmem>>, vector<64x128xbf16>
    %dot_general3A_40 = arith.constant dense<0.000000e+00> : vector<1280x128xf32>
    %dot_general3A_41 = tpu.matmul %convert_element_type3A_31, %get3A_39, %dot_general3A_40 {dimension_numbers = #tpu.dot_dimension_numbers<[1], [0], [0], [1], [0, 0, 1, 1], [], []>, transpose_lhs_hint = false} : vector<1280x64xbf16>, vector<64x128xbf16>, vector<1280x128xf32> -> vector<1280x128xf32>
    %tanh3A_42 = math.tanh %dot_general3A_41 : vector<1280x128xf32>
    %get3A_43 = arith.constant 0 : index
    %get3A_44 = arith.constant 0 : index
    %get3A_45 = arith.constant 0 : index
    %get3A_46 = vector.load %arg3[%get3A_43, %get3A_44, %get3A_45] : memref<1x1x2560xi32, #tpu.memory_space<vmem>>, vector<1x1x2560xi32>
    %get3A_47 = vector.shape_cast %get3A_46 : vector<1x1x2560xi32> to vector<1x2560xi32>
    %reduce_min3A = vector.shape_cast %get3A_47 : vector<1x2560xi32> to vector<1x1x2560xi32>
    %reduce_min3A_48 = arith.constant dense<2147483647> : vector<1xi32>
    %reduce_min3A_49 = vector.multi_reduction <minsi>, %reduce_min3A, %reduce_min3A_48 [1, 2] : vector<1x1x2560xi32> to vector<1xi32>
    %reduce_min3A_50 = vector.shape_cast %reduce_min3A_49 : vector<1xi32> to vector<1x1x1xi32>
    %reduce_min3A_51 = vector.extract %reduce_min3A_50[0, 0, 0] : i32 from vector<1x1x1xi32>
    %reduce_max3A = vector.shape_cast %get3A_47 : vector<1x2560xi32> to vector<1x1x2560xi32>
    %reduce_max3A_52 = arith.constant dense<-2147483648> : vector<1xi32>
    %reduce_max3A_53 = vector.multi_reduction <maxsi>, %reduce_max3A, %reduce_max3A_52 [1, 2] : vector<1x1x2560xi32> to vector<1xi32>
    %reduce_max3A_54 = vector.shape_cast %reduce_max3A_53 : vector<1xi32> to vector<1x1x1xi32>
    %reduce_max3A_55 = vector.extract %reduce_max3A_54[0, 0, 0] : i32 from vector<1x1x1xi32>
    %jit3A = arith.constant 8 : i32
    %div3A = arith.divsi %reduce_min3A_51, %jit3A : i32
    %sign3A = arith.constant 0 : i32
    %sign3A_56 = arith.cmpi sgt, %reduce_min3A_51, %sign3A : i32
    %sign3A_57 = arith.extui %sign3A_56 : i1 to i32
    %sign3A_58 = arith.constant 0 : i32
    %sign3A_59 = arith.cmpi slt, %reduce_min3A_51, %sign3A_58 : i32
    %sign3A_60 = arith.extui %sign3A_59 : i1 to i32
    %sign3A_61 = arith.subi %sign3A_57, %sign3A_60 : i32
    %sign3A_62 = arith.constant 0 : i32
    %sign3A_63 = arith.cmpi sgt, %jit3A, %sign3A_62 : i32
    %sign3A_64 = arith.extui %sign3A_63 : i1 to i32
    %sign3A_65 = arith.constant 0 : i32
    %sign3A_66 = arith.cmpi slt, %jit3A, %sign3A_65 : i32
    %sign3A_67 = arith.extui %sign3A_66 : i1 to i32
    %sign3A_68 = arith.subi %sign3A_64, %sign3A_67 : i32
    %ne3A = arith.cmpi ne, %sign3A_61, %sign3A_68 : i32
    %rem3A = arith.remsi %reduce_min3A_51, %jit3A : i32
    %ne3A_69 = arith.constant 0 : i32
    %ne3A_70 = arith.cmpi ne, %rem3A, %ne3A_69 : i32
    %and3A = arith.andi %ne3A, %ne3A_70 : i1
    %sub3A = arith.constant 1 : i32
    %sub3A_71 = arith.subi %div3A, %sub3A : i32
    %select_n3A = arith.select %and3A, %sub3A_71, %div3A : i32
    %mul3A_72 = arith.constant 8 : i32
    %mul3A_73 = arith.muli %select_n3A, %mul3A_72 : i32
    %sub3A_74 = arith.subi %reduce_max3A_55, %mul3A_73 : i32
    %jit3A_75 = arith.constant 128 : i32
    %div3A_76 = arith.divsi %sub3A_74, %jit3A_75 : i32
    %sign3A_77 = arith.constant 0 : i32
    %sign3A_78 = arith.cmpi sgt, %sub3A_74, %sign3A_77 : i32
    %sign3A_79 = arith.extui %sign3A_78 : i1 to i32
    %sign3A_80 = arith.constant 0 : i32
    %sign3A_81 = arith.cmpi slt, %sub3A_74, %sign3A_80 : i32
    %sign3A_82 = arith.extui %sign3A_81 : i1 to i32
    %sign3A_83 = arith.subi %sign3A_79, %sign3A_82 : i32
    %sign3A_84 = arith.constant 0 : i32
    %sign3A_85 = arith.cmpi sgt, %jit3A_75, %sign3A_84 : i32
    %sign3A_86 = arith.extui %sign3A_85 : i1 to i32
    %sign3A_87 = arith.constant 0 : i32
    %sign3A_88 = arith.cmpi slt, %jit3A_75, %sign3A_87 : i32
    %sign3A_89 = arith.extui %sign3A_88 : i1 to i32
    %sign3A_90 = arith.subi %sign3A_86, %sign3A_89 : i32
    %ne3A_91 = arith.cmpi ne, %sign3A_83, %sign3A_90 : i32
    %rem3A_92 = arith.remsi %sub3A_74, %jit3A_75 : i32
    %ne3A_93 = arith.constant 0 : i32
    %ne3A_94 = arith.cmpi ne, %rem3A_92, %ne3A_93 : i32
    %and3A_95 = arith.andi %ne3A_91, %ne3A_94 : i1
    %sub3A_96 = arith.constant 1 : i32
    %sub3A_97 = arith.subi %div3A_76, %sub3A_96 : i32
    %select_n3A_98 = arith.select %and3A_95, %sub3A_97, %div3A_76 : i32
    %add3A_99 = arith.constant 1 : i32
    %add3A_100 = arith.addi %select_n3A_98, %add3A_99 : i32
    %while3A = arith.constant 0 : i32
    %while3A_101 = arith.constant 0 : i32
    %while3A_102 = arith.subi %add3A_100, %while3A_101 : i32
    %while3A_103 = arith.addi %while3A_101, %while3A_102 : i32
    %while3A_104 = arith.constant 1 : i32
    %while3A_105 = arith.divsi %while3A_102, %while3A_104 : i32
    %while3A_106 = arith.muli %while3A_105, %while3A_104 : i32
    %while3A_107 = arith.addi %while3A_101, %while3A_106 : i32
    %while3A_108 = arith.constant 1 : i32
    scf.for %while3A_115 = %while3A_101 to %while3A_107 step %while3A_108  : i32 {
      %mul3A_116 = arith.constant 128 : i32
      %mul3A_117 = arith.muli %while3A_115, %mul3A_116 : i32
      %add3A_118 = arith.addi %mul3A_73, %mul3A_117 : i32
      %multiple_of3A = tpu.assume_multiple %add3A_118, 8 : i32
      %iota3A = tpu.iota {dimensions = array<i32: 0>} : vector<128x2560xi32>
      %add3A_119 = vector.broadcast %multiple_of3A : i32 to vector<128x2560xi32>
      %add3A_120 = arith.addi %add3A_119, %iota3A : vector<128x2560xi32>
      %eq3A_121 = vector.broadcast %get3A_47 : vector<1x2560xi32> to vector<128x2560xi32>
      %eq3A_122 = arith.cmpi eq, %add3A_120, %eq3A_121 : vector<128x2560xi32>
      %convert_element_type3A_123 = arith.extui %eq3A_122 : vector<128x2560xi1> to vector<128x2560xi32>
      %convert_element_type3A_124 = arith.sitofp %convert_element_type3A_123 : vector<128x2560xi32> to vector<128x2560xf32>
      %slice3A_125 = vector.extract_strided_slice %convert_element_type3A_124 {offsets = [0, 0], sizes = [128, 1280], strides = [1, 1]} : vector<128x2560xf32> to vector<128x1280xf32>
      %dot_general3A_126 = arith.constant dense<0.000000e+00> : vector<128x128xf32>
      %dot_general3A_127 = tpu.matmul %slice3A_125, %tanh3A, %dot_general3A_126 {dimension_numbers = #tpu.dot_dimension_numbers<[1], [0], [0], [1], [0, 0, 1, 1], [], []>, transpose_lhs_hint = false} : vector<128x1280xf32>, vector<1280x128xf32>, vector<128x128xf32> -> vector<128x128xf32>
      %slice3A_128 = vector.extract_strided_slice %convert_element_type3A_124 {offsets = [0, 1280], sizes = [128, 1280], strides = [1, 1]} : vector<128x2560xf32> to vector<128x1280xf32>
      %dot_general3A_129 = arith.constant dense<0.000000e+00> : vector<128x128xf32>
      %dot_general3A_130 = tpu.matmul %slice3A_128, %tanh3A_42, %dot_general3A_129 {dimension_numbers = #tpu.dot_dimension_numbers<[1], [0], [0], [1], [0, 0, 1, 1], [], []>, transpose_lhs_hint = false} : vector<128x1280xf32>, vector<1280x128xf32>, vector<128x128xf32> -> vector<128x128xf32>
      %add3A_131 = arith.addf %dot_general3A_127, %dot_general3A_130 : vector<128x128xf32>
      %get3A_132 = arith.index_cast %multiple_of3A : i32 to index
      %get3A_133 = arith.constant 0 : index
      %get3A_134 = vector.load %arg9[%get3A_132, %get3A_133] : memref<10240x128xf32, #tpu.memory_space<vmem>>, vector<128x128xf32>
      %add3A_135 = arith.addf %get3A_134, %add3A_131 : vector<128x128xf32>
      %swap3A = arith.index_cast %multiple_of3A : i32 to index
      %swap3A_136 = arith.constant 0 : index
      %swap3A_137 = vector.load %arg9[%swap3A, %swap3A_136] : memref<10240x128xf32, #tpu.memory_space<vmem>>, vector<128x128xf32>
      tpu.vector_store %arg9[%swap3A, %swap3A_136], %add3A_135 {strides = array<i32>} : memref<10240x128xf32, #tpu.memory_space<vmem>>, vector<128x128xf32>,
    }
    %while3A_109 = arith.constant 1 : i32
    scf.for %while3A_115 = %while3A_107 to %while3A_103 step %while3A_109  : i32 {
      %mul3A_116 = arith.constant 128 : i32
      %mul3A_117 = arith.muli %while3A_115, %mul3A_116 : i32
      %add3A_118 = arith.addi %mul3A_73, %mul3A_117 : i32
      %multiple_of3A = tpu.assume_multiple %add3A_118, 8 : i32
      %iota3A = tpu.iota {dimensions = array<i32: 0>} : vector<128x2560xi32>
      %add3A_119 = vector.broadcast %multiple_of3A : i32 to vector<128x2560xi32>
      %add3A_120 = arith.addi %add3A_119, %iota3A : vector<128x2560xi32>
      %eq3A_121 = vector.broadcast %get3A_47 : vector<1x2560xi32> to vector<128x2560xi32>
      %eq3A_122 = arith.cmpi eq, %add3A_120, %eq3A_121 : vector<128x2560xi32>
      %convert_element_type3A_123 = arith.extui %eq3A_122 : vector<128x2560xi1> to vector<128x2560xi32>
      %convert_element_type3A_124 = arith.sitofp %convert_element_type3A_123 : vector<128x2560xi32> to vector<128x2560xf32>
      %slice3A_125 = vector.extract_strided_slice %convert_element_type3A_124 {offsets = [0, 0], sizes = [128, 1280], strides = [1, 1]} : vector<128x2560xf32> to vector<128x1280xf32>
      %dot_general3A_126 = arith.constant dense<0.000000e+00> : vector<128x128xf32>
      %dot_general3A_127 = tpu.matmul %slice3A_125, %tanh3A, %dot_general3A_126 {dimension_numbers = #tpu.dot_dimension_numbers<[1], [0], [0], [1], [0, 0, 1, 1], [], []>, transpose_lhs_hint = false} : vector<128x1280xf32>, vector<1280x128xf32>, vector<128x128xf32> -> vector<128x128xf32>
      %slice3A_128 = vector.extract_strided_slice %convert_element_type3A_124 {offsets = [0, 1280], sizes = [128, 1280], strides = [1, 1]} : vector<128x2560xf32> to vector<128x1280xf32>
      %dot_general3A_129 = arith.constant dense<0.000000e+00> : vector<128x128xf32>
      %dot_general3A_130 = tpu.matmul %slice3A_128, %tanh3A_42, %dot_general3A_129 {dimension_numbers = #tpu.dot_dimension_numbers<[1], [0], [0], [1], [0, 0, 1, 1], [], []>, transpose_lhs_hint = false} : vector<128x1280xf32>, vector<1280x128xf32>, vector<128x128xf32> -> vector<128x128xf32>
      %add3A_131 = arith.addf %dot_general3A_127, %dot_general3A_130 : vector<128x128xf32>
      %get3A_132 = arith.index_cast %multiple_of3A : i32 to index
      %get3A_133 = arith.constant 0 : index
      %get3A_134 = vector.load %arg9[%get3A_132, %get3A_133] : memref<10240x128xf32, #tpu.memory_space<vmem>>, vector<128x128xf32>
      %add3A_135 = arith.addf %get3A_134, %add3A_131 : vector<128x128xf32>
      %swap3A = arith.index_cast %multiple_of3A : i32 to index
      %swap3A_136 = arith.constant 0 : index
      %swap3A_137 = vector.load %arg9[%swap3A, %swap3A_136] : memref<10240x128xf32, #tpu.memory_space<vmem>>, vector<128x128xf32>
      tpu.vector_store %arg9[%swap3A, %swap3A_136], %add3A_135 {strides = array<i32>} : memref<10240x128xf32, #tpu.memory_space<vmem>>, vector<128x128xf32>,
    }
    %eq3A_110 = arith.constant 11 : i32
    %eq3A_111 = arith.cmpi eq, %arg0, %eq3A_110 : i32
    %convert_element_type3A_112 = arith.extui %eq3A_111 : i1 to i32
    %cond3A_113 = arith.constant 0 : i32
    %cond3A_114 = arith.cmpi ne, %convert_element_type3A_112, %cond3A_113 : i32
    scf.if %cond3A_114 {
      %get3A_115 = arith.constant 0 : index
      %get3A_116 = arith.constant 0 : index
      %get3A_117 = vector.load %arg9[%get3A_115, %get3A_116] : memref<10240x128xf32, #tpu.memory_space<vmem>>, vector<10000x128xf32>
      %swap3A = arith.constant 0 : index
      %swap3A_118 = arith.constant 0 : index
      %swap3A_119 = vector.load %arg8[%swap3A, %swap3A_118] : memref<10000x128xf32, #tpu.memory_space<vmem>>, vector<10000x128xf32>
      tpu.vector_store %arg8[%swap3A, %swap3A_118], %get3A_117 {strides = array<i32>} : memref<10000x128xf32, #tpu.memory_space<vmem>>, vector<10000x128xf32>,
    } else {
    }
    return
  }
  func.func @transform_0(%arg0: i32) -> (i32, i32) {
    %add3A = arith.constant 0 : i32
    %add3A_0 = arith.addi %add3A, %arg0 : i32
    %c0_i32 = arith.constant 0 : i32
    %c0_i32_1 = arith.constant 0 : i32
    return %c0_i32, %add3A_0 : i32, i32
  }
  func.func @transform_1(%arg0: i32) -> (i32, i32) {
    %c0_i32 = arith.constant 0 : i32
    %c0_i32_0 = arith.constant 0 : i32
    return %arg0, %c0_i32 : i32, i32
  }
  func.func @transform_2(%arg0: i32) -> (i32, i32, i32) {
    %add3A = arith.constant 0 : i32
    %add3A_0 = arith.addi %add3A, %arg0 : i32
    %c0_i32 = arith.constant 0 : i32
    %c0_i32_1 = arith.constant 0 : i32
    %c0_i32_2 = arith.constant 0 : i32
    return %add3A_0, %c0_i32, %c0_i32_1 : i32, i32, i32
  }
  func.func @transform_3(%arg0: i32) -> (i32, i32) {
    %c0_i32 = arith.constant 0 : i32
    %c0_i32_0 = arith.constant 0 : i32
    %c0_i32_1 = arith.constant 0 : i32
    return %c0_i32, %c0_i32_0 : i32, i32
  }
  func.func @transform_4(%arg0: i32) -> (i32, i32) {
    %c0_i32 = arith.constant 0 : i32
    %c0_i32_0 = arith.constant 0 : i32
    %c0_i32_1 = arith.constant 0 : i32
    return %c0_i32, %c0_i32_0 : i32, i32
  }
  func.func @transform_5(%arg0: i32) -> (i32, i32) {
    %c0_i32 = arith.constant 0 : i32
    %c0_i32_0 = arith.constant 0 : i32
    %c0_i32_1 = arith.constant 0 : i32
    return %c0_i32, %c0_i32_0 : i32, i32
  }
  func.func @transform_6(%arg0: i32) -> (i32, i32) {
    %c0_i32 = arith.constant 0 : i32
    %c0_i32_0 = arith.constant 0 : i32
    %c0_i32_1 = arith.constant 0 : i32
    return %c0_i32, %c0_i32_0 : i32, i32
  }
  func.func @transform_7(%arg0: i32) -> (i32, i32) {
    %c0_i32 = arith.constant 0 : i32
    %c0_i32_0 = arith.constant 0 : i32
    %c0_i32_1 = arith.constant 0 : i32
    return %c0_i32, %c0_i32_0 : i32, i32
  }
}

module attributes {stable_mosaic.version = 14 : i64} {
  func.func @_pairs_body(%arg0: i32, %arg1: memref<100x2560xf32, #tpu.memory_space<vmem>>, %arg2: memref<1280x128xf32, #tpu.memory_space<vmem>>, %arg3: memref<1x1x2560xi32, #tpu.memory_space<vmem>>, %arg4: memref<100x64xbf16, #tpu.memory_space<vmem>>, %arg5: memref<1x64xf32, #tpu.memory_space<vmem>>, %arg6: memref<64x128xbf16, #tpu.memory_space<vmem>>, %arg7: memref<10000x128xf32, #tpu.memory_space<vmem>>, %arg8: memref<10000x128xf32, #tpu.memory_space<vmem>>, %arg9: memref<10240x128xf32, #tpu.memory_space<vmem>>) attributes {dimension_semantics = [#tpu.dimension_semantics<arbitrary>], iteration_bounds = array<i64: 25>, scalar_prefetch = 0 : i64, scratch_operands = 1 : i64, tpu.core_type = #tpu.core_type<tc>, window_params = [{transform_indices = @transform_0, window_bounds = array<i64: 100, 2560>}, {transform_indices = @transform_1, window_bounds = array<i64: 1280, 128>}, {transform_indices = @transform_2, window_bounds = array<i64: 1, 1, 2560>}, {pipeline_mode = #tpu.pipeline_mode<synchronous>, transform_indices = @transform_3, window_bounds = array<i64: 100, 64>}, {pipeline_mode = #tpu.pipeline_mode<synchronous>, transform_indices = @transform_4, window_bounds = array<i64: 1, 64>}, {pipeline_mode = #tpu.pipeline_mode<synchronous>, transform_indices = @transform_5, window_bounds = array<i64: 64, 128>}, {pipeline_mode = #tpu.pipeline_mode<synchronous>, transform_indices = @transform_6, window_bounds = array<i64: 10000, 128>}, {pipeline_mode = #tpu.pipeline_mode<synchronous>, transform_indices = @transform_7, window_bounds = array<i64: 10000, 128>}]} {
    %eq3A = arith.constant 0 : i32
    %eq3A_0 = arith.cmpi eq, %arg0, %eq3A : i32
    %convert_element_type3A = arith.extui %eq3A_0 : i1 to i32
    %cond3A = arith.constant 0 : i32
    %cond3A_1 = arith.cmpi ne, %convert_element_type3A, %cond3A : i32
    scf.if %cond3A_1 {
      %get3A_115 = arith.constant 0 : index
      %get3A_116 = arith.constant 0 : index
      %get3A_117 = vector.load %arg7[%get3A_115, %get3A_116] : memref<10000x128xf32, #tpu.memory_space<vmem>>, vector<10000x128xf32>
      %swap3A = arith.constant 0 : index
      %swap3A_118 = arith.constant 0 : index
      %swap3A_119 = vector.load %arg9[%swap3A, %swap3A_118] : memref<10240x128xf32, #tpu.memory_space<vmem>>, vector<10000x128xf32>
      tpu.vector_store %arg9[%swap3A, %swap3A_118], %get3A_117 {strides = array<i32>} : memref<10240x128xf32, #tpu.memory_space<vmem>>, vector<10000x128xf32>,
      %broadcast_in_dim3A = arith.constant 0.000000e+00 : f32
      %broadcast_in_dim3A_120 = vector.broadcast %broadcast_in_dim3A : f32 to vector<240x128xf32>
      %swap3A_121 = arith.constant 10000 : index
      %swap3A_122 = arith.constant 0 : index
      %swap3A_123 = vector.load %arg9[%swap3A_121, %swap3A_122] : memref<10240x128xf32, #tpu.memory_space<vmem>>, vector<240x128xf32>
      tpu.vector_store %arg9[%swap3A_121, %swap3A_122], %broadcast_in_dim3A_120 {strides = array<i32>} : memref<10240x128xf32, #tpu.memory_space<vmem>>, vector<240x128xf32>,
    } else {
    }
    %get3A = arith.constant 0 : index
    %get3A_2 = arith.constant 0 : index
    %get3A_3 = vector.load %arg1[%get3A, %get3A_2] : memref<100x2560xf32, #tpu.memory_space<vmem>>, vector<100x2560xf32>
    %convert_element_type3A_4 = arith.truncf %get3A_3 : vector<100x2560xf32> to vector<100x2560xbf16>
    %get3A_5 = arith.constant 0 : index
    %get3A_6 = arith.constant 0 : index
    %get3A_7 = vector.load %arg2[%get3A_5, %get3A_6] : memref<1280x128xf32, #tpu.memory_space<vmem>>, vector<1280x128xf32>
    %slice3A = vector.extract_strided_slice %convert_element_type3A_4 {offsets = [0, 0], sizes = [100, 1280], strides = [1, 1]} : vector<100x2560xbf16> to vector<100x1280xbf16>
    %get3A_8 = arith.constant 0 : index
    %get3A_9 = arith.constant 0 : index
    %get3A_10 = vector.load %arg4[%get3A_8, %get3A_9] : memref<100x64xbf16, #tpu.memory_space<vmem>>, vector<100x64xbf16>
    %dot_general3A = arith.constant dense<0.000000e+00> : vector<1280x64xf32>
    %dot_general3A_11 = tpu.matmul %slice3A, %get3A_10, %dot_general3A {dimension_numbers = #tpu.dot_dimension_numbers<[0], [0], [1], [1], [0, 1, 1, 1], [], []>, transpose_lhs_hint = false} : vector<100x1280xbf16>, vector<100x64xbf16>, vector<1280x64xf32> -> vector<1280x64xf32>
    %get3A_12 = arith.constant 0 : index
    %get3A_13 = arith.constant 0 : index
    %get3A_14 = vector.load %arg5[%get3A_12, %get3A_13] : memref<1x64xf32, #tpu.memory_space<vmem>>, vector<1x64xf32>
    %add3A = vector.broadcast %get3A_14 : vector<1x64xf32> to vector<1280x64xf32>
    %add3A_15 = arith.addf %dot_general3A_11, %add3A : vector<1280x64xf32>
    %slice3A_16 = vector.extract_strided_slice %convert_element_type3A_4 {offsets = [0, 1280], sizes = [100, 1280], strides = [1, 1]} : vector<100x2560xbf16> to vector<100x1280xbf16>
    %get3A_17 = arith.constant 0 : index
    %get3A_18 = arith.constant 0 : index
    %get3A_19 = vector.load %arg4[%get3A_17, %get3A_18] : memref<100x64xbf16, #tpu.memory_space<vmem>>, vector<100x64xbf16>
    %dot_general3A_20 = arith.constant dense<0.000000e+00> : vector<1280x64xf32>
    %dot_general3A_21 = tpu.matmul %slice3A_16, %get3A_19, %dot_general3A_20 {dimension_numbers = #tpu.dot_dimension_numbers<[0], [0], [1], [1], [0, 1, 1, 1], [], []>, transpose_lhs_hint = false} : vector<100x1280xbf16>, vector<100x64xbf16>, vector<1280x64xf32> -> vector<1280x64xf32>
    %get3A_22 = arith.constant 0 : index
    %get3A_23 = arith.constant 0 : index
    %get3A_24 = vector.load %arg5[%get3A_22, %get3A_23] : memref<1x64xf32, #tpu.memory_space<vmem>>, vector<1x64xf32>
    %add3A_25 = vector.broadcast %get3A_24 : vector<1x64xf32> to vector<1280x64xf32>
    %add3A_26 = arith.addf %dot_general3A_21, %add3A_25 : vector<1280x64xf32>
    %slice3A_27 = vector.extract_strided_slice %get3A_7 {offsets = [0, 0], sizes = [1280, 64], strides = [1, 1]} : vector<1280x128xf32> to vector<1280x64xf32>
    %mul3A = arith.mulf %add3A_15, %slice3A_27 : vector<1280x64xf32>
    %convert_element_type3A_28 = arith.truncf %mul3A : vector<1280x64xf32> to vector<1280x64xbf16>
    %slice3A_29 = vector.extract_strided_slice %get3A_7 {offsets = [0, 64], sizes = [1280, 64], strides = [1, 1]} : vector<1280x128xf32> to vector<1280x64xf32>
    %mul3A_30 = arith.mulf %add3A_26, %slice3A_29 : vector<1280x64xf32>
    %convert_element_type3A_31 = arith.truncf %mul3A_30 : vector<1280x64xf32> to vector<1280x64xbf16>
    %get3A_32 = arith.constant 0 : index
    %get3A_33 = arith.constant 0 : index
    %get3A_34 = vector.load %arg6[%get3A_32, %get3A_33] : memref<64x128xbf16, #tpu.memory_space<vmem>>, vector<64x128xbf16>
    %dot_general3A_35 = arith.constant dense<0.000000e+00> : vector<1280x128xf32>
    %dot_general3A_36 = tpu.matmul %convert_element_type3A_28, %get3A_34, %dot_general3A_35 {dimension_numbers = #tpu.dot_dimension_numbers<[1], [0], [0], [1], [0, 0, 1, 1], [], []>, transpose_lhs_hint = false} : vector<1280x64xbf16>, vector<64x128xbf16>, vector<1280x128xf32> -> vector<1280x128xf32>
    %tanh3A = math.tanh %dot_general3A_36 : vector<1280x128xf32>
    %get3A_37 = arith.constant 0 : index
    %get3A_38 = arith.constant 0 : index
    %get3A_39 = vector.load %arg6[%get3A_37, %get3A_38] : memref<64x128xbf16, #tpu.memory_space<vmem>>, vector<64x128xbf16>
    %dot_general3A_40 = arith.constant dense<0.000000e+00> : vector<1280x128xf32>
    %dot_general3A_41 = tpu.matmul %convert_element_type3A_31, %get3A_39, %dot_general3A_40 {dimension_numbers = #tpu.dot_dimension_numbers<[1], [0], [0], [1], [0, 0, 1, 1], [], []>, transpose_lhs_hint = false} : vector<1280x64xbf16>, vector<64x128xbf16>, vector<1280x128xf32> -> vector<1280x128xf32>
    %tanh3A_42 = math.tanh %dot_general3A_41 : vector<1280x128xf32>
    %get3A_43 = arith.constant 0 : index
    %get3A_44 = arith.constant 0 : index
    %get3A_45 = arith.constant 0 : index
    %get3A_46 = vector.load %arg3[%get3A_43, %get3A_44, %get3A_45] : memref<1x1x2560xi32, #tpu.memory_space<vmem>>, vector<1x1x2560xi32>
    %get3A_47 = vector.shape_cast %get3A_46 : vector<1x1x2560xi32> to vector<1x2560xi32>
    %reduce_min3A = vector.shape_cast %get3A_47 : vector<1x2560xi32> to vector<1x1x2560xi32>
    %reduce_min3A_48 = arith.constant dense<2147483647> : vector<1xi32>
    %reduce_min3A_49 = vector.multi_reduction <minsi>, %reduce_min3A, %reduce_min3A_48 [1, 2] : vector<1x1x2560xi32> to vector<1xi32>
    %reduce_min3A_50 = vector.shape_cast %reduce_min3A_49 : vector<1xi32> to vector<1x1x1xi32>
    %reduce_min3A_51 = vector.extract %reduce_min3A_50[0, 0, 0] : i32 from vector<1x1x1xi32>
    %reduce_max3A = vector.shape_cast %get3A_47 : vector<1x2560xi32> to vector<1x1x2560xi32>
    %reduce_max3A_52 = arith.constant dense<-2147483648> : vector<1xi32>
    %reduce_max3A_53 = vector.multi_reduction <maxsi>, %reduce_max3A, %reduce_max3A_52 [1, 2] : vector<1x1x2560xi32> to vector<1xi32>
    %reduce_max3A_54 = vector.shape_cast %reduce_max3A_53 : vector<1xi32> to vector<1x1x1xi32>
    %reduce_max3A_55 = vector.extract %reduce_max3A_54[0, 0, 0] : i32 from vector<1x1x1xi32>
    %jit3A = arith.constant 8 : i32
    %div3A = arith.divsi %reduce_min3A_51, %jit3A : i32
    %sign3A = arith.constant 0 : i32
    %sign3A_56 = arith.cmpi sgt, %reduce_min3A_51, %sign3A : i32
    %sign3A_57 = arith.extui %sign3A_56 : i1 to i32
    %sign3A_58 = arith.constant 0 : i32
    %sign3A_59 = arith.cmpi slt, %reduce_min3A_51, %sign3A_58 : i32
    %sign3A_60 = arith.extui %sign3A_59 : i1 to i32
    %sign3A_61 = arith.subi %sign3A_57, %sign3A_60 : i32
    %sign3A_62 = arith.constant 0 : i32
    %sign3A_63 = arith.cmpi sgt, %jit3A, %sign3A_62 : i32
    %sign3A_64 = arith.extui %sign3A_63 : i1 to i32
    %sign3A_65 = arith.constant 0 : i32
    %sign3A_66 = arith.cmpi slt, %jit3A, %sign3A_65 : i32
    %sign3A_67 = arith.extui %sign3A_66 : i1 to i32
    %sign3A_68 = arith.subi %sign3A_64, %sign3A_67 : i32
    %ne3A = arith.cmpi ne, %sign3A_61, %sign3A_68 : i32
    %rem3A = arith.remsi %reduce_min3A_51, %jit3A : i32
    %ne3A_69 = arith.constant 0 : i32
    %ne3A_70 = arith.cmpi ne, %rem3A, %ne3A_69 : i32
    %and3A = arith.andi %ne3A, %ne3A_70 : i1
    %sub3A = arith.constant 1 : i32
    %sub3A_71 = arith.subi %div3A, %sub3A : i32
    %select_n3A = arith.select %and3A, %sub3A_71, %div3A : i32
    %mul3A_72 = arith.constant 8 : i32
    %mul3A_73 = arith.muli %select_n3A, %mul3A_72 : i32
    %sub3A_74 = arith.subi %reduce_max3A_55, %mul3A_73 : i32
    %jit3A_75 = arith.constant 128 : i32
    %div3A_76 = arith.divsi %sub3A_74, %jit3A_75 : i32
    %sign3A_77 = arith.constant 0 : i32
    %sign3A_78 = arith.cmpi sgt, %sub3A_74, %sign3A_77 : i32
    %sign3A_79 = arith.extui %sign3A_78 : i1 to i32
    %sign3A_80 = arith.constant 0 : i32
    %sign3A_81 = arith.cmpi slt, %sub3A_74, %sign3A_80 : i32
    %sign3A_82 = arith.extui %sign3A_81 : i1 to i32
    %sign3A_83 = arith.subi %sign3A_79, %sign3A_82 : i32
    %sign3A_84 = arith.constant 0 : i32
    %sign3A_85 = arith.cmpi sgt, %jit3A_75, %sign3A_84 : i32
    %sign3A_86 = arith.extui %sign3A_85 : i1 to i32
    %sign3A_87 = arith.constant 0 : i32
    %sign3A_88 = arith.cmpi slt, %jit3A_75, %sign3A_87 : i32
    %sign3A_89 = arith.extui %sign3A_88 : i1 to i32
    %sign3A_90 = arith.subi %sign3A_86, %sign3A_89 : i32
    %ne3A_91 = arith.cmpi ne, %sign3A_83, %sign3A_90 : i32
    %rem3A_92 = arith.remsi %sub3A_74, %jit3A_75 : i32
    %ne3A_93 = arith.constant 0 : i32
    %ne3A_94 = arith.cmpi ne, %rem3A_92, %ne3A_93 : i32
    %and3A_95 = arith.andi %ne3A_91, %ne3A_94 : i1
    %sub3A_96 = arith.constant 1 : i32
    %sub3A_97 = arith.subi %div3A_76, %sub3A_96 : i32
    %select_n3A_98 = arith.select %and3A_95, %sub3A_97, %div3A_76 : i32
    %add3A_99 = arith.constant 1 : i32
    %add3A_100 = arith.addi %select_n3A_98, %add3A_99 : i32
    %while3A = arith.constant 0 : i32
    %while3A_101 = arith.constant 0 : i32
    %while3A_102 = arith.subi %add3A_100, %while3A_101 : i32
    %while3A_103 = arith.addi %while3A_101, %while3A_102 : i32
    %while3A_104 = arith.constant 1 : i32
    %while3A_105 = arith.divsi %while3A_102, %while3A_104 : i32
    %while3A_106 = arith.muli %while3A_105, %while3A_104 : i32
    %while3A_107 = arith.addi %while3A_101, %while3A_106 : i32
    %while3A_108 = arith.constant 1 : i32
    scf.for %while3A_115 = %while3A_101 to %while3A_107 step %while3A_108  : i32 {
      %mul3A_116 = arith.constant 128 : i32
      %mul3A_117 = arith.muli %while3A_115, %mul3A_116 : i32
      %add3A_118 = arith.addi %mul3A_73, %mul3A_117 : i32
      %multiple_of3A = tpu.assume_multiple %add3A_118, 8 : i32
      %iota3A = tpu.iota {dimensions = array<i32: 0>} : vector<128x2560xi32>
      %add3A_119 = vector.broadcast %multiple_of3A : i32 to vector<128x2560xi32>
      %add3A_120 = arith.addi %add3A_119, %iota3A : vector<128x2560xi32>
      %eq3A_121 = vector.broadcast %get3A_47 : vector<1x2560xi32> to vector<128x2560xi32>
      %eq3A_122 = arith.cmpi eq, %add3A_120, %eq3A_121 : vector<128x2560xi32>
      %convert_element_type3A_123 = arith.extui %eq3A_122 : vector<128x2560xi1> to vector<128x2560xi32>
      %convert_element_type3A_124 = arith.sitofp %convert_element_type3A_123 : vector<128x2560xi32> to vector<128x2560xf32>
      %slice3A_125 = vector.extract_strided_slice %convert_element_type3A_124 {offsets = [0, 0], sizes = [128, 1280], strides = [1, 1]} : vector<128x2560xf32> to vector<128x1280xf32>
      %dot_general3A_126 = arith.constant dense<0.000000e+00> : vector<128x128xf32>
      %dot_general3A_127 = tpu.matmul %slice3A_125, %tanh3A, %dot_general3A_126 {dimension_numbers = #tpu.dot_dimension_numbers<[1], [0], [0], [1], [0, 0, 1, 1], [], []>, transpose_lhs_hint = false} : vector<128x1280xf32>, vector<1280x128xf32>, vector<128x128xf32> -> vector<128x128xf32>
      %slice3A_128 = vector.extract_strided_slice %convert_element_type3A_124 {offsets = [0, 1280], sizes = [128, 1280], strides = [1, 1]} : vector<128x2560xf32> to vector<128x1280xf32>
      %dot_general3A_129 = arith.constant dense<0.000000e+00> : vector<128x128xf32>
      %dot_general3A_130 = tpu.matmul %slice3A_128, %tanh3A_42, %dot_general3A_129 {dimension_numbers = #tpu.dot_dimension_numbers<[1], [0], [0], [1], [0, 0, 1, 1], [], []>, transpose_lhs_hint = false} : vector<128x1280xf32>, vector<1280x128xf32>, vector<128x128xf32> -> vector<128x128xf32>
      %add3A_131 = arith.addf %dot_general3A_127, %dot_general3A_130 : vector<128x128xf32>
      %get3A_132 = arith.index_cast %multiple_of3A : i32 to index
      %get3A_133 = arith.constant 0 : index
      %get3A_134 = vector.load %arg9[%get3A_132, %get3A_133] : memref<10240x128xf32, #tpu.memory_space<vmem>>, vector<128x128xf32>
      %add3A_135 = arith.addf %get3A_134, %add3A_131 : vector<128x128xf32>
      %swap3A = arith.index_cast %multiple_of3A : i32 to index
      %swap3A_136 = arith.constant 0 : index
      %swap3A_137 = vector.load %arg9[%swap3A, %swap3A_136] : memref<10240x128xf32, #tpu.memory_space<vmem>>, vector<128x128xf32>
      tpu.vector_store %arg9[%swap3A, %swap3A_136], %add3A_135 {strides = array<i32>} : memref<10240x128xf32, #tpu.memory_space<vmem>>, vector<128x128xf32>,
    }
    %while3A_109 = arith.constant 1 : i32
    scf.for %while3A_115 = %while3A_107 to %while3A_103 step %while3A_109  : i32 {
      %mul3A_116 = arith.constant 128 : i32
      %mul3A_117 = arith.muli %while3A_115, %mul3A_116 : i32
      %add3A_118 = arith.addi %mul3A_73, %mul3A_117 : i32
      %multiple_of3A = tpu.assume_multiple %add3A_118, 8 : i32
      %iota3A = tpu.iota {dimensions = array<i32: 0>} : vector<128x2560xi32>
      %add3A_119 = vector.broadcast %multiple_of3A : i32 to vector<128x2560xi32>
      %add3A_120 = arith.addi %add3A_119, %iota3A : vector<128x2560xi32>
      %eq3A_121 = vector.broadcast %get3A_47 : vector<1x2560xi32> to vector<128x2560xi32>
      %eq3A_122 = arith.cmpi eq, %add3A_120, %eq3A_121 : vector<128x2560xi32>
      %convert_element_type3A_123 = arith.extui %eq3A_122 : vector<128x2560xi1> to vector<128x2560xi32>
      %convert_element_type3A_124 = arith.sitofp %convert_element_type3A_123 : vector<128x2560xi32> to vector<128x2560xf32>
      %slice3A_125 = vector.extract_strided_slice %convert_element_type3A_124 {offsets = [0, 0], sizes = [128, 1280], strides = [1, 1]} : vector<128x2560xf32> to vector<128x1280xf32>
      %dot_general3A_126 = arith.constant dense<0.000000e+00> : vector<128x128xf32>
      %dot_general3A_127 = tpu.matmul %slice3A_125, %tanh3A, %dot_general3A_126 {dimension_numbers = #tpu.dot_dimension_numbers<[1], [0], [0], [1], [0, 0, 1, 1], [], []>, transpose_lhs_hint = false} : vector<128x1280xf32>, vector<1280x128xf32>, vector<128x128xf32> -> vector<128x128xf32>
      %slice3A_128 = vector.extract_strided_slice %convert_element_type3A_124 {offsets = [0, 1280], sizes = [128, 1280], strides = [1, 1]} : vector<128x2560xf32> to vector<128x1280xf32>
      %dot_general3A_129 = arith.constant dense<0.000000e+00> : vector<128x128xf32>
      %dot_general3A_130 = tpu.matmul %slice3A_128, %tanh3A_42, %dot_general3A_129 {dimension_numbers = #tpu.dot_dimension_numbers<[1], [0], [0], [1], [0, 0, 1, 1], [], []>, transpose_lhs_hint = false} : vector<128x1280xf32>, vector<1280x128xf32>, vector<128x128xf32> -> vector<128x128xf32>
      %add3A_131 = arith.addf %dot_general3A_127, %dot_general3A_130 : vector<128x128xf32>
      %get3A_132 = arith.index_cast %multiple_of3A : i32 to index
      %get3A_133 = arith.constant 0 : index
      %get3A_134 = vector.load %arg9[%get3A_132, %get3A_133] : memref<10240x128xf32, #tpu.memory_space<vmem>>, vector<128x128xf32>
      %add3A_135 = arith.addf %get3A_134, %add3A_131 : vector<128x128xf32>
      %swap3A = arith.index_cast %multiple_of3A : i32 to index
      %swap3A_136 = arith.constant 0 : index
      %swap3A_137 = vector.load %arg9[%swap3A, %swap3A_136] : memref<10240x128xf32, #tpu.memory_space<vmem>>, vector<128x128xf32>
      tpu.vector_store %arg9[%swap3A, %swap3A_136], %add3A_135 {strides = array<i32>} : memref<10240x128xf32, #tpu.memory_space<vmem>>, vector<128x128xf32>,
    }
    %eq3A_110 = arith.constant 24 : i32
    %eq3A_111 = arith.cmpi eq, %arg0, %eq3A_110 : i32
    %convert_element_type3A_112 = arith.extui %eq3A_111 : i1 to i32
    %cond3A_113 = arith.constant 0 : i32
    %cond3A_114 = arith.cmpi ne, %convert_element_type3A_112, %cond3A_113 : i32
    scf.if %cond3A_114 {
      %get3A_115 = arith.constant 0 : index
      %get3A_116 = arith.constant 0 : index
      %get3A_117 = vector.load %arg9[%get3A_115, %get3A_116] : memref<10240x128xf32, #tpu.memory_space<vmem>>, vector<10000x128xf32>
      %swap3A = arith.constant 0 : index
      %swap3A_118 = arith.constant 0 : index
      %swap3A_119 = vector.load %arg8[%swap3A, %swap3A_118] : memref<10000x128xf32, #tpu.memory_space<vmem>>, vector<10000x128xf32>
      tpu.vector_store %arg8[%swap3A, %swap3A_118], %get3A_117 {strides = array<i32>} : memref<10000x128xf32, #tpu.memory_space<vmem>>, vector<10000x128xf32>,
    } else {
    }
    return
  }
  func.func @transform_0(%arg0: i32) -> (i32, i32) {
    %add3A = arith.constant 12 : i32
    %add3A_0 = arith.addi %add3A, %arg0 : i32
    %c0_i32 = arith.constant 0 : i32
    %c0_i32_1 = arith.constant 0 : i32
    return %c0_i32, %add3A_0 : i32, i32
  }
  func.func @transform_1(%arg0: i32) -> (i32, i32) {
    %c0_i32 = arith.constant 0 : i32
    %c0_i32_0 = arith.constant 0 : i32
    return %arg0, %c0_i32 : i32, i32
  }
  func.func @transform_2(%arg0: i32) -> (i32, i32, i32) {
    %add3A = arith.constant 12 : i32
    %add3A_0 = arith.addi %add3A, %arg0 : i32
    %c0_i32 = arith.constant 0 : i32
    %c0_i32_1 = arith.constant 0 : i32
    %c0_i32_2 = arith.constant 0 : i32
    return %add3A_0, %c0_i32, %c0_i32_1 : i32, i32, i32
  }
  func.func @transform_3(%arg0: i32) -> (i32, i32) {
    %c0_i32 = arith.constant 0 : i32
    %c0_i32_0 = arith.constant 0 : i32
    %c0_i32_1 = arith.constant 0 : i32
    return %c0_i32, %c0_i32_0 : i32, i32
  }
  func.func @transform_4(%arg0: i32) -> (i32, i32) {
    %c0_i32 = arith.constant 0 : i32
    %c0_i32_0 = arith.constant 0 : i32
    %c0_i32_1 = arith.constant 0 : i32
    return %c0_i32, %c0_i32_0 : i32, i32
  }
  func.func @transform_5(%arg0: i32) -> (i32, i32) {
    %c0_i32 = arith.constant 0 : i32
    %c0_i32_0 = arith.constant 0 : i32
    %c0_i32_1 = arith.constant 0 : i32
    return %c0_i32, %c0_i32_0 : i32, i32
  }
  func.func @transform_6(%arg0: i32) -> (i32, i32) {
    %c0_i32 = arith.constant 0 : i32
    %c0_i32_0 = arith.constant 0 : i32
    %c0_i32_1 = arith.constant 0 : i32
    return %c0_i32, %c0_i32_0 : i32, i32
  }
  func.func @transform_7(%arg0: i32) -> (i32, i32) {
    %c0_i32 = arith.constant 0 : i32
    %c0_i32_0 = arith.constant 0 : i32
    %c0_i32_1 = arith.constant 0 : i32
    return %c0_i32, %c0_i32_0 : i32, i32
  }
}

module attributes {stable_mosaic.version = 14 : i64} {
  func.func @_pairs_body(%arg0: i32, %arg1: memref<100x2560xf32, #tpu.memory_space<vmem>>, %arg2: memref<1280x128xf32, #tpu.memory_space<vmem>>, %arg3: memref<1x1x2560xi32, #tpu.memory_space<vmem>>, %arg4: memref<100x64xbf16, #tpu.memory_space<vmem>>, %arg5: memref<1x64xf32, #tpu.memory_space<vmem>>, %arg6: memref<64x128xbf16, #tpu.memory_space<vmem>>, %arg7: memref<10000x128xf32, #tpu.memory_space<vmem>>, %arg8: memref<10000x128xf32, #tpu.memory_space<vmem>>, %arg9: memref<10240x128xf32, #tpu.memory_space<vmem>>) attributes {dimension_semantics = [#tpu.dimension_semantics<arbitrary>], iteration_bounds = array<i64: 42>, scalar_prefetch = 0 : i64, scratch_operands = 1 : i64, tpu.core_type = #tpu.core_type<tc>, window_params = [{transform_indices = @transform_0, window_bounds = array<i64: 100, 2560>}, {transform_indices = @transform_1, window_bounds = array<i64: 1280, 128>}, {transform_indices = @transform_2, window_bounds = array<i64: 1, 1, 2560>}, {pipeline_mode = #tpu.pipeline_mode<synchronous>, transform_indices = @transform_3, window_bounds = array<i64: 100, 64>}, {pipeline_mode = #tpu.pipeline_mode<synchronous>, transform_indices = @transform_4, window_bounds = array<i64: 1, 64>}, {pipeline_mode = #tpu.pipeline_mode<synchronous>, transform_indices = @transform_5, window_bounds = array<i64: 64, 128>}, {pipeline_mode = #tpu.pipeline_mode<synchronous>, transform_indices = @transform_6, window_bounds = array<i64: 10000, 128>}, {pipeline_mode = #tpu.pipeline_mode<synchronous>, transform_indices = @transform_7, window_bounds = array<i64: 10000, 128>}]} {
    %eq3A = arith.constant 0 : i32
    %eq3A_0 = arith.cmpi eq, %arg0, %eq3A : i32
    %convert_element_type3A = arith.extui %eq3A_0 : i1 to i32
    %cond3A = arith.constant 0 : i32
    %cond3A_1 = arith.cmpi ne, %convert_element_type3A, %cond3A : i32
    scf.if %cond3A_1 {
      %get3A_115 = arith.constant 0 : index
      %get3A_116 = arith.constant 0 : index
      %get3A_117 = vector.load %arg7[%get3A_115, %get3A_116] : memref<10000x128xf32, #tpu.memory_space<vmem>>, vector<10000x128xf32>
      %swap3A = arith.constant 0 : index
      %swap3A_118 = arith.constant 0 : index
      %swap3A_119 = vector.load %arg9[%swap3A, %swap3A_118] : memref<10240x128xf32, #tpu.memory_space<vmem>>, vector<10000x128xf32>
      tpu.vector_store %arg9[%swap3A, %swap3A_118], %get3A_117 {strides = array<i32>} : memref<10240x128xf32, #tpu.memory_space<vmem>>, vector<10000x128xf32>,
      %broadcast_in_dim3A = arith.constant 0.000000e+00 : f32
      %broadcast_in_dim3A_120 = vector.broadcast %broadcast_in_dim3A : f32 to vector<240x128xf32>
      %swap3A_121 = arith.constant 10000 : index
      %swap3A_122 = arith.constant 0 : index
      %swap3A_123 = vector.load %arg9[%swap3A_121, %swap3A_122] : memref<10240x128xf32, #tpu.memory_space<vmem>>, vector<240x128xf32>
      tpu.vector_store %arg9[%swap3A_121, %swap3A_122], %broadcast_in_dim3A_120 {strides = array<i32>} : memref<10240x128xf32, #tpu.memory_space<vmem>>, vector<240x128xf32>,
    } else {
    }
    %get3A = arith.constant 0 : index
    %get3A_2 = arith.constant 0 : index
    %get3A_3 = vector.load %arg1[%get3A, %get3A_2] : memref<100x2560xf32, #tpu.memory_space<vmem>>, vector<100x2560xf32>
    %convert_element_type3A_4 = arith.truncf %get3A_3 : vector<100x2560xf32> to vector<100x2560xbf16>
    %get3A_5 = arith.constant 0 : index
    %get3A_6 = arith.constant 0 : index
    %get3A_7 = vector.load %arg2[%get3A_5, %get3A_6] : memref<1280x128xf32, #tpu.memory_space<vmem>>, vector<1280x128xf32>
    %slice3A = vector.extract_strided_slice %convert_element_type3A_4 {offsets = [0, 0], sizes = [100, 1280], strides = [1, 1]} : vector<100x2560xbf16> to vector<100x1280xbf16>
    %get3A_8 = arith.constant 0 : index
    %get3A_9 = arith.constant 0 : index
    %get3A_10 = vector.load %arg4[%get3A_8, %get3A_9] : memref<100x64xbf16, #tpu.memory_space<vmem>>, vector<100x64xbf16>
    %dot_general3A = arith.constant dense<0.000000e+00> : vector<1280x64xf32>
    %dot_general3A_11 = tpu.matmul %slice3A, %get3A_10, %dot_general3A {dimension_numbers = #tpu.dot_dimension_numbers<[0], [0], [1], [1], [0, 1, 1, 1], [], []>, transpose_lhs_hint = false} : vector<100x1280xbf16>, vector<100x64xbf16>, vector<1280x64xf32> -> vector<1280x64xf32>
    %get3A_12 = arith.constant 0 : index
    %get3A_13 = arith.constant 0 : index
    %get3A_14 = vector.load %arg5[%get3A_12, %get3A_13] : memref<1x64xf32, #tpu.memory_space<vmem>>, vector<1x64xf32>
    %add3A = vector.broadcast %get3A_14 : vector<1x64xf32> to vector<1280x64xf32>
    %add3A_15 = arith.addf %dot_general3A_11, %add3A : vector<1280x64xf32>
    %slice3A_16 = vector.extract_strided_slice %convert_element_type3A_4 {offsets = [0, 1280], sizes = [100, 1280], strides = [1, 1]} : vector<100x2560xbf16> to vector<100x1280xbf16>
    %get3A_17 = arith.constant 0 : index
    %get3A_18 = arith.constant 0 : index
    %get3A_19 = vector.load %arg4[%get3A_17, %get3A_18] : memref<100x64xbf16, #tpu.memory_space<vmem>>, vector<100x64xbf16>
    %dot_general3A_20 = arith.constant dense<0.000000e+00> : vector<1280x64xf32>
    %dot_general3A_21 = tpu.matmul %slice3A_16, %get3A_19, %dot_general3A_20 {dimension_numbers = #tpu.dot_dimension_numbers<[0], [0], [1], [1], [0, 1, 1, 1], [], []>, transpose_lhs_hint = false} : vector<100x1280xbf16>, vector<100x64xbf16>, vector<1280x64xf32> -> vector<1280x64xf32>
    %get3A_22 = arith.constant 0 : index
    %get3A_23 = arith.constant 0 : index
    %get3A_24 = vector.load %arg5[%get3A_22, %get3A_23] : memref<1x64xf32, #tpu.memory_space<vmem>>, vector<1x64xf32>
    %add3A_25 = vector.broadcast %get3A_24 : vector<1x64xf32> to vector<1280x64xf32>
    %add3A_26 = arith.addf %dot_general3A_21, %add3A_25 : vector<1280x64xf32>
    %slice3A_27 = vector.extract_strided_slice %get3A_7 {offsets = [0, 0], sizes = [1280, 64], strides = [1, 1]} : vector<1280x128xf32> to vector<1280x64xf32>
    %mul3A = arith.mulf %add3A_15, %slice3A_27 : vector<1280x64xf32>
    %convert_element_type3A_28 = arith.truncf %mul3A : vector<1280x64xf32> to vector<1280x64xbf16>
    %slice3A_29 = vector.extract_strided_slice %get3A_7 {offsets = [0, 64], sizes = [1280, 64], strides = [1, 1]} : vector<1280x128xf32> to vector<1280x64xf32>
    %mul3A_30 = arith.mulf %add3A_26, %slice3A_29 : vector<1280x64xf32>
    %convert_element_type3A_31 = arith.truncf %mul3A_30 : vector<1280x64xf32> to vector<1280x64xbf16>
    %get3A_32 = arith.constant 0 : index
    %get3A_33 = arith.constant 0 : index
    %get3A_34 = vector.load %arg6[%get3A_32, %get3A_33] : memref<64x128xbf16, #tpu.memory_space<vmem>>, vector<64x128xbf16>
    %dot_general3A_35 = arith.constant dense<0.000000e+00> : vector<1280x128xf32>
    %dot_general3A_36 = tpu.matmul %convert_element_type3A_28, %get3A_34, %dot_general3A_35 {dimension_numbers = #tpu.dot_dimension_numbers<[1], [0], [0], [1], [0, 0, 1, 1], [], []>, transpose_lhs_hint = false} : vector<1280x64xbf16>, vector<64x128xbf16>, vector<1280x128xf32> -> vector<1280x128xf32>
    %tanh3A = math.tanh %dot_general3A_36 : vector<1280x128xf32>
    %get3A_37 = arith.constant 0 : index
    %get3A_38 = arith.constant 0 : index
    %get3A_39 = vector.load %arg6[%get3A_37, %get3A_38] : memref<64x128xbf16, #tpu.memory_space<vmem>>, vector<64x128xbf16>
    %dot_general3A_40 = arith.constant dense<0.000000e+00> : vector<1280x128xf32>
    %dot_general3A_41 = tpu.matmul %convert_element_type3A_31, %get3A_39, %dot_general3A_40 {dimension_numbers = #tpu.dot_dimension_numbers<[1], [0], [0], [1], [0, 0, 1, 1], [], []>, transpose_lhs_hint = false} : vector<1280x64xbf16>, vector<64x128xbf16>, vector<1280x128xf32> -> vector<1280x128xf32>
    %tanh3A_42 = math.tanh %dot_general3A_41 : vector<1280x128xf32>
    %get3A_43 = arith.constant 0 : index
    %get3A_44 = arith.constant 0 : index
    %get3A_45 = arith.constant 0 : index
    %get3A_46 = vector.load %arg3[%get3A_43, %get3A_44, %get3A_45] : memref<1x1x2560xi32, #tpu.memory_space<vmem>>, vector<1x1x2560xi32>
    %get3A_47 = vector.shape_cast %get3A_46 : vector<1x1x2560xi32> to vector<1x2560xi32>
    %reduce_min3A = vector.shape_cast %get3A_47 : vector<1x2560xi32> to vector<1x1x2560xi32>
    %reduce_min3A_48 = arith.constant dense<2147483647> : vector<1xi32>
    %reduce_min3A_49 = vector.multi_reduction <minsi>, %reduce_min3A, %reduce_min3A_48 [1, 2] : vector<1x1x2560xi32> to vector<1xi32>
    %reduce_min3A_50 = vector.shape_cast %reduce_min3A_49 : vector<1xi32> to vector<1x1x1xi32>
    %reduce_min3A_51 = vector.extract %reduce_min3A_50[0, 0, 0] : i32 from vector<1x1x1xi32>
    %reduce_max3A = vector.shape_cast %get3A_47 : vector<1x2560xi32> to vector<1x1x2560xi32>
    %reduce_max3A_52 = arith.constant dense<-2147483648> : vector<1xi32>
    %reduce_max3A_53 = vector.multi_reduction <maxsi>, %reduce_max3A, %reduce_max3A_52 [1, 2] : vector<1x1x2560xi32> to vector<1xi32>
    %reduce_max3A_54 = vector.shape_cast %reduce_max3A_53 : vector<1xi32> to vector<1x1x1xi32>
    %reduce_max3A_55 = vector.extract %reduce_max3A_54[0, 0, 0] : i32 from vector<1x1x1xi32>
    %jit3A = arith.constant 8 : i32
    %div3A = arith.divsi %reduce_min3A_51, %jit3A : i32
    %sign3A = arith.constant 0 : i32
    %sign3A_56 = arith.cmpi sgt, %reduce_min3A_51, %sign3A : i32
    %sign3A_57 = arith.extui %sign3A_56 : i1 to i32
    %sign3A_58 = arith.constant 0 : i32
    %sign3A_59 = arith.cmpi slt, %reduce_min3A_51, %sign3A_58 : i32
    %sign3A_60 = arith.extui %sign3A_59 : i1 to i32
    %sign3A_61 = arith.subi %sign3A_57, %sign3A_60 : i32
    %sign3A_62 = arith.constant 0 : i32
    %sign3A_63 = arith.cmpi sgt, %jit3A, %sign3A_62 : i32
    %sign3A_64 = arith.extui %sign3A_63 : i1 to i32
    %sign3A_65 = arith.constant 0 : i32
    %sign3A_66 = arith.cmpi slt, %jit3A, %sign3A_65 : i32
    %sign3A_67 = arith.extui %sign3A_66 : i1 to i32
    %sign3A_68 = arith.subi %sign3A_64, %sign3A_67 : i32
    %ne3A = arith.cmpi ne, %sign3A_61, %sign3A_68 : i32
    %rem3A = arith.remsi %reduce_min3A_51, %jit3A : i32
    %ne3A_69 = arith.constant 0 : i32
    %ne3A_70 = arith.cmpi ne, %rem3A, %ne3A_69 : i32
    %and3A = arith.andi %ne3A, %ne3A_70 : i1
    %sub3A = arith.constant 1 : i32
    %sub3A_71 = arith.subi %div3A, %sub3A : i32
    %select_n3A = arith.select %and3A, %sub3A_71, %div3A : i32
    %mul3A_72 = arith.constant 8 : i32
    %mul3A_73 = arith.muli %select_n3A, %mul3A_72 : i32
    %sub3A_74 = arith.subi %reduce_max3A_55, %mul3A_73 : i32
    %jit3A_75 = arith.constant 128 : i32
    %div3A_76 = arith.divsi %sub3A_74, %jit3A_75 : i32
    %sign3A_77 = arith.constant 0 : i32
    %sign3A_78 = arith.cmpi sgt, %sub3A_74, %sign3A_77 : i32
    %sign3A_79 = arith.extui %sign3A_78 : i1 to i32
    %sign3A_80 = arith.constant 0 : i32
    %sign3A_81 = arith.cmpi slt, %sub3A_74, %sign3A_80 : i32
    %sign3A_82 = arith.extui %sign3A_81 : i1 to i32
    %sign3A_83 = arith.subi %sign3A_79, %sign3A_82 : i32
    %sign3A_84 = arith.constant 0 : i32
    %sign3A_85 = arith.cmpi sgt, %jit3A_75, %sign3A_84 : i32
    %sign3A_86 = arith.extui %sign3A_85 : i1 to i32
    %sign3A_87 = arith.constant 0 : i32
    %sign3A_88 = arith.cmpi slt, %jit3A_75, %sign3A_87 : i32
    %sign3A_89 = arith.extui %sign3A_88 : i1 to i32
    %sign3A_90 = arith.subi %sign3A_86, %sign3A_89 : i32
    %ne3A_91 = arith.cmpi ne, %sign3A_83, %sign3A_90 : i32
    %rem3A_92 = arith.remsi %sub3A_74, %jit3A_75 : i32
    %ne3A_93 = arith.constant 0 : i32
    %ne3A_94 = arith.cmpi ne, %rem3A_92, %ne3A_93 : i32
    %and3A_95 = arith.andi %ne3A_91, %ne3A_94 : i1
    %sub3A_96 = arith.constant 1 : i32
    %sub3A_97 = arith.subi %div3A_76, %sub3A_96 : i32
    %select_n3A_98 = arith.select %and3A_95, %sub3A_97, %div3A_76 : i32
    %add3A_99 = arith.constant 1 : i32
    %add3A_100 = arith.addi %select_n3A_98, %add3A_99 : i32
    %while3A = arith.constant 0 : i32
    %while3A_101 = arith.constant 0 : i32
    %while3A_102 = arith.subi %add3A_100, %while3A_101 : i32
    %while3A_103 = arith.addi %while3A_101, %while3A_102 : i32
    %while3A_104 = arith.constant 1 : i32
    %while3A_105 = arith.divsi %while3A_102, %while3A_104 : i32
    %while3A_106 = arith.muli %while3A_105, %while3A_104 : i32
    %while3A_107 = arith.addi %while3A_101, %while3A_106 : i32
    %while3A_108 = arith.constant 1 : i32
    scf.for %while3A_115 = %while3A_101 to %while3A_107 step %while3A_108  : i32 {
      %mul3A_116 = arith.constant 128 : i32
      %mul3A_117 = arith.muli %while3A_115, %mul3A_116 : i32
      %add3A_118 = arith.addi %mul3A_73, %mul3A_117 : i32
      %multiple_of3A = tpu.assume_multiple %add3A_118, 8 : i32
      %iota3A = tpu.iota {dimensions = array<i32: 0>} : vector<128x2560xi32>
      %add3A_119 = vector.broadcast %multiple_of3A : i32 to vector<128x2560xi32>
      %add3A_120 = arith.addi %add3A_119, %iota3A : vector<128x2560xi32>
      %eq3A_121 = vector.broadcast %get3A_47 : vector<1x2560xi32> to vector<128x2560xi32>
      %eq3A_122 = arith.cmpi eq, %add3A_120, %eq3A_121 : vector<128x2560xi32>
      %convert_element_type3A_123 = arith.extui %eq3A_122 : vector<128x2560xi1> to vector<128x2560xi32>
      %convert_element_type3A_124 = arith.sitofp %convert_element_type3A_123 : vector<128x2560xi32> to vector<128x2560xf32>
      %slice3A_125 = vector.extract_strided_slice %convert_element_type3A_124 {offsets = [0, 0], sizes = [128, 1280], strides = [1, 1]} : vector<128x2560xf32> to vector<128x1280xf32>
      %dot_general3A_126 = arith.constant dense<0.000000e+00> : vector<128x128xf32>
      %dot_general3A_127 = tpu.matmul %slice3A_125, %tanh3A, %dot_general3A_126 {dimension_numbers = #tpu.dot_dimension_numbers<[1], [0], [0], [1], [0, 0, 1, 1], [], []>, transpose_lhs_hint = false} : vector<128x1280xf32>, vector<1280x128xf32>, vector<128x128xf32> -> vector<128x128xf32>
      %slice3A_128 = vector.extract_strided_slice %convert_element_type3A_124 {offsets = [0, 1280], sizes = [128, 1280], strides = [1, 1]} : vector<128x2560xf32> to vector<128x1280xf32>
      %dot_general3A_129 = arith.constant dense<0.000000e+00> : vector<128x128xf32>
      %dot_general3A_130 = tpu.matmul %slice3A_128, %tanh3A_42, %dot_general3A_129 {dimension_numbers = #tpu.dot_dimension_numbers<[1], [0], [0], [1], [0, 0, 1, 1], [], []>, transpose_lhs_hint = false} : vector<128x1280xf32>, vector<1280x128xf32>, vector<128x128xf32> -> vector<128x128xf32>
      %add3A_131 = arith.addf %dot_general3A_127, %dot_general3A_130 : vector<128x128xf32>
      %get3A_132 = arith.index_cast %multiple_of3A : i32 to index
      %get3A_133 = arith.constant 0 : index
      %get3A_134 = vector.load %arg9[%get3A_132, %get3A_133] : memref<10240x128xf32, #tpu.memory_space<vmem>>, vector<128x128xf32>
      %add3A_135 = arith.addf %get3A_134, %add3A_131 : vector<128x128xf32>
      %swap3A = arith.index_cast %multiple_of3A : i32 to index
      %swap3A_136 = arith.constant 0 : index
      %swap3A_137 = vector.load %arg9[%swap3A, %swap3A_136] : memref<10240x128xf32, #tpu.memory_space<vmem>>, vector<128x128xf32>
      tpu.vector_store %arg9[%swap3A, %swap3A_136], %add3A_135 {strides = array<i32>} : memref<10240x128xf32, #tpu.memory_space<vmem>>, vector<128x128xf32>,
    }
    %while3A_109 = arith.constant 1 : i32
    scf.for %while3A_115 = %while3A_107 to %while3A_103 step %while3A_109  : i32 {
      %mul3A_116 = arith.constant 128 : i32
      %mul3A_117 = arith.muli %while3A_115, %mul3A_116 : i32
      %add3A_118 = arith.addi %mul3A_73, %mul3A_117 : i32
      %multiple_of3A = tpu.assume_multiple %add3A_118, 8 : i32
      %iota3A = tpu.iota {dimensions = array<i32: 0>} : vector<128x2560xi32>
      %add3A_119 = vector.broadcast %multiple_of3A : i32 to vector<128x2560xi32>
      %add3A_120 = arith.addi %add3A_119, %iota3A : vector<128x2560xi32>
      %eq3A_121 = vector.broadcast %get3A_47 : vector<1x2560xi32> to vector<128x2560xi32>
      %eq3A_122 = arith.cmpi eq, %add3A_120, %eq3A_121 : vector<128x2560xi32>
      %convert_element_type3A_123 = arith.extui %eq3A_122 : vector<128x2560xi1> to vector<128x2560xi32>
      %convert_element_type3A_124 = arith.sitofp %convert_element_type3A_123 : vector<128x2560xi32> to vector<128x2560xf32>
      %slice3A_125 = vector.extract_strided_slice %convert_element_type3A_124 {offsets = [0, 0], sizes = [128, 1280], strides = [1, 1]} : vector<128x2560xf32> to vector<128x1280xf32>
      %dot_general3A_126 = arith.constant dense<0.000000e+00> : vector<128x128xf32>
      %dot_general3A_127 = tpu.matmul %slice3A_125, %tanh3A, %dot_general3A_126 {dimension_numbers = #tpu.dot_dimension_numbers<[1], [0], [0], [1], [0, 0, 1, 1], [], []>, transpose_lhs_hint = false} : vector<128x1280xf32>, vector<1280x128xf32>, vector<128x128xf32> -> vector<128x128xf32>
      %slice3A_128 = vector.extract_strided_slice %convert_element_type3A_124 {offsets = [0, 1280], sizes = [128, 1280], strides = [1, 1]} : vector<128x2560xf32> to vector<128x1280xf32>
      %dot_general3A_129 = arith.constant dense<0.000000e+00> : vector<128x128xf32>
      %dot_general3A_130 = tpu.matmul %slice3A_128, %tanh3A_42, %dot_general3A_129 {dimension_numbers = #tpu.dot_dimension_numbers<[1], [0], [0], [1], [0, 0, 1, 1], [], []>, transpose_lhs_hint = false} : vector<128x1280xf32>, vector<1280x128xf32>, vector<128x128xf32> -> vector<128x128xf32>
      %add3A_131 = arith.addf %dot_general3A_127, %dot_general3A_130 : vector<128x128xf32>
      %get3A_132 = arith.index_cast %multiple_of3A : i32 to index
      %get3A_133 = arith.constant 0 : index
      %get3A_134 = vector.load %arg9[%get3A_132, %get3A_133] : memref<10240x128xf32, #tpu.memory_space<vmem>>, vector<128x128xf32>
      %add3A_135 = arith.addf %get3A_134, %add3A_131 : vector<128x128xf32>
      %swap3A = arith.index_cast %multiple_of3A : i32 to index
      %swap3A_136 = arith.constant 0 : index
      %swap3A_137 = vector.load %arg9[%swap3A, %swap3A_136] : memref<10240x128xf32, #tpu.memory_space<vmem>>, vector<128x128xf32>
      tpu.vector_store %arg9[%swap3A, %swap3A_136], %add3A_135 {strides = array<i32>} : memref<10240x128xf32, #tpu.memory_space<vmem>>, vector<128x128xf32>,
    }
    %eq3A_110 = arith.constant 41 : i32
    %eq3A_111 = arith.cmpi eq, %arg0, %eq3A_110 : i32
    %convert_element_type3A_112 = arith.extui %eq3A_111 : i1 to i32
    %cond3A_113 = arith.constant 0 : i32
    %cond3A_114 = arith.cmpi ne, %convert_element_type3A_112, %cond3A_113 : i32
    scf.if %cond3A_114 {
      %get3A_115 = arith.constant 0 : index
      %get3A_116 = arith.constant 0 : index
      %get3A_117 = vector.load %arg9[%get3A_115, %get3A_116] : memref<10240x128xf32, #tpu.memory_space<vmem>>, vector<10000x128xf32>
      %swap3A = arith.constant 0 : index
      %swap3A_118 = arith.constant 0 : index
      %swap3A_119 = vector.load %arg8[%swap3A, %swap3A_118] : memref<10000x128xf32, #tpu.memory_space<vmem>>, vector<10000x128xf32>
      tpu.vector_store %arg8[%swap3A, %swap3A_118], %get3A_117 {strides = array<i32>} : memref<10000x128xf32, #tpu.memory_space<vmem>>, vector<10000x128xf32>,
    } else {
    }
    return
  }
  func.func @transform_0(%arg0: i32) -> (i32, i32) {
    %add3A = arith.constant 37 : i32
    %add3A_0 = arith.addi %add3A, %arg0 : i32
    %c0_i32 = arith.constant 0 : i32
    %c0_i32_1 = arith.constant 0 : i32
    return %c0_i32, %add3A_0 : i32, i32
  }
  func.func @transform_1(%arg0: i32) -> (i32, i32) {
    %c0_i32 = arith.constant 0 : i32
    %c0_i32_0 = arith.constant 0 : i32
    return %arg0, %c0_i32 : i32, i32
  }
  func.func @transform_2(%arg0: i32) -> (i32, i32, i32) {
    %add3A = arith.constant 37 : i32
    %add3A_0 = arith.addi %add3A, %arg0 : i32
    %c0_i32 = arith.constant 0 : i32
    %c0_i32_1 = arith.constant 0 : i32
    %c0_i32_2 = arith.constant 0 : i32
    return %add3A_0, %c0_i32, %c0_i32_1 : i32, i32, i32
  }
  func.func @transform_3(%arg0: i32) -> (i32, i32) {
    %c0_i32 = arith.constant 0 : i32
    %c0_i32_0 = arith.constant 0 : i32
    %c0_i32_1 = arith.constant 0 : i32
    return %c0_i32, %c0_i32_0 : i32, i32
  }
  func.func @transform_4(%arg0: i32) -> (i32, i32) {
    %c0_i32 = arith.constant 0 : i32
    %c0_i32_0 = arith.constant 0 : i32
    %c0_i32_1 = arith.constant 0 : i32
    return %c0_i32, %c0_i32_0 : i32, i32
  }
  func.func @transform_5(%arg0: i32) -> (i32, i32) {
    %c0_i32 = arith.constant 0 : i32
    %c0_i32_0 = arith.constant 0 : i32
    %c0_i32_1 = arith.constant 0 : i32
    return %c0_i32, %c0_i32_0 : i32, i32
  }
  func.func @transform_6(%arg0: i32) -> (i32, i32) {
    %c0_i32 = arith.constant 0 : i32
    %c0_i32_0 = arith.constant 0 : i32
    %c0_i32_1 = arith.constant 0 : i32
    return %c0_i32, %c0_i32_0 : i32, i32
  }
  func.func @transform_7(%arg0: i32) -> (i32, i32) {
    %c0_i32 = arith.constant 0 : i32
    %c0_i32_0 = arith.constant 0 : i32
    %c0_i32_1 = arith.constant 0 : i32
    return %c0_i32, %c0_i32_0 : i32, i32
  }
}

module attributes {stable_mosaic.version = 14 : i64} {
  func.func @_pairs_body(%arg0: i32, %arg1: memref<100x2560xf32, #tpu.memory_space<vmem>>, %arg2: memref<1280x128xf32, #tpu.memory_space<vmem>>, %arg3: memref<1x1x2560xi32, #tpu.memory_space<vmem>>, %arg4: memref<100x64xbf16, #tpu.memory_space<vmem>>, %arg5: memref<1x64xf32, #tpu.memory_space<vmem>>, %arg6: memref<64x128xbf16, #tpu.memory_space<vmem>>, %arg7: memref<10000x128xf32, #tpu.memory_space<vmem>>, %arg8: memref<10000x128xf32, #tpu.memory_space<vmem>>, %arg9: memref<10240x128xf32, #tpu.memory_space<vmem>>) attributes {dimension_semantics = [#tpu.dimension_semantics<arbitrary>], iteration_bounds = array<i64: 46>, scalar_prefetch = 0 : i64, scratch_operands = 1 : i64, tpu.core_type = #tpu.core_type<tc>, window_params = [{transform_indices = @transform_0, window_bounds = array<i64: 100, 2560>}, {transform_indices = @transform_1, window_bounds = array<i64: 1280, 128>}, {transform_indices = @transform_2, window_bounds = array<i64: 1, 1, 2560>}, {pipeline_mode = #tpu.pipeline_mode<synchronous>, transform_indices = @transform_3, window_bounds = array<i64: 100, 64>}, {pipeline_mode = #tpu.pipeline_mode<synchronous>, transform_indices = @transform_4, window_bounds = array<i64: 1, 64>}, {pipeline_mode = #tpu.pipeline_mode<synchronous>, transform_indices = @transform_5, window_bounds = array<i64: 64, 128>}, {pipeline_mode = #tpu.pipeline_mode<synchronous>, transform_indices = @transform_6, window_bounds = array<i64: 10000, 128>}, {pipeline_mode = #tpu.pipeline_mode<synchronous>, transform_indices = @transform_7, window_bounds = array<i64: 10000, 128>}]} {
    %eq3A = arith.constant 0 : i32
    %eq3A_0 = arith.cmpi eq, %arg0, %eq3A : i32
    %convert_element_type3A = arith.extui %eq3A_0 : i1 to i32
    %cond3A = arith.constant 0 : i32
    %cond3A_1 = arith.cmpi ne, %convert_element_type3A, %cond3A : i32
    scf.if %cond3A_1 {
      %get3A_115 = arith.constant 0 : index
      %get3A_116 = arith.constant 0 : index
      %get3A_117 = vector.load %arg7[%get3A_115, %get3A_116] : memref<10000x128xf32, #tpu.memory_space<vmem>>, vector<10000x128xf32>
      %swap3A = arith.constant 0 : index
      %swap3A_118 = arith.constant 0 : index
      %swap3A_119 = vector.load %arg9[%swap3A, %swap3A_118] : memref<10240x128xf32, #tpu.memory_space<vmem>>, vector<10000x128xf32>
      tpu.vector_store %arg9[%swap3A, %swap3A_118], %get3A_117 {strides = array<i32>} : memref<10240x128xf32, #tpu.memory_space<vmem>>, vector<10000x128xf32>,
      %broadcast_in_dim3A = arith.constant 0.000000e+00 : f32
      %broadcast_in_dim3A_120 = vector.broadcast %broadcast_in_dim3A : f32 to vector<240x128xf32>
      %swap3A_121 = arith.constant 10000 : index
      %swap3A_122 = arith.constant 0 : index
      %swap3A_123 = vector.load %arg9[%swap3A_121, %swap3A_122] : memref<10240x128xf32, #tpu.memory_space<vmem>>, vector<240x128xf32>
      tpu.vector_store %arg9[%swap3A_121, %swap3A_122], %broadcast_in_dim3A_120 {strides = array<i32>} : memref<10240x128xf32, #tpu.memory_space<vmem>>, vector<240x128xf32>,
    } else {
    }
    %get3A = arith.constant 0 : index
    %get3A_2 = arith.constant 0 : index
    %get3A_3 = vector.load %arg1[%get3A, %get3A_2] : memref<100x2560xf32, #tpu.memory_space<vmem>>, vector<100x2560xf32>
    %convert_element_type3A_4 = arith.truncf %get3A_3 : vector<100x2560xf32> to vector<100x2560xbf16>
    %get3A_5 = arith.constant 0 : index
    %get3A_6 = arith.constant 0 : index
    %get3A_7 = vector.load %arg2[%get3A_5, %get3A_6] : memref<1280x128xf32, #tpu.memory_space<vmem>>, vector<1280x128xf32>
    %slice3A = vector.extract_strided_slice %convert_element_type3A_4 {offsets = [0, 0], sizes = [100, 1280], strides = [1, 1]} : vector<100x2560xbf16> to vector<100x1280xbf16>
    %get3A_8 = arith.constant 0 : index
    %get3A_9 = arith.constant 0 : index
    %get3A_10 = vector.load %arg4[%get3A_8, %get3A_9] : memref<100x64xbf16, #tpu.memory_space<vmem>>, vector<100x64xbf16>
    %dot_general3A = arith.constant dense<0.000000e+00> : vector<1280x64xf32>
    %dot_general3A_11 = tpu.matmul %slice3A, %get3A_10, %dot_general3A {dimension_numbers = #tpu.dot_dimension_numbers<[0], [0], [1], [1], [0, 1, 1, 1], [], []>, transpose_lhs_hint = false} : vector<100x1280xbf16>, vector<100x64xbf16>, vector<1280x64xf32> -> vector<1280x64xf32>
    %get3A_12 = arith.constant 0 : index
    %get3A_13 = arith.constant 0 : index
    %get3A_14 = vector.load %arg5[%get3A_12, %get3A_13] : memref<1x64xf32, #tpu.memory_space<vmem>>, vector<1x64xf32>
    %add3A = vector.broadcast %get3A_14 : vector<1x64xf32> to vector<1280x64xf32>
    %add3A_15 = arith.addf %dot_general3A_11, %add3A : vector<1280x64xf32>
    %slice3A_16 = vector.extract_strided_slice %convert_element_type3A_4 {offsets = [0, 1280], sizes = [100, 1280], strides = [1, 1]} : vector<100x2560xbf16> to vector<100x1280xbf16>
    %get3A_17 = arith.constant 0 : index
    %get3A_18 = arith.constant 0 : index
    %get3A_19 = vector.load %arg4[%get3A_17, %get3A_18] : memref<100x64xbf16, #tpu.memory_space<vmem>>, vector<100x64xbf16>
    %dot_general3A_20 = arith.constant dense<0.000000e+00> : vector<1280x64xf32>
    %dot_general3A_21 = tpu.matmul %slice3A_16, %get3A_19, %dot_general3A_20 {dimension_numbers = #tpu.dot_dimension_numbers<[0], [0], [1], [1], [0, 1, 1, 1], [], []>, transpose_lhs_hint = false} : vector<100x1280xbf16>, vector<100x64xbf16>, vector<1280x64xf32> -> vector<1280x64xf32>
    %get3A_22 = arith.constant 0 : index
    %get3A_23 = arith.constant 0 : index
    %get3A_24 = vector.load %arg5[%get3A_22, %get3A_23] : memref<1x64xf32, #tpu.memory_space<vmem>>, vector<1x64xf32>
    %add3A_25 = vector.broadcast %get3A_24 : vector<1x64xf32> to vector<1280x64xf32>
    %add3A_26 = arith.addf %dot_general3A_21, %add3A_25 : vector<1280x64xf32>
    %slice3A_27 = vector.extract_strided_slice %get3A_7 {offsets = [0, 0], sizes = [1280, 64], strides = [1, 1]} : vector<1280x128xf32> to vector<1280x64xf32>
    %mul3A = arith.mulf %add3A_15, %slice3A_27 : vector<1280x64xf32>
    %convert_element_type3A_28 = arith.truncf %mul3A : vector<1280x64xf32> to vector<1280x64xbf16>
    %slice3A_29 = vector.extract_strided_slice %get3A_7 {offsets = [0, 64], sizes = [1280, 64], strides = [1, 1]} : vector<1280x128xf32> to vector<1280x64xf32>
    %mul3A_30 = arith.mulf %add3A_26, %slice3A_29 : vector<1280x64xf32>
    %convert_element_type3A_31 = arith.truncf %mul3A_30 : vector<1280x64xf32> to vector<1280x64xbf16>
    %get3A_32 = arith.constant 0 : index
    %get3A_33 = arith.constant 0 : index
    %get3A_34 = vector.load %arg6[%get3A_32, %get3A_33] : memref<64x128xbf16, #tpu.memory_space<vmem>>, vector<64x128xbf16>
    %dot_general3A_35 = arith.constant dense<0.000000e+00> : vector<1280x128xf32>
    %dot_general3A_36 = tpu.matmul %convert_element_type3A_28, %get3A_34, %dot_general3A_35 {dimension_numbers = #tpu.dot_dimension_numbers<[1], [0], [0], [1], [0, 0, 1, 1], [], []>, transpose_lhs_hint = false} : vector<1280x64xbf16>, vector<64x128xbf16>, vector<1280x128xf32> -> vector<1280x128xf32>
    %tanh3A = math.tanh %dot_general3A_36 : vector<1280x128xf32>
    %get3A_37 = arith.constant 0 : index
    %get3A_38 = arith.constant 0 : index
    %get3A_39 = vector.load %arg6[%get3A_37, %get3A_38] : memref<64x128xbf16, #tpu.memory_space<vmem>>, vector<64x128xbf16>
    %dot_general3A_40 = arith.constant dense<0.000000e+00> : vector<1280x128xf32>
    %dot_general3A_41 = tpu.matmul %convert_element_type3A_31, %get3A_39, %dot_general3A_40 {dimension_numbers = #tpu.dot_dimension_numbers<[1], [0], [0], [1], [0, 0, 1, 1], [], []>, transpose_lhs_hint = false} : vector<1280x64xbf16>, vector<64x128xbf16>, vector<1280x128xf32> -> vector<1280x128xf32>
    %tanh3A_42 = math.tanh %dot_general3A_41 : vector<1280x128xf32>
    %get3A_43 = arith.constant 0 : index
    %get3A_44 = arith.constant 0 : index
    %get3A_45 = arith.constant 0 : index
    %get3A_46 = vector.load %arg3[%get3A_43, %get3A_44, %get3A_45] : memref<1x1x2560xi32, #tpu.memory_space<vmem>>, vector<1x1x2560xi32>
    %get3A_47 = vector.shape_cast %get3A_46 : vector<1x1x2560xi32> to vector<1x2560xi32>
    %reduce_min3A = vector.shape_cast %get3A_47 : vector<1x2560xi32> to vector<1x1x2560xi32>
    %reduce_min3A_48 = arith.constant dense<2147483647> : vector<1xi32>
    %reduce_min3A_49 = vector.multi_reduction <minsi>, %reduce_min3A, %reduce_min3A_48 [1, 2] : vector<1x1x2560xi32> to vector<1xi32>
    %reduce_min3A_50 = vector.shape_cast %reduce_min3A_49 : vector<1xi32> to vector<1x1x1xi32>
    %reduce_min3A_51 = vector.extract %reduce_min3A_50[0, 0, 0] : i32 from vector<1x1x1xi32>
    %reduce_max3A = vector.shape_cast %get3A_47 : vector<1x2560xi32> to vector<1x1x2560xi32>
    %reduce_max3A_52 = arith.constant dense<-2147483648> : vector<1xi32>
    %reduce_max3A_53 = vector.multi_reduction <maxsi>, %reduce_max3A, %reduce_max3A_52 [1, 2] : vector<1x1x2560xi32> to vector<1xi32>
    %reduce_max3A_54 = vector.shape_cast %reduce_max3A_53 : vector<1xi32> to vector<1x1x1xi32>
    %reduce_max3A_55 = vector.extract %reduce_max3A_54[0, 0, 0] : i32 from vector<1x1x1xi32>
    %jit3A = arith.constant 8 : i32
    %div3A = arith.divsi %reduce_min3A_51, %jit3A : i32
    %sign3A = arith.constant 0 : i32
    %sign3A_56 = arith.cmpi sgt, %reduce_min3A_51, %sign3A : i32
    %sign3A_57 = arith.extui %sign3A_56 : i1 to i32
    %sign3A_58 = arith.constant 0 : i32
    %sign3A_59 = arith.cmpi slt, %reduce_min3A_51, %sign3A_58 : i32
    %sign3A_60 = arith.extui %sign3A_59 : i1 to i32
    %sign3A_61 = arith.subi %sign3A_57, %sign3A_60 : i32
    %sign3A_62 = arith.constant 0 : i32
    %sign3A_63 = arith.cmpi sgt, %jit3A, %sign3A_62 : i32
    %sign3A_64 = arith.extui %sign3A_63 : i1 to i32
    %sign3A_65 = arith.constant 0 : i32
    %sign3A_66 = arith.cmpi slt, %jit3A, %sign3A_65 : i32
    %sign3A_67 = arith.extui %sign3A_66 : i1 to i32
    %sign3A_68 = arith.subi %sign3A_64, %sign3A_67 : i32
    %ne3A = arith.cmpi ne, %sign3A_61, %sign3A_68 : i32
    %rem3A = arith.remsi %reduce_min3A_51, %jit3A : i32
    %ne3A_69 = arith.constant 0 : i32
    %ne3A_70 = arith.cmpi ne, %rem3A, %ne3A_69 : i32
    %and3A = arith.andi %ne3A, %ne3A_70 : i1
    %sub3A = arith.constant 1 : i32
    %sub3A_71 = arith.subi %div3A, %sub3A : i32
    %select_n3A = arith.select %and3A, %sub3A_71, %div3A : i32
    %mul3A_72 = arith.constant 8 : i32
    %mul3A_73 = arith.muli %select_n3A, %mul3A_72 : i32
    %sub3A_74 = arith.subi %reduce_max3A_55, %mul3A_73 : i32
    %jit3A_75 = arith.constant 128 : i32
    %div3A_76 = arith.divsi %sub3A_74, %jit3A_75 : i32
    %sign3A_77 = arith.constant 0 : i32
    %sign3A_78 = arith.cmpi sgt, %sub3A_74, %sign3A_77 : i32
    %sign3A_79 = arith.extui %sign3A_78 : i1 to i32
    %sign3A_80 = arith.constant 0 : i32
    %sign3A_81 = arith.cmpi slt, %sub3A_74, %sign3A_80 : i32
    %sign3A_82 = arith.extui %sign3A_81 : i1 to i32
    %sign3A_83 = arith.subi %sign3A_79, %sign3A_82 : i32
    %sign3A_84 = arith.constant 0 : i32
    %sign3A_85 = arith.cmpi sgt, %jit3A_75, %sign3A_84 : i32
    %sign3A_86 = arith.extui %sign3A_85 : i1 to i32
    %sign3A_87 = arith.constant 0 : i32
    %sign3A_88 = arith.cmpi slt, %jit3A_75, %sign3A_87 : i32
    %sign3A_89 = arith.extui %sign3A_88 : i1 to i32
    %sign3A_90 = arith.subi %sign3A_86, %sign3A_89 : i32
    %ne3A_91 = arith.cmpi ne, %sign3A_83, %sign3A_90 : i32
    %rem3A_92 = arith.remsi %sub3A_74, %jit3A_75 : i32
    %ne3A_93 = arith.constant 0 : i32
    %ne3A_94 = arith.cmpi ne, %rem3A_92, %ne3A_93 : i32
    %and3A_95 = arith.andi %ne3A_91, %ne3A_94 : i1
    %sub3A_96 = arith.constant 1 : i32
    %sub3A_97 = arith.subi %div3A_76, %sub3A_96 : i32
    %select_n3A_98 = arith.select %and3A_95, %sub3A_97, %div3A_76 : i32
    %add3A_99 = arith.constant 1 : i32
    %add3A_100 = arith.addi %select_n3A_98, %add3A_99 : i32
    %while3A = arith.constant 0 : i32
    %while3A_101 = arith.constant 0 : i32
    %while3A_102 = arith.subi %add3A_100, %while3A_101 : i32
    %while3A_103 = arith.addi %while3A_101, %while3A_102 : i32
    %while3A_104 = arith.constant 1 : i32
    %while3A_105 = arith.divsi %while3A_102, %while3A_104 : i32
    %while3A_106 = arith.muli %while3A_105, %while3A_104 : i32
    %while3A_107 = arith.addi %while3A_101, %while3A_106 : i32
    %while3A_108 = arith.constant 1 : i32
    scf.for %while3A_115 = %while3A_101 to %while3A_107 step %while3A_108  : i32 {
      %mul3A_116 = arith.constant 128 : i32
      %mul3A_117 = arith.muli %while3A_115, %mul3A_116 : i32
      %add3A_118 = arith.addi %mul3A_73, %mul3A_117 : i32
      %multiple_of3A = tpu.assume_multiple %add3A_118, 8 : i32
      %iota3A = tpu.iota {dimensions = array<i32: 0>} : vector<128x2560xi32>
      %add3A_119 = vector.broadcast %multiple_of3A : i32 to vector<128x2560xi32>
      %add3A_120 = arith.addi %add3A_119, %iota3A : vector<128x2560xi32>
      %eq3A_121 = vector.broadcast %get3A_47 : vector<1x2560xi32> to vector<128x2560xi32>
      %eq3A_122 = arith.cmpi eq, %add3A_120, %eq3A_121 : vector<128x2560xi32>
      %convert_element_type3A_123 = arith.extui %eq3A_122 : vector<128x2560xi1> to vector<128x2560xi32>
      %convert_element_type3A_124 = arith.sitofp %convert_element_type3A_123 : vector<128x2560xi32> to vector<128x2560xf32>
      %slice3A_125 = vector.extract_strided_slice %convert_element_type3A_124 {offsets = [0, 0], sizes = [128, 1280], strides = [1, 1]} : vector<128x2560xf32> to vector<128x1280xf32>
      %dot_general3A_126 = arith.constant dense<0.000000e+00> : vector<128x128xf32>
      %dot_general3A_127 = tpu.matmul %slice3A_125, %tanh3A, %dot_general3A_126 {dimension_numbers = #tpu.dot_dimension_numbers<[1], [0], [0], [1], [0, 0, 1, 1], [], []>, transpose_lhs_hint = false} : vector<128x1280xf32>, vector<1280x128xf32>, vector<128x128xf32> -> vector<128x128xf32>
      %slice3A_128 = vector.extract_strided_slice %convert_element_type3A_124 {offsets = [0, 1280], sizes = [128, 1280], strides = [1, 1]} : vector<128x2560xf32> to vector<128x1280xf32>
      %dot_general3A_129 = arith.constant dense<0.000000e+00> : vector<128x128xf32>
      %dot_general3A_130 = tpu.matmul %slice3A_128, %tanh3A_42, %dot_general3A_129 {dimension_numbers = #tpu.dot_dimension_numbers<[1], [0], [0], [1], [0, 0, 1, 1], [], []>, transpose_lhs_hint = false} : vector<128x1280xf32>, vector<1280x128xf32>, vector<128x128xf32> -> vector<128x128xf32>
      %add3A_131 = arith.addf %dot_general3A_127, %dot_general3A_130 : vector<128x128xf32>
      %get3A_132 = arith.index_cast %multiple_of3A : i32 to index
      %get3A_133 = arith.constant 0 : index
      %get3A_134 = vector.load %arg9[%get3A_132, %get3A_133] : memref<10240x128xf32, #tpu.memory_space<vmem>>, vector<128x128xf32>
      %add3A_135 = arith.addf %get3A_134, %add3A_131 : vector<128x128xf32>
      %swap3A = arith.index_cast %multiple_of3A : i32 to index
      %swap3A_136 = arith.constant 0 : index
      %swap3A_137 = vector.load %arg9[%swap3A, %swap3A_136] : memref<10240x128xf32, #tpu.memory_space<vmem>>, vector<128x128xf32>
      tpu.vector_store %arg9[%swap3A, %swap3A_136], %add3A_135 {strides = array<i32>} : memref<10240x128xf32, #tpu.memory_space<vmem>>, vector<128x128xf32>,
    }
    %while3A_109 = arith.constant 1 : i32
    scf.for %while3A_115 = %while3A_107 to %while3A_103 step %while3A_109  : i32 {
      %mul3A_116 = arith.constant 128 : i32
      %mul3A_117 = arith.muli %while3A_115, %mul3A_116 : i32
      %add3A_118 = arith.addi %mul3A_73, %mul3A_117 : i32
      %multiple_of3A = tpu.assume_multiple %add3A_118, 8 : i32
      %iota3A = tpu.iota {dimensions = array<i32: 0>} : vector<128x2560xi32>
      %add3A_119 = vector.broadcast %multiple_of3A : i32 to vector<128x2560xi32>
      %add3A_120 = arith.addi %add3A_119, %iota3A : vector<128x2560xi32>
      %eq3A_121 = vector.broadcast %get3A_47 : vector<1x2560xi32> to vector<128x2560xi32>
      %eq3A_122 = arith.cmpi eq, %add3A_120, %eq3A_121 : vector<128x2560xi32>
      %convert_element_type3A_123 = arith.extui %eq3A_122 : vector<128x2560xi1> to vector<128x2560xi32>
      %convert_element_type3A_124 = arith.sitofp %convert_element_type3A_123 : vector<128x2560xi32> to vector<128x2560xf32>
      %slice3A_125 = vector.extract_strided_slice %convert_element_type3A_124 {offsets = [0, 0], sizes = [128, 1280], strides = [1, 1]} : vector<128x2560xf32> to vector<128x1280xf32>
      %dot_general3A_126 = arith.constant dense<0.000000e+00> : vector<128x128xf32>
      %dot_general3A_127 = tpu.matmul %slice3A_125, %tanh3A, %dot_general3A_126 {dimension_numbers = #tpu.dot_dimension_numbers<[1], [0], [0], [1], [0, 0, 1, 1], [], []>, transpose_lhs_hint = false} : vector<128x1280xf32>, vector<1280x128xf32>, vector<128x128xf32> -> vector<128x128xf32>
      %slice3A_128 = vector.extract_strided_slice %convert_element_type3A_124 {offsets = [0, 1280], sizes = [128, 1280], strides = [1, 1]} : vector<128x2560xf32> to vector<128x1280xf32>
      %dot_general3A_129 = arith.constant dense<0.000000e+00> : vector<128x128xf32>
      %dot_general3A_130 = tpu.matmul %slice3A_128, %tanh3A_42, %dot_general3A_129 {dimension_numbers = #tpu.dot_dimension_numbers<[1], [0], [0], [1], [0, 0, 1, 1], [], []>, transpose_lhs_hint = false} : vector<128x1280xf32>, vector<1280x128xf32>, vector<128x128xf32> -> vector<128x128xf32>
      %add3A_131 = arith.addf %dot_general3A_127, %dot_general3A_130 : vector<128x128xf32>
      %get3A_132 = arith.index_cast %multiple_of3A : i32 to index
      %get3A_133 = arith.constant 0 : index
      %get3A_134 = vector.load %arg9[%get3A_132, %get3A_133] : memref<10240x128xf32, #tpu.memory_space<vmem>>, vector<128x128xf32>
      %add3A_135 = arith.addf %get3A_134, %add3A_131 : vector<128x128xf32>
      %swap3A = arith.index_cast %multiple_of3A : i32 to index
      %swap3A_136 = arith.constant 0 : index
      %swap3A_137 = vector.load %arg9[%swap3A, %swap3A_136] : memref<10240x128xf32, #tpu.memory_space<vmem>>, vector<128x128xf32>
      tpu.vector_store %arg9[%swap3A, %swap3A_136], %add3A_135 {strides = array<i32>} : memref<10240x128xf32, #tpu.memory_space<vmem>>, vector<128x128xf32>,
    }
    %eq3A_110 = arith.constant 45 : i32
    %eq3A_111 = arith.cmpi eq, %arg0, %eq3A_110 : i32
    %convert_element_type3A_112 = arith.extui %eq3A_111 : i1 to i32
    %cond3A_113 = arith.constant 0 : i32
    %cond3A_114 = arith.cmpi ne, %convert_element_type3A_112, %cond3A_113 : i32
    scf.if %cond3A_114 {
      %get3A_115 = arith.constant 0 : index
      %get3A_116 = arith.constant 0 : index
      %get3A_117 = vector.load %arg9[%get3A_115, %get3A_116] : memref<10240x128xf32, #tpu.memory_space<vmem>>, vector<10000x128xf32>
      %swap3A = arith.constant 0 : index
      %swap3A_118 = arith.constant 0 : index
      %swap3A_119 = vector.load %arg8[%swap3A, %swap3A_118] : memref<10000x128xf32, #tpu.memory_space<vmem>>, vector<10000x128xf32>
      tpu.vector_store %arg8[%swap3A, %swap3A_118], %get3A_117 {strides = array<i32>} : memref<10000x128xf32, #tpu.memory_space<vmem>>, vector<10000x128xf32>,
    } else {
    }
    return
  }
  func.func @transform_0(%arg0: i32) -> (i32, i32) {
    %add3A = arith.constant 79 : i32
    %add3A_0 = arith.addi %add3A, %arg0 : i32
    %c0_i32 = arith.constant 0 : i32
    %c0_i32_1 = arith.constant 0 : i32
    return %c0_i32, %add3A_0 : i32, i32
  }
  func.func @transform_1(%arg0: i32) -> (i32, i32) {
    %c0_i32 = arith.constant 0 : i32
    %c0_i32_0 = arith.constant 0 : i32
    return %arg0, %c0_i32 : i32, i32
  }
  func.func @transform_2(%arg0: i32) -> (i32, i32, i32) {
    %add3A = arith.constant 79 : i32
    %add3A_0 = arith.addi %add3A, %arg0 : i32
    %c0_i32 = arith.constant 0 : i32
    %c0_i32_1 = arith.constant 0 : i32
    %c0_i32_2 = arith.constant 0 : i32
    return %add3A_0, %c0_i32, %c0_i32_1 : i32, i32, i32
  }
  func.func @transform_3(%arg0: i32) -> (i32, i32) {
    %c0_i32 = arith.constant 0 : i32
    %c0_i32_0 = arith.constant 0 : i32
    %c0_i32_1 = arith.constant 0 : i32
    return %c0_i32, %c0_i32_0 : i32, i32
  }
  func.func @transform_4(%arg0: i32) -> (i32, i32) {
    %c0_i32 = arith.constant 0 : i32
    %c0_i32_0 = arith.constant 0 : i32
    %c0_i32_1 = arith.constant 0 : i32
    return %c0_i32, %c0_i32_0 : i32, i32
  }
  func.func @transform_5(%arg0: i32) -> (i32, i32) {
    %c0_i32 = arith.constant 0 : i32
    %c0_i32_0 = arith.constant 0 : i32
    %c0_i32_1 = arith.constant 0 : i32
    return %c0_i32, %c0_i32_0 : i32, i32
  }
  func.func @transform_6(%arg0: i32) -> (i32, i32) {
    %c0_i32 = arith.constant 0 : i32
    %c0_i32_0 = arith.constant 0 : i32
    %c0_i32_1 = arith.constant 0 : i32
    return %c0_i32, %c0_i32_0 : i32, i32
  }
  func.func @transform_7(%arg0: i32) -> (i32, i32) {
    %c0_i32 = arith.constant 0 : i32
    %c0_i32_0 = arith.constant 0 : i32
    %c0_i32_1 = arith.constant 0 : i32
    return %c0_i32, %c0_i32_0 : i32, i32
  }
}

</mosaic_0001>

<sc_bundles>
// kernel: kernel.11.cloned.1.call-start
scs
__scs_entry_jumppad:
0x0: {  	(pc) =	sbr.rel $0x88, $3  }
0x1: {  	(tag) =	ssettag $0x0;
	lr =	simm.s32 $0x1  }
0x2: {  	[smem:$0x3F98] =	sst lr;
	_ =	strace $0xD0000000  }
0x3: {  	_ = 	snop  }
0x4: {  	_ = 	snop  }
0x5: {  	_ = 	snop  }
0x6: {  	_ = 	snop  }
0x7: {  	_ = 	snop  }
__scs_overlays_trampoline_lowered:
0x8: {  	[smem:$0x3FA7] =	sst s0  }
0x9: {  	[smem:$0x3FA8] =	sst s1  }
0xa: {  	[smem:$0x3FA9] =	sst s2  }
0xb: {  	[smem:$0x3FAA] =	sst s3  }
0xc: {  	[smem:$0x3FAB] =	sst s4  }
0xd: {  	[smem:$0x3FAC] =	sst s5  }
0xe: {  	[smem:$0x3FAD] =	sst s6  }
0xf: {  	[smem:$0x3FAE] =	sst s7  }
0x10: {  	[smem:$0x3FAF] =	sst s8  }
0x11: {  	[smem:$0x3FB0] =	sst s9;
	s0 =	simm.s32 @!p0 $0x0  }
0x12: {  	s1 =	sld [smem:$0x3F96];
	s0 =	simm.s32 @p0 $0x1  }
0x13: {  	[smem:$0x3FB1] =	sst s0;
	s0 =	simm.s32 @!p1 $0x0  }
0x14: {  	s2 =	sld [smem:$0x3F95];
	s0 =	simm.s32 @p1 $0x1  }
0x15: {  	[smem:$0x3FB2] =	sst s0;
	s0 =	simm.s32 @!p2 $0x0  }
0x16: {  	s3 =	sld [smem:$0x3FDB];
	s0 =	simm.s32 @p2 $0x1  }
0x17: {  	s4 =	simm.s32 $0x1BF5;
	[smem:$0x3FB4] =	sst s0  }
0x18: {  	s0 =	sld [smem:$0x3F97];
	_ =	swait.ge [sflag:s4], $0x0  }
0x19: {  	s7 =	sld [smem:$0x3F98]  }
0x1a: {  	s8 =	sadd.s32 $0xFFFFE003, lr  }
0x1b: {  	s9 =	sadd.s32 $0xFFFFFEF7, lr;
	s5 =	simm.s32 $0xFFFFFFFF;
	p2 =	slt.u32 s8, $0xFFFFF086  }
0x1c: {  	p1 =	slt.u32 s9, $0xF7A;
	s5 =	simm.s32 @!p2 $0x0  }
0x1d: {  	s5 =	simm.s32 @p1 $0x1;
	p0 =	seq.s32 s7, s2  }
0x1e: {  	s7 =	smul.u32 @!p0 $0xF7A, s2;
	p2 =	seq.s32 @!p0 s5, $0x0  }
0x1f: {  	s9 =	smul.u32 $0xF7A, s1;
	s8 =	simm.s32 @!p0 $0x1BF5;
	p2 =	por !p2, p0  }
0x20: {  	[sflag:s8] =	ssyncset.s32 @!p0 $0xFFFFF086;
	s6 =	sadd.s32 @!p0 s3, s7;
	s7 =	simm.s32 @!p0 $0x108  }
0x21: {  	s3 =	sadd.s32 s3, s9;
	s6 =	sadd.s32 @!p0 $0x88, s6;
	s7 =	simm.s32 @p2 $0x1082  }
0x22: {  	[simem:s7], [sflag:s8] =	dma.local @!p0 [hbm:s6], $0xF7A  }
0x23: {  	s9 =	sor.u32 $0xD0000000, s2;
	s6 =	simm.s32 $0x108;
	_ =	swait.ge @!p0 [sflag:s8], $0x0  }
0x24: {  	s3 =	sadd.s32 $0x88, s3;
	s6 =	simm.s32 @!p1 $0x1082;
	[sflag:s4] =	ssyncset.s32 $0xFFFFF086  }
0x25: {  	[simem:s6], [sflag:s4] =	dma.local [hbm:s3], $0xF7A  }
0x26: {  	[smem:$0x3F98] =	sst s1;
	(tag) =	ssettag s2;
	_ =	strace s9  }
0x27: {  	s1 =	sld [smem:$0x3FA8]  }
0x28: {  	s2 =	sld [smem:$0x3FA9]  }
0x29: {  	s4 =	sld [smem:$0x3FAB]  }
0x2a: {  	p0 =	seq.s32 s5, $0x0;
	s5 =	sld [smem:$0x3FAC]  }
0x2b: {  	s6 =	sld [smem:$0x3FAD]  }
0x2c: {  	s7 =	sld [smem:$0x3FAE]  }
0x2d: {  	s3 =	simm.s32 $0x108;
	s8 =	sld [smem:$0x3FAF]  }
0x2e: {  	s3 =	simm.s32 @!p0 $0x1082;
	s9 =	sld [smem:$0x3FB0]  }
0x2f: {  	lr =	sadd.s32 s0, s3;
	s0 =	sld [smem:$0x3FA7]  }
0x30: {  	s3 =	sld [smem:$0x3FAA]  }
0x31: {  	[smem:$0x3FB3] =	sst s10  }
0x32: {  	s10 =	sld [smem:$0x3FB1];
	_ =	sdelay $0x3  }
0x33: {  	p0 =	seq.s32 s10, $0x1;
	s10 =	sld [smem:$0x3FB3];
	_ =	sdelay $0x3  }
0x34: {  	[smem:$0x3FB3] =	sst s10  }
0x35: {  	s10 =	sld [smem:$0x3FB2];
	_ =	sdelay $0x3  }
0x36: {  	p1 =	seq.s32 s10, $0x1;
	s10 =	sld [smem:$0x3FB3];
	_ =	sdelay $0x3  }
0x37: {  	[smem:$0x3FB3] =	sst s10  }
0x38: {  	s10 =	sld [smem:$0x3FB4]  }
0x39: {  	_ = 	snop;
	(pc) =	sbr.ind lr, $3  }
0x3a: {  	_ = 	snop  }
0x3b: {  	_ = 	snop  }
0x3c: {  	p2 =	seq.s32 s10, $0x1;
	s10 =	sld [smem:$0x3FB3]  }
0x3d: {  	_ =	shalt  }
0x3e: {  	_ =	shalt  }
0x3f: {  	_ =	shalt  }
0x40: {  	_ =	shalt  }
0x41: {  	_ =	shalt  }
0x42: {  	_ =	shalt  }
0x43: {  	_ =	shalt  }
0x44: {  	_ =	shalt  }
0x45: {  	_ =	shalt  }
0x46: {  	_ =	shalt  }
0x47: {  	_ =	shalt  }
0x48: {  	_ =	shalt  }
0x49: {  	_ =	shalt  }
0x4a: {  	_ =	shalt  }
0x4b: {  	_ =	shalt  }
0x4c: {  	_ =	shalt  }
0x4d: {  	_ =	shalt  }
0x4e: {  	_ =	shalt  }
0x4f: {  	_ =	shalt  }
0x50: {  	_ =	shalt  }
0x51: {  	_ =	shalt  }
0x52: {  	_ =	shalt  }
0x53: {  	_ =	shalt  }
0x54: {  	_ =	shalt  }
0x55: {  	_ =	shalt  }
0x56: {  	_ =	shalt  }
0x57: {  	_ =	shalt  }
0x58: {  	_ =	shalt  }
0x59: {  	_ =	shalt  }
0x5a: {  	_ =	shalt  }
0x5b: {  	_ =	shalt  }
0x5c: {  	_ =	shalt  }
0x5d: {  	_ =	shalt  }
0x5e: {  	_ =	shalt  }
0x5f: {  	_ =	shalt  }
0x60: {  	_ =	shalt  }
0x61: {  	_ =	shalt  }
0x62: {  	_ =	shalt  }
0x63: {  	_ =	shalt  }
0x64: {  	_ =	shalt  }
0x65: {  	_ =	shalt  }
0x66: {  	_ =	shalt  }
0x67: {  	_ =	shalt  }
0x68: {  	_ =	shalt  }
0x69: {  	_ =	shalt  }
0x6a: {  	_ =	shalt  }
0x6b: {  	_ =	shalt  }
0x6c: {  	_ =	shalt  }
0x6d: {  	_ =	shalt  }
0x6e: {  	_ =	shalt  }
0x6f: {  	_ =	shalt  }
0x70: {  	_ =	shalt  }
0x71: {  	_ =	shalt  }
0x72: {  	_ =	shalt  }
0x73: {  	_ =	shalt  }
0x74: {  	_ =	shalt  }
0x75: {  	_ =	shalt  }
0x76: {  	_ =	shalt  }
0x77: {  	_ =	shalt  }
0x78: {  	_ =	shalt  }
0x79: {  	_ =	shalt  }
0x7a: {  	_ =	shalt  }
0x7b: {  	_ =	shalt  }
0x7c: {  	_ =	shalt  }
0x7d: {  	_ =	shalt  }
0x7e: {  	_ =	shalt  }
0x7f: {  	_ =	shalt  }
0x80: {  	_ =	shalt  }
0x81: {  	_ =	shalt  }
0x82: {  	_ =	shalt  }
0x83: {  	_ =	shalt  }
0x84: {  	_ =	shalt  }
0x85: {  	_ =	shalt  }
0x86: {  	_ =	shalt  }
0x87: {  	_ =	shalt  }
.Lfunc_end0:
.L_simem_size_0:
called_computation_lowered:
.L_overlay_start_0:
0x88: {  	s2 =	sld [smem:$0x3FD9]  }
0x89: {  	s3 =	sld [smem:$0x3FFE];
	_ =	sdelay $0x1  }
0x8a: {  	s1 =	srdreg.scid  }
0x8b: {  	s0 =	sand.u32 $0x1, s1  }
0x8c: {  	s17 =	sshll.u32 s0, $0xA;
	s2 =	sadd.s32 s3, s2  }
0x8d: {  	s2 =	sadd.s32 s2, s17  }
0x8e: {  	[smem:$0x3FBF] =	sst s2  }
0x8f: {  	_ = 	snop  }
0x90: {  	s2 =	sld [smem:$0x3FC6]  }
0x91: {  	s18 =	sld [smem:$0x3FD0];
	(tm) =	ssettm $0x1  }
0x92: {  	s4 =	sld [smem:$0x3FFB];
	_ =	sdelay $0x3  }
0x93: {  	_ =	strace s4  }
0x94: {  	s4 =	sld [smem:$0x3FFC];
	_ =	sdelay $0x3  }
0x95: {  	_ =	strace s4  }
0x96: {  	s4 =	sld [smem:$0x3FFD];
	_ =	sdelay $0x3  }
0x97: {  	_ =	strace s4  }
0x98: {  	_ =	strace $0x8FFFFFFF  }
0x99: {  	s19 =	sld [smem:$0x3FDB];
	_ =	sdelay $0x1  }
0x9a: {  	s5 =	simm.s32 $_scs_section_size  }
0x9b: {  	s6 =	simm.s32 $_size__tile_overlayer_lowered;
	s7 =	simm.s32 $_tile_overlayer_lowered  }
0x9c: {  	s22 =	simm.s32 $0x1BFF;
	s21 =	sshll.u32 s7, $0x1;
	s4 =	sadd.s32 s5, s19  }
0x9d: {  	s8 =	simm.s32 $0x0;
	s20 =	sshll.u32 s6, $0x1;
	s6 =	sadd.s32 s21, s4  }
0x9e: {  	[timem:s8], [sflag:s22] =	dma.local [hbm:s6], s20  }
0x9f: {  	_ =	swait.ge [sflag:s22], s20  }
0xa0: {  	s5 =	ssub.s32 $0x0, s20;
	[sflag:s22] =	ssyncset.done $0x0  }
0xa1: {  	[sflag:s22] =	ssyncadd.s32 s5;
	_ =	sdelay $0x1  }
0xa2: {  	s23 =	simm.s32 $0x1B8B  }
0xa3: {  	_ =	swait.ge [sflag:s23], $0x1  }
0xa4: {  	[sflag:s23] =	ssyncset.done $0x0  }
0xa5: {  	s25 =	simm.s32 $0x1B8E;
	s24 =	sld [smem:$0x3FFE];
	[sflag:s23] =	ssyncadd.s32 $0xFFFFFFFF  }
0xa6: {  	s26 =	simm.s32 $execute0_lowered;
	[smem:$0x3FD2] =	sst s25  }
0xa7: {  	s6 =	sshll.u32 s26, $0x1;
	_ =	strace $0x80000046;
	[dreg:$0x1] =	wrdreg $0xFFFFFFFF  }
0xa8: {  	s28 =	simm.s32 $_size_execute0_lowered;
	s4 =	sadd.s32 s4, s6;
	[dreg:$0x0] =	wrdreg $0x0  }
0xa9: {  	s6 =	sshll.u32 s28, $0x1;
	[dreg:$0x2] =	wrdreg s4  }
0xaa: {  	[dreg:$0x3] =	wrdreg s6  }
0xab: {  	[dreg:$0x4] =	wrdreg $0xC0  }
0xac: {  	_ =	task [dreg:s8], $0x5FFFF  }
0xad: {  	[dreg:$0x1] =	wrdreg $0xFFFFFFFF  }
0xae: {  	[dreg:$0x0] =	wrdreg $0x60  }
0xaf: {  	[dreg:$0x2] =	wrdreg s18  }
0xb0: {  	[dreg:$0x3] =	wrdreg s2  }
0xb1: {  	[dreg:$0x4] =	wrdreg s24  }
0xb2: {  	[dreg:$0x5] =	wrdreg $0x9  }
0xb3: {  	_ =	task.clear_ibuf [dreg:s8], $0x6FFFF;
	_ =	strace $0x90000046  }
0xb4: {  	s29 =	simm.s32 $0x9;
	_ =	strace $0x80000048  }
0xb5: {  	_ =	swait.ge [sflag:s29], $0x1  }
0xb6: {  	[sflag:s29] =	ssyncadd.s32 $0xFFFFFFFF  }
0xb7: {  	_ =	strace $0x90000048  }
0xb8: {  	_ =	sfence  }
0xb9: {  	s30 =	sld [smem:$0x0];
	_ =	sdelay $0x2  }
0xba: {  	s31 =	sshll.u32 s1, $0xD;
	s1 =	sshrl.u32 s1, $0x2  }
0xbb: {  	s3 =	sand.u32 $0x4000, s31;
	s1 =	sadd.s32 s1, s30  }
0xbc: {  	s0 =	sor.u32 s3, s0;
	s1 =	sshll.u32 s1, $0x11  }
0xbd: {  	s0 =	sor.u32 s1, s0  }
0xbe: {  	s0 =	sadd.s32 $0x8F2B, s0  }
0xbf: {  	[sflag:s0] =	ssyncadd.remote.s32 $0x1  }
0xc0: {  	_ =	sfence.sel $0xFFFF  }
0xc1: {  	[dreg:$0x0] =	wrdreg $0xFFFFFFFF;
	(pc) =	sbr.abs _section_cstart, $3  }
0xc2: {  	[dreg:$0x1] =	wrdreg $0xFFFFFFFF  }
0xc3: {  	_ =	task.clear_ibuf [dreg:s8], $0x2FFFF;
	_ =	strace $0x9FFFFFFF  }
0xc4: {  	(tm) =	ssettm $0x7FFFFFFF  }
0xc5: {  	_ =	shalt  }
tec
execute0_lowered:
.L_overlay_start_1:
0x0: {  	(tag) =	ssettag $0x1  }
0x1: {  	s1 =	stileid.u32  }
0x2: {  	p0 =	sgt.u32 s1, $0xB  }
.Ltmp0:
0x3: {  	s2 =	rddreg [dreg:$0x0];
	(pc) =	sbr.rel @p0 .LBB2_4-.Ltmp0, $4  }
0x4: {  	s4 =	rddreg [dreg:$0x1]  }
0x5: {  	s26 =	rddreg [dreg:$0x2];
	s3 =	simm.s32 $0x0  }
0x6: {  	[smem:$0x7FF] =	sst s3  }
0x7: {  	s0 =	rddreg [dreg:$0x3];
	_ =	strace $0x80000047  }
0x8: {  	s5 =	srdreg.scid  }
0x9: {  	s31 =	sshll.u32 s1, $0x1;
	s28 =	sand.u32 $0x1, s5  }
0xa: {  	s5 =	sor.u32 s28, s31  }
0xb: {  	s29 =	smin.u32 s5, $0x18  }
0xc: {  	s5 =	smul.u32 $0xA0, s29;
	_ =	sdelay $0x1  }
0xd: {  	s5 =	sadd.s32 s4, s5;
	s4 =	simm.s32 $0x2  }
0xe: {  	[tilespmem:s3], [sflag:$0x2] =	stream.linear.gather [hbm4b:s5+s3], $0x500, $0x38;
	[tilespmem:$0x14500] =	vst v63  }
0xf: {  	_ =	swait.ge [sflag:s4], $0x500  }
0x10: {  	[sflag:s4] =	ssyncset.done $0x0  }
0x11: {  	s6 =	simm.s32 $0x80;
	s7 =	simm.s32 $0x500;
	[sflag:s4] =	ssyncadd.s32 $0xFFFFFB00  }
0x12: {  	[tilespmem:s7], [sflag:$0x1] =	stream.indirect.gather [hbm4b:s2+s6], $0x40, s3, s6, $0xb8;
	[tilespmem:$0x14500] =	vst v63  }
0x13: {  	s8 =	simm.s32 $0x2500  }
0x14: {  	[tilespmem:s8], [sflag:$0x1] =	stream.indirect.gather [hbm4b:s2+s6], $0x40, s6, s6, $0xb8;
	[tilespmem:$0x14500] =	vst v63  }
0x15: {  	s9 =	simm.s32 $0x100;
	s10 =	simm.s32 $0x4500  }
0x16: {  	[tilespmem:s10], [sflag:$0x1] =	stream.indirect.gather [hbm4b:s2+s6], $0x40, s9, s6, $0xb8;
	[tilespmem:$0x14500] =	vst v63  }
0x17: {  	s11 =	simm.s32 $0x180;
	s12 =	simm.s32 $0x6500  }
0x18: {  	[tilespmem:s12], [sflag:$0x1] =	stream.indirect.gather [hbm4b:s2+s6], $0x40, s11, s6, $0xb8;
	[tilespmem:$0x14500] =	vst v63  }
0x19: {  	s13 =	simm.s32 $0x200;
	s14 =	simm.s32 $0x8500  }
0x1a: {  	[tilespmem:s14], [sflag:$0x1] =	stream.indirect.gather [hbm4b:s2+s6], $0x40, s13, s6, $0xb8;
	[tilespmem:$0x14500] =	vst v63  }
0x1b: {  	s15 =	simm.s32 $0x280;
	s16 =	simm.s32 $0xA500  }
0x1c: {  	[tilespmem:s16], [sflag:$0x1] =	stream.indirect.gather [hbm4b:s2+s6], $0x40, s15, s6, $0xb8;
	[tilespmem:$0x14500] =	vst v63  }
0x1d: {  	s17 =	simm.s32 $0x300;
	s18 =	simm.s32 $0xC500  }
0x1e: {  	[tilespmem:s18], [sflag:$0x1] =	stream.indirect.gather [hbm4b:s2+s6], $0x40, s17, s6, $0xb8;
	[tilespmem:$0x14500] =	vst v63  }
0x1f: {  	s19 =	simm.s32 $0x380;
	s20 =	simm.s32 $0xE500  }
0x20: {  	[tilespmem:s20], [sflag:$0x1] =	stream.indirect.gather [hbm4b:s2+s6], $0x40, s19, s6, $0xb8;
	[tilespmem:$0x14500] =	vst v63  }
0x21: {  	s21 =	simm.s32 $0x400;
	s22 =	simm.s32 $0x10500  }
0x22: {  	[tilespmem:s22], [sflag:$0x1] =	stream.indirect.gather [hbm4b:s2+s6], $0x40, s21, s6, $0xb8;
	[tilespmem:$0x14500] =	vst v63  }
0x23: {  	s23 =	simm.s32 $0x480;
	s24 =	simm.s32 $0x12500;
	s25 =	simm.s32 $0x1  }
0x24: {  	[tilespmem:s24], [sflag:$0x1] =	stream.indirect.gather [hbm4b:s2+s6], $0x40, s23, s6, $0xb8;
	[tilespmem:$0x14500] =	vst v63  }
0x25: {  	_ =	swait.ge [sflag:s25], $0x2000  }
0x26: {  	[sflag:s25] =	ssyncset.done $0x0  }
0x27: {  	[sflag:s25] =	ssyncadd.s32 $0xFFFFE000  }
0x28: {  	_ =	swait.ge [sflag:s25], $0x2000  }
0x29: {  	[sflag:s25] =	ssyncset.done $0x0  }
0x2a: {  	[sflag:s25] =	ssyncadd.s32 $0xFFFFE000  }
0x2b: {  	_ =	swait.ge [sflag:s25], $0x2000  }
0x2c: {  	[sflag:s25] =	ssyncset.done $0x0  }
0x2d: {  	[sflag:s25] =	ssyncadd.s32 $0xFFFFE000  }
0x2e: {  	_ =	swait.ge [sflag:s25], $0x2000  }
0x2f: {  	[sflag:s25] =	ssyncset.done $0x0  }
0x30: {  	[sflag:s25] =	ssyncadd.s32 $0xFFFFE000  }
0x31: {  	_ =	swait.ge [sflag:s25], $0x2000  }
0x32: {  	[sflag:s25] =	ssyncset.done $0x0  }
0x33: {  	[sflag:s25] =	ssyncadd.s32 $0xFFFFE000  }
0x34: {  	_ =	swait.ge [sflag:s25], $0x2000  }
0x35: {  	[sflag:s25] =	ssyncset.done $0x0  }
0x36: {  	[sflag:s25] =	ssyncadd.s32 $0xFFFFE000  }
0x37: {  	_ =	swait.ge [sflag:s25], $0x2000  }
0x38: {  	s30 =	sshrl.u32 s29, $0x1;
	[sflag:s25] =	ssyncset.done $0x0  }
0x39: {  	s29 =	sshll.u32 s29, $0x6;
	s30 =	smul.u32 $0x28000, s30;
	[sflag:s25] =	ssyncadd.s32 $0xFFFFE000  }
0x3a: {  	s29 =	sand.u32 $0x40, s29;
	_ =	swait.ge [sflag:s25], $0x2000  }
0x3b: {  	s29 =	sor.u32 s29, s30;
	[sflag:s25] =	ssyncset.done $0x0  }
0x3c: {  	s28 =	ssub.s32 $0x2, s28;
	s29 =	sshrl.u32 s29, $0x3;
	[sflag:s25] =	ssyncadd.s32 $0xFFFFE000  }
0x3d: {  	s26 =	sadd.s32 s29, s26;
	s29 =	sshrl.u32 s28, $0x1;
	_ =	swait.ge [sflag:s25], $0x2000  }
0x3e: {  	s28 =	ssub.s32 s28, s29;
	[sflag:s25] =	ssyncset.done $0x0  }
0x3f: {  	s29 =	smax.u32 s28, $0x1;
	[sflag:s25] =	ssyncadd.s32 $0xFFFFE000  }
0x40: {  	p0 =	sne.s32 s29, $0x1;
	_ =	swait.ge [sflag:s25], $0x2000  }
.Ltmp1:
0x41: {  	[sflag:s25] =	ssyncset.done $0x0;
	(pc) =	sbr.rel @!p0 .LBB2_3-.Ltmp1, $4  }
0x42: {  	s26 =	sadd.s32 $0x2200, s26;
	s28 =	simm.s32 $0x40;
	[sflag:s25] =	ssyncadd.s32 $0xFFFFE000  }
0x43: {  	[hbm4b:s26+s28] =	stream.strided.scatter [tilespmem:s7], [sflag:$0x2], $0x14000, s6, s28, $0x38;
	[tilespmem:$0x14500] =	vst v63  }
0x44: {  	_ =	swait.ge [sflag:s4], $0x14000  }
0x45: {  	s29 =	sadd.s32 $0xFFFFFFFF, s29;
	[sflag:s4] =	ssyncset.done $0x0  }
.LBB2_2:
0x46: {  	p0 =	sne.s32 s29, $0x1;
	s29 =	sadd.s32 $0xFFFFFFFF, s29;
	[sflag:s4] =	ssyncadd.s32 $0xFFFEC000  }
0x47: {  	[tilespmem:s3], [sflag:$0x2] =	stream.linear.gather [hbm4b:s5+s3], $0x500, $0x38;
	[tilespmem:$0x14500] =	vst v63  }
0x48: {  	_ =	swait.ge [sflag:s4], $0x500  }
0x49: {  	[sflag:s4] =	ssyncset.done $0x0  }
0x4a: {  	[sflag:s4] =	ssyncadd.s32 $0xFFFFFB00  }
0x4b: {  	[tilespmem:s7], [sflag:$0x1] =	stream.indirect.gather [hbm4b:s2+s6], $0x40, s3, s6, $0xb8;
	[tilespmem:$0x14500] =	vst v63  }
0x4c: {  	_ = 	snop  }
0x4d: {  	[tilespmem:s8], [sflag:$0x1] =	stream.indirect.gather [hbm4b:s2+s6], $0x40, s6, s6, $0xb8;
	[tilespmem:$0x14500] =	vst v63  }
0x4e: {  	_ = 	snop  }
0x4f: {  	[tilespmem:s10], [sflag:$0x1] =	stream.indirect.gather [hbm4b:s2+s6], $0x40, s9, s6, $0xb8;
	[tilespmem:$0x14500] =	vst v63  }
0x50: {  	_ = 	snop  }
0x51: {  	[tilespmem:s12], [sflag:$0x1] =	stream.indirect.gather [hbm4b:s2+s6], $0x40, s11, s6, $0xb8;
	[tilespmem:$0x14500] =	vst v63  }
0x52: {  	_ = 	snop  }
0x53: {  	[tilespmem:s14], [sflag:$0x1] =	stream.indirect.gather [hbm4b:s2+s6], $0x40, s13, s6, $0xb8;
	[tilespmem:$0x14500] =	vst v63  }
0x54: {  	_ = 	snop  }
0x55: {  	[tilespmem:s16], [sflag:$0x1] =	stream.indirect.gather [hbm4b:s2+s6], $0x40, s15, s6, $0xb8;
	[tilespmem:$0x14500] =	vst v63  }
0x56: {  	_ = 	snop  }
0x57: {  	[tilespmem:s18], [sflag:$0x1] =	stream.indirect.gather [hbm4b:s2+s6], $0x40, s17, s6, $0xb8;
	[tilespmem:$0x14500] =	vst v63  }
0x58: {  	_ = 	snop  }
0x59: {  	[tilespmem:s20], [sflag:$0x1] =	stream.indirect.gather [hbm4b:s2+s6], $0x40, s19, s6, $0xb8;
	[tilespmem:$0x14500] =	vst v63  }
0x5a: {  	_ = 	snop  }
0x5b: {  	[tilespmem:s22], [sflag:$0x1] =	stream.indirect.gather [hbm4b:s2+s6], $0x40, s21, s6, $0xb8;
	[tilespmem:$0x14500] =	vst v63  }
0x5c: {  	_ = 	snop  }
0x5d: {  	[tilespmem:s24], [sflag:$0x1] =	stream.indirect.gather [hbm4b:s2+s6], $0x40, s23, s6, $0xb8;
	[tilespmem:$0x14500] =	vst v63  }
0x5e: {  	_ =	swait.ge [sflag:s25], $0x2000  }
0x5f: {  	[sflag:s25] =	ssyncset.done $0x0  }
0x60: {  	[sflag:s25] =	ssyncadd.s32 $0xFFFFE000  }
0x61: {  	_ =	swait.ge [sflag:s25], $0x2000  }
0x62: {  	[sflag:s25] =	ssyncset.done $0x0  }
0x63: {  	[sflag:s25] =	ssyncadd.s32 $0xFFFFE000  }
0x64: {  	_ =	swait.ge [sflag:s25], $0x2000  }
0x65: {  	[sflag:s25] =	ssyncset.done $0x0  }
0x66: {  	[sflag:s25] =	ssyncadd.s32 $0xFFFFE000  }
0x67: {  	_ =	swait.ge [sflag:s25], $0x2000  }
0x68: {  	[sflag:s25] =	ssyncset.done $0x0  }
0x69: {  	[sflag:s25] =	ssyncadd.s32 $0xFFFFE000  }
0x6a: {  	_ =	swait.ge [sflag:s25], $0x2000  }
0x6b: {  	[sflag:s25] =	ssyncset.done $0x0  }
0x6c: {  	[sflag:s25] =	ssyncadd.s32 $0xFFFFE000  }
0x6d: {  	_ =	swait.ge [sflag:s25], $0x2000  }
0x6e: {  	[sflag:s25] =	ssyncset.done $0x0  }
0x6f: {  	[sflag:s25] =	ssyncadd.s32 $0xFFFFE000  }
0x70: {  	_ =	swait.ge [sflag:s25], $0x2000  }
0x71: {  	[sflag:s25] =	ssyncset.done $0x0  }
0x72: {  	[sflag:s25] =	ssyncadd.s32 $0xFFFFE000  }
0x73: {  	_ =	swait.ge [sflag:s25], $0x2000  }
0x74: {  	[sflag:s25] =	ssyncset.done $0x0  }
0x75: {  	[sflag:s25] =	ssyncadd.s32 $0xFFFFE000  }
0x76: {  	_ =	swait.ge [sflag:s25], $0x2000  }
0x77: {  	[sflag:s25] =	ssyncset.done $0x0  }
0x78: {  	[sflag:s25] =	ssyncadd.s32 $0xFFFFE000  }
0x79: {  	_ =	swait.ge [sflag:s25], $0x2000  }
.Ltmp2:
0x7a: {  	[sflag:s25] =	ssyncset.done $0x0;
	(pc) =	sbr.rel @p0 .LBB2_2-.Ltmp2, $4  }
0x7b: {  	[sflag:s25] =	ssyncadd.s32 $0xFFFFE000  }
0x7c: {  	[hbm4b:s26+s28] =	stream.strided.scatter [tilespmem:s7], [sflag:$0x2], $0x14000, s6, s28, $0x38;
	[tilespmem:$0x14500] =	vst v63  }
0x7d: {  	_ =	swait.ge [sflag:s4], $0x14000  }
0x7e: {  	[sflag:s4] =	ssyncset.done $0x0  }
.LBB2_3:
0x7f: {  	[sflag:s4] =	ssyncadd.s32 $0xFFFEC000  }
.LBB2_4:
0x80: {  	_ =	sfence.sel $0x180000  }
0x81: {  	[bflag:$0x0] =	sbarrier.arrive $0xFFFF  }
0x82: {  	p0 =	sne.s32 s1, $0x0;
	_ =	strace $0x90000047  }
0x83: {  	s0 =	sadd.s32 @!p0 $0x100000, s0;
	[bflag:$0x2] =	sbarrier.arrive $0xFFFF  }
0x84: {  	[sflag:s0] =	ssyncadd.tile.s32 @!p0 $0x1;
	_ =	shalt  }
.Lfunc_end2:
_tile_overlayer_lowered:
.L_overlay_start_2:
0x85: {  	(tag) =	ssettag $0x2  }
0x86: {  	s0 =	rddreg [dreg:$0x0];
	s2 =	stileid.u32  }
0x87: {  	s1 =	rddreg [dreg:$0x1];
	p0 =	sne.s32 s2, $0x0  }
0x88: {  	s3 =	rddreg [dreg:$0x2];
	[bflag:$0x3] =	sbarrier.arrive $0xFFFF;
	s2 =	simm.s32 @!p0 $0x1C02  }
0x89: {  	[timem:s3], [sflag:s2] =	dma.local @!p0 [hbm:s0], s1  }
0x8a: {  	s0 =	simm.s32 @!p0 $0x2  }
0x8b: {  	_ =	swait.ge @!p0 [sflag:s0], s1  }
0x8c: {  	s1 =	ssub.s32 @!p0 $0x0, s1;
	[sflag:s0] =	ssyncset.done @!p0 $0x0  }
0x8d: {  	[sflag:s0] =	ssyncadd.s32 @!p0 s1  }
0x8e: {  	[bflag:$0x3] =	sbarrier.arrive $0xFFFF  }
0x8f: {  	_ =	shalt  }

// kernel: kernel.14.cloned.1.call-start
scs
__scs_entry_jumppad:
0x0: {  	(pc) =	sbr.rel $0x88, $3  }
0x1: {  	(tag) =	ssettag $0x0;
	lr =	simm.s32 $0x1  }
0x2: {  	[smem:$0x3F98] =	sst lr;
	_ =	strace $0xD0000000  }
0x3: {  	_ = 	snop  }
0x4: {  	_ = 	snop  }
0x5: {  	_ = 	snop  }
0x6: {  	_ = 	snop  }
0x7: {  	_ = 	snop  }
__scs_overlays_trampoline_lowered:
0x8: {  	[smem:$0x3FA7] =	sst s0  }
0x9: {  	[smem:$0x3FA8] =	sst s1  }
0xa: {  	[smem:$0x3FA9] =	sst s2  }
0xb: {  	[smem:$0x3FAA] =	sst s3  }
0xc: {  	[smem:$0x3FAB] =	sst s4  }
0xd: {  	[smem:$0x3FAC] =	sst s5  }
0xe: {  	[smem:$0x3FAD] =	sst s6  }
0xf: {  	[smem:$0x3FAE] =	sst s7  }
0x10: {  	[smem:$0x3FAF] =	sst s8  }
0x11: {  	[smem:$0x3FB0] =	sst s9;
	s0 =	simm.s32 @!p0 $0x0  }
0x12: {  	s1 =	sld [smem:$0x3F96];
	s0 =	simm.s32 @p0 $0x1  }
0x13: {  	[smem:$0x3FB1] =	sst s0;
	s0 =	simm.s32 @!p1 $0x0  }
0x14: {  	s2 =	sld [smem:$0x3F95];
	s0 =	simm.s32 @p1 $0x1  }
0x15: {  	[smem:$0x3FB2] =	sst s0;
	s0 =	simm.s32 @!p2 $0x0  }
0x16: {  	s3 =	sld [smem:$0x3FDB];
	s0 =	simm.s32 @p2 $0x1  }
0x17: {  	s4 =	simm.s32 $0x1BF5;
	[smem:$0x3FB4] =	sst s0  }
0x18: {  	s0 =	sld [smem:$0x3F97];
	_ =	swait.ge [sflag:s4], $0x0  }
0x19: {  	s7 =	sld [smem:$0x3F98]  }
0x1a: {  	s8 =	sadd.s32 $0xFFFFE003, lr  }
0x1b: {  	s9 =	sadd.s32 $0xFFFFFEF7, lr;
	s5 =	simm.s32 $0xFFFFFFFF;
	p2 =	slt.u32 s8, $0xFFFFF086  }
0x1c: {  	p1 =	slt.u32 s9, $0xF7A;
	s5 =	simm.s32 @!p2 $0x0  }
0x1d: {  	s5 =	simm.s32 @p1 $0x1;
	p0 =	seq.s32 s7, s2  }
0x1e: {  	s7 =	smul.u32 @!p0 $0xF7A, s2;
	p2 =	seq.s32 @!p0 s5, $0x0  }
0x1f: {  	s9 =	smul.u32 $0xF7A, s1;
	s8 =	simm.s32 @!p0 $0x1BF5;
	p2 =	por !p2, p0  }
0x20: {  	[sflag:s8] =	ssyncset.s32 @!p0 $0xFFFFF086;
	s6 =	sadd.s32 @!p0 s3, s7;
	s7 =	simm.s32 @!p0 $0x108  }
0x21: {  	s3 =	sadd.s32 s3, s9;
	s6 =	sadd.s32 @!p0 $0x88, s6;
	s7 =	simm.s32 @p2 $0x1082  }
0x22: {  	[simem:s7], [sflag:s8] =	dma.local @!p0 [hbm:s6], $0xF7A  }
0x23: {  	s9 =	sor.u32 $0xD0000000, s2;
	s6 =	simm.s32 $0x108;
	_ =	swait.ge @!p0 [sflag:s8], $0x0  }
0x24: {  	s3 =	sadd.s32 $0x88, s3;
	s6 =	simm.s32 @!p1 $0x1082;
	[sflag:s4] =	ssyncset.s32 $0xFFFFF086  }
0x25: {  	[simem:s6], [sflag:s4] =	dma.local [hbm:s3], $0xF7A  }
0x26: {  	[smem:$0x3F98] =	sst s1;
	(tag) =	ssettag s2;
	_ =	strace s9  }
0x27: {  	s1 =	sld [smem:$0x3FA8]  }
0x28: {  	s2 =	sld [smem:$0x3FA9]  }
0x29: {  	s4 =	sld [smem:$0x3FAB]  }
0x2a: {  	p0 =	seq.s32 s5, $0x0;
	s5 =	sld [smem:$0x3FAC]  }
0x2b: {  	s6 =	sld [smem:$0x3FAD]  }
0x2c: {  	s7 =	sld [smem:$0x3FAE]  }
0x2d: {  	s3 =	simm.s32 $0x108;
	s8 =	sld [smem:$0x3FAF]  }
0x2e: {  	s3 =	simm.s32 @!p0 $0x1082;
	s9 =	sld [smem:$0x3FB0]  }
0x2f: {  	lr =	sadd.s32 s0, s3;
	s0 =	sld [smem:$0x3FA7]  }
0x30: {  	s3 =	sld [smem:$0x3FAA]  }
0x31: {  	[smem:$0x3FB3] =	sst s10  }
0x32: {  	s10 =	sld [smem:$0x3FB1];
	_ =	sdelay $0x3  }
0x33: {  	p0 =	seq.s32 s10, $0x1;
	s10 =	sld [smem:$0x3FB3];
	_ =	sdelay $0x3  }
0x34: {  	[smem:$0x3FB3] =	sst s10  }
0x35: {  	s10 =	sld [smem:$0x3FB2];
	_ =	sdelay $0x3  }
0x36: {  	p1 =	seq.s32 s10, $0x1;
	s10 =	sld [smem:$0x3FB3];
	_ =	sdelay $0x3  }
0x37: {  	[smem:$0x3FB3] =	sst s10  }
0x38: {  	s10 =	sld [smem:$0x3FB4]  }
0x39: {  	_ = 	snop;
	(pc) =	sbr.ind lr, $3  }
0x3a: {  	_ = 	snop  }
0x3b: {  	_ = 	snop  }
0x3c: {  	p2 =	seq.s32 s10, $0x1;
	s10 =	sld [smem:$0x3FB3]  }
0x3d: {  	_ =	shalt  }
0x3e: {  	_ =	shalt  }
0x3f: {  	_ =	shalt  }
0x40: {  	_ =	shalt  }
0x41: {  	_ =	shalt  }
0x42: {  	_ =	shalt  }
0x43: {  	_ =	shalt  }
0x44: {  	_ =	shalt  }
0x45: {  	_ =	shalt  }
0x46: {  	_ =	shalt  }
0x47: {  	_ =	shalt  }
0x48: {  	_ =	shalt  }
0x49: {  	_ =	shalt  }
0x4a: {  	_ =	shalt  }
0x4b: {  	_ =	shalt  }
0x4c: {  	_ =	shalt  }
0x4d: {  	_ =	shalt  }
0x4e: {  	_ =	shalt  }
0x4f: {  	_ =	shalt  }
0x50: {  	_ =	shalt  }
0x51: {  	_ =	shalt  }
0x52: {  	_ =	shalt  }
0x53: {  	_ =	shalt  }
0x54: {  	_ =	shalt  }
0x55: {  	_ =	shalt  }
0x56: {  	_ =	shalt  }
0x57: {  	_ =	shalt  }
0x58: {  	_ =	shalt  }
0x59: {  	_ =	shalt  }
0x5a: {  	_ =	shalt  }
0x5b: {  	_ =	shalt  }
0x5c: {  	_ =	shalt  }
0x5d: {  	_ =	shalt  }
0x5e: {  	_ =	shalt  }
0x5f: {  	_ =	shalt  }
0x60: {  	_ =	shalt  }
0x61: {  	_ =	shalt  }
0x62: {  	_ =	shalt  }
0x63: {  	_ =	shalt  }
0x64: {  	_ =	shalt  }
0x65: {  	_ =	shalt  }
0x66: {  	_ =	shalt  }
0x67: {  	_ =	shalt  }
0x68: {  	_ =	shalt  }
0x69: {  	_ =	shalt  }
0x6a: {  	_ =	shalt  }
0x6b: {  	_ =	shalt  }
0x6c: {  	_ =	shalt  }
0x6d: {  	_ =	shalt  }
0x6e: {  	_ =	shalt  }
0x6f: {  	_ =	shalt  }
0x70: {  	_ =	shalt  }
0x71: {  	_ =	shalt  }
0x72: {  	_ =	shalt  }
0x73: {  	_ =	shalt  }
0x74: {  	_ =	shalt  }
0x75: {  	_ =	shalt  }
0x76: {  	_ =	shalt  }
0x77: {  	_ =	shalt  }
0x78: {  	_ =	shalt  }
0x79: {  	_ =	shalt  }
0x7a: {  	_ =	shalt  }
0x7b: {  	_ =	shalt  }
0x7c: {  	_ =	shalt  }
0x7d: {  	_ =	shalt  }
0x7e: {  	_ =	shalt  }
0x7f: {  	_ =	shalt  }
0x80: {  	_ =	shalt  }
0x81: {  	_ =	shalt  }
0x82: {  	_ =	shalt  }
0x83: {  	_ =	shalt  }
0x84: {  	_ =	shalt  }
0x85: {  	_ =	shalt  }
0x86: {  	_ =	shalt  }
0x87: {  	_ =	shalt  }
.Lfunc_end0:
.L_simem_size_0:
called_computation.1_lowered:
.L_overlay_start_0:
0x88: {  	s2 =	sld [smem:$0x3FD9]  }
0x89: {  	s3 =	sld [smem:$0x3FFE];
	_ =	sdelay $0x1  }
0x8a: {  	s1 =	srdreg.scid  }
0x8b: {  	s0 =	sand.u32 $0x1, s1  }
0x8c: {  	s17 =	sshll.u32 s0, $0xA;
	s2 =	sadd.s32 s3, s2  }
0x8d: {  	s2 =	sadd.s32 s2, s17  }
0x8e: {  	[smem:$0x3FBF] =	sst s2  }
0x8f: {  	_ = 	snop  }
0x90: {  	s18 =	sld [smem:$0x3FC6]  }
0x91: {  	s4 =	sld [smem:$0x3FD0];
	(tm) =	ssettm $0x1  }
0x92: {  	s19 =	sld [smem:$0x3FFB];
	_ =	sdelay $0x3  }
0x93: {  	_ =	strace s19  }
0x94: {  	s2 =	sld [smem:$0x3FFC];
	_ =	sdelay $0x3  }
0x95: {  	_ =	strace s2  }
0x96: {  	s2 =	sld [smem:$0x3FFD];
	_ =	sdelay $0x3  }
0x97: {  	_ =	strace s2  }
0x98: {  	_ =	strace $0x8FFFFFFF  }
0x99: {  	s20 =	sld [smem:$0x3FDB];
	_ =	sdelay $0x1  }
0x9a: {  	s5 =	simm.s32 $_scs_section_size  }
0x9b: {  	s6 =	simm.s32 $_size__tile_overlayer_lowered;
	s7 =	simm.s32 $_tile_overlayer_lowered  }
0x9c: {  	s8 =	simm.s32 $0x1BFF;
	s21 =	sshll.u32 s7, $0x1;
	s5 =	sadd.s32 s5, s20  }
0x9d: {  	s22 =	simm.s32 $0x0;
	s6 =	sshll.u32 s6, $0x1;
	s7 =	sadd.s32 s21, s5  }
0x9e: {  	[timem:s22], [sflag:s8] =	dma.local [hbm:s7], s6  }
0x9f: {  	_ =	swait.ge [sflag:s8], s6  }
0xa0: {  	s6 =	ssub.s32 $0x0, s6;
	[sflag:s8] =	ssyncset.done $0x0  }
0xa1: {  	[sflag:s8] =	ssyncadd.s32 s6;
	_ =	sdelay $0x1  }
0xa2: {  	s23 =	simm.s32 $0x1B8B  }
0xa3: {  	_ =	swait.ge [sflag:s23], $0x1  }
0xa4: {  	[sflag:s23] =	ssyncset.done $0x0  }
0xa5: {  	[sflag:s23] =	ssyncadd.s32 $0xFFFFFFFF  }
0xa6: {  	s6 =	sld [smem:$0x0]  }
0xa7: {  	s7 =	sand.u32 $0xFFFFFFFE, s1  }
0xa8: {  	p0 =	sne.s32 s1, s7  }
0xa9: {  	s7 =	sshll.u32 @p0 s7, $0xE  }
0xaa: {  	s7 =	sadd.s32 @p0 $0x11B8D, s7;
	s8 =	sshll.u32 @p0 s6, $0x11  }
0xab: {  	s7 =	sor.u32 @p0 s8, s7  }
0xac: {  	[sflag:s7] =	ssyncadd.remote.s32 @p0 $0x1;
	_ =	sdelay $0x1  }
0xad: {  	s7 =	simm.s32 @p0 $0x1B8D  }
0xae: {  	_ =	swait.eq @p0 [sflag:s7], $0x1  }
0xaf: {  	[sflag:s7] =	ssyncadd.s32 @p0 $0xFFFFFFFF  }
0xb0: {  	s8 =	sshll.u32 @!p0 s1, $0xE  }
0xb1: {  	s8 =	sor.u32 @!p0 $0x4000, s8;
	s7 =	simm.s32 @!p0 $0x1B8D  }
0xb2: {  	s6 =	sshll.u32 @!p0 s6, $0x11;
	s8 =	sadd.s32 @!p0 $0x11B8D, s8;
	_ =	swait.eq @!p0 [sflag:s7], $0x1  }
0xb3: {  	s6 =	sor.u32 @!p0 s6, s8;
	[sflag:s7] =	ssyncadd.s32 @!p0 $0xFFFFFFFF  }
0xb4: {  	s25 =	simm.s32 $0x1B8E;
	s24 =	sld [smem:$0x3FFE];
	[sflag:s6] =	ssyncadd.remote.s32 @!p0 $0x1  }
0xb5: {  	s26 =	simm.s32 $execute0_lowered;
	[smem:$0x3FD2] =	sst s25  }
0xb6: {  	s7 =	sshll.u32 s26, $0x1;
	_ =	strace $0x80000049;
	[dreg:$0x1] =	wrdreg $0xFFFFFFFF  }
0xb7: {  	s28 =	simm.s32 $_size_execute0_lowered;
	s5 =	sadd.s32 s5, s7;
	[dreg:$0x0] =	wrdreg $0x0  }
0xb8: {  	s7 =	sshll.u32 s28, $0x1;
	[dreg:$0x2] =	wrdreg s5  }
0xb9: {  	[dreg:$0x3] =	wrdreg s7  }
0xba: {  	[dreg:$0x4] =	wrdreg $0xC0  }
0xbb: {  	_ =	task [dreg:s22], $0x5FFFF  }
0xbc: {  	[dreg:$0x1] =	wrdreg $0xFFFFFFFF  }
0xbd: {  	[dreg:$0x0] =	wrdreg $0x60  }
0xbe: {  	[dreg:$0x2] =	wrdreg s4  }
0xbf: {  	[dreg:$0x3] =	wrdreg s18  }
0xc0: {  	[dreg:$0x4] =	wrdreg s24  }
0xc1: {  	[dreg:$0x5] =	wrdreg $0xA  }
0xc2: {  	_ =	task.clear_ibuf [dreg:s22], $0x6FFFF;
	_ =	strace $0x90000049  }
0xc3: {  	s29 =	simm.s32 $0xA;
	_ =	strace $0x8000004B  }
0xc4: {  	_ =	swait.ge [sflag:s29], $0x1  }
0xc5: {  	[sflag:s29] =	ssyncadd.s32 $0xFFFFFFFF  }
0xc6: {  	_ =	strace $0x9000004B  }
0xc7: {  	_ =	sfence  }
0xc8: {  	s30 =	sld [smem:$0x0];
	_ =	sdelay $0x2  }
0xc9: {  	s31 =	sshll.u32 s1, $0xD;
	s1 =	sshrl.u32 s1, $0x2  }
0xca: {  	s4 =	sand.u32 $0x4000, s31;
	s1 =	sadd.s32 s1, s30  }
0xcb: {  	s0 =	sor.u32 s4, s0;
	s1 =	sshll.u32 s1, $0x11  }
0xcc: {  	s0 =	sor.u32 s1, s0  }
0xcd: {  	s0 =	sadd.s32 $0x8F2B, s0  }
0xce: {  	[sflag:s0] =	ssyncadd.remote.s32 $0x1  }
0xcf: {  	_ =	sfence.sel $0xFFFF  }
0xd0: {  	[dreg:$0x0] =	wrdreg $0xFFFFFFFF;
	(pc) =	sbr.abs _section_cstart, $3  }
0xd1: {  	[dreg:$0x1] =	wrdreg $0xFFFFFFFF  }
0xd2: {  	_ =	task.clear_ibuf [dreg:s22], $0x2FFFF;
	_ =	strace $0x9FFFFFFF  }
0xd3: {  	(tm) =	ssettm $0x7FFFFFFF  }
tec
execute0_lowered:
.L_overlay_start_1:
0x0: {  	(tag) =	ssettag $0x1  }
0x1: {  	s1 =	rddreg [dreg:$0x0]  }
0x2: {  	s2 =	srdreg.scid;
	s6 =	rddreg [dreg:$0x1]  }
0x3: {  	s0 =	stileid.u32;
	s4 =	rddreg [dreg:$0x2];
	s12 =	simm.s32 $0x2500  }
0x4: {  	s13 =	simm.s32 $0x100;
	s14 =	simm.s32 $0x4500;
	s15 =	simm.s32 $0x180  }
0x5: {  	s16 =	simm.s32 $0x6500;
	s17 =	simm.s32 $0x200;
	s18 =	simm.s32 $0x8500  }
0x6: {  	s19 =	simm.s32 $0x280;
	s20 =	simm.s32 $0xA500;
	s28 =	simm.s32 $0x480  }
0x7: {  	s29 =	simm.s32 $0x12500;
	s30 =	simm.s32 $0x1;
	s31 =	simm.s32 $0x40  }
0x8: {  	s2 =	sand.u32 $0x1, s2;
	s3 =	sshll.u32 s0, $0x1;
	s9 =	sadd.s32 $0x3E200, s4  }
0x9: {  	p0 =	sgt.u32 s0, $0x8;
	s5 =	sor.u32 s2, s3;
	s3 =	simm.s32 $0x0  }
0xa: {  	s2 =	ssub.s32 $0x2, s2;
	s7 =	smin.u32 s5, $0x12;
	[smem:$0x7FF] =	sst s3  }
0xb: {  	s21 =	sshrl.u32 s2, $0x1;
	s7 =	sadd.s32 s5, s7;
	_ =	strace $0x8000004A  }
0xc: {  	s2 =	ssub.s32 s2, s21;
	s21 =	simm.s32 $0x300;
	s8 =	smul.u32 $0x500, s7  }
0xd: {  	s4 =	smax.u32 s2, $0x1;
	s10 =	sshrl.u32 s7, $0x1;
	s11 =	sadd.s32 $0x1, s7  }
0xe: {  	s7 =	sshll.u32 s7, $0x6;
	s23 =	smul.u32 $0x28000, s10;
	s24 =	sshrl.u32 s11, $0x1  }
0xf: {  	s11 =	sshll.u32 s11, $0x6;
	s7 =	sand.u32 $0x40, s7;
	s22 =	sshrl.u32 s8, $0x3  }
0x10: {  	s10 =	smul.u32 $0x28000, s24;
	s8 =	sadd.s32 $0x500, s8;
	s11 =	sand.u32 $0x40, s11  }
0x11: {  	s24 =	simm.s32 $0xE500;
	s2 =	sadd.s32 s6, s22;
	s25 =	sshrl.u32 s8, $0x3  }
0x12: {  	s22 =	simm.s32 $0xC500;
	s5 =	sadd.s32 $0xF00, s2;
	s2 =	sor.u32 s7, s23  }
.Ltmp0:
0x13: {  	s26 =	sor.u32 s11, s10;
	s7 =	sadd.s32 s6, s25;
	(pc) =	sbr.rel .LBB2_1-.Ltmp0, $4  }
0x14: {  	s10 =	simm.s32 $0x80;
	s11 =	simm.s32 $0x500;
	s23 =	simm.s32 $0x380  }
0x15: {  	s25 =	simm.s32 $0x400;
	s2 =	sshrl.u32 s2, $0x3;
	s8 =	sshrl.u32 s26, $0x3  }
0x16: {  	s7 =	sadd.s32 $0xF00, s7;
	s26 =	simm.s32 $0x10500;
	s6 =	sadd.s32 s9, s2  }
0x17: {  	s8 =	sadd.s32 s9, s8;
	s9 =	simm.s32 $0x3;
	s2 =	simm.s32 $0x2  }
.LBB2_3:
0x18: {  	s4 =	sadd.s32 $0xFFFFFFFF, s4  }
0x19: {  	p1 =	sne.s32 s4, $0x0  }
.Ltmp1:
0x1a: {  	_ = 	snop;
	(pc) =	sbr.rel @!p1 .LBB2_4-.Ltmp1, $1  }
0x1b: {  	_ =	sdelay $0x3  }
.LBB2_1:
0x1c: {  	[tilespmem:s3], [sflag:$0x3] =	stream.linear.gather [hbm4b:s5+s3], $0x500, $0x38;
	[tilespmem:$0x14500] =	vst v63  }
0x1d: {  	_ =	swait.ge [sflag:s9], $0x500  }
0x1e: {  	[sflag:s9] =	ssyncset.done $0x0  }
0x1f: {  	[sflag:s9] =	ssyncadd.s32 $0xFFFFFB00  }
0x20: {  	[tilespmem:s11], [sflag:$0x1] =	stream.indirect.gather [hbm4b:s1+s10], $0x40, s3, s10, $0xb8;
	[tilespmem:$0x14500] =	vst v63  }
0x21: {  	_ = 	snop  }
0x22: {  	[tilespmem:s12], [sflag:$0x1] =	stream.indirect.gather [hbm4b:s1+s10], $0x40, s10, s10, $0xb8;
	[tilespmem:$0x14500] =	vst v63  }
0x23: {  	_ = 	snop  }
0x24: {  	[tilespmem:s14], [sflag:$0x1] =	stream.indirect.gather [hbm4b:s1+s10], $0x40, s13, s10, $0xb8;
	[tilespmem:$0x14500] =	vst v63  }
0x25: {  	_ = 	snop  }
0x26: {  	[tilespmem:s16], [sflag:$0x1] =	stream.indirect.gather [hbm4b:s1+s10], $0x40, s15, s10, $0xb8;
	[tilespmem:$0x14500] =	vst v63  }
0x27: {  	_ = 	snop  }
0x28: {  	[tilespmem:s18], [sflag:$0x1] =	stream.indirect.gather [hbm4b:s1+s10], $0x40, s17, s10, $0xb8;
	[tilespmem:$0x14500] =	vst v63  }
0x29: {  	_ = 	snop  }
0x2a: {  	[tilespmem:s20], [sflag:$0x1] =	stream.indirect.gather [hbm4b:s1+s10], $0x40, s19, s10, $0xb8;
	[tilespmem:$0x14500] =	vst v63  }
0x2b: {  	_ = 	snop  }
0x2c: {  	[tilespmem:s22], [sflag:$0x1] =	stream.indirect.gather [hbm4b:s1+s10], $0x40, s21, s10, $0xb8;
	[tilespmem:$0x14500] =	vst v63  }
0x2d: {  	_ = 	snop  }
0x2e: {  	[tilespmem:s24], [sflag:$0x1] =	stream.indirect.gather [hbm4b:s1+s10], $0x40, s23, s10, $0xb8;
	[tilespmem:$0x14500] =	vst v63  }
0x2f: {  	_ = 	snop  }
0x30: {  	[tilespmem:s26], [sflag:$0x1] =	stream.indirect.gather [hbm4b:s1+s10], $0x40, s25, s10, $0xb8;
	[tilespmem:$0x14500] =	vst v63  }
0x31: {  	_ = 	snop  }
0x32: {  	[tilespmem:s29], [sflag:$0x1] =	stream.indirect.gather [hbm4b:s1+s10], $0x40, s28, s10, $0xb8;
	[tilespmem:$0x14500] =	vst v63  }
0x33: {  	_ =	swait.ge [sflag:s30], $0x2000  }
0x34: {  	[sflag:s30] =	ssyncset.done $0x0  }
0x35: {  	[sflag:s30] =	ssyncadd.s32 $0xFFFFE000  }
0x36: {  	_ =	swait.ge [sflag:s30], $0x2000  }
0x37: {  	[sflag:s30] =	ssyncset.done $0x0  }
0x38: {  	[sflag:s30] =	ssyncadd.s32 $0xFFFFE000  }
0x39: {  	_ =	swait.ge [sflag:s30], $0x2000  }
0x3a: {  	[sflag:s30] =	ssyncset.done $0x0  }
0x3b: {  	[sflag:s30] =	ssyncadd.s32 $0xFFFFE000  }
0x3c: {  	_ =	swait.ge [sflag:s30], $0x2000  }
0x3d: {  	[sflag:s30] =	ssyncset.done $0x0  }
0x3e: {  	[sflag:s30] =	ssyncadd.s32 $0xFFFFE000  }
0x3f: {  	_ =	swait.ge [sflag:s30], $0x2000  }
0x40: {  	[sflag:s30] =	ssyncset.done $0x0  }
0x41: {  	[sflag:s30] =	ssyncadd.s32 $0xFFFFE000  }
0x42: {  	_ =	swait.ge [sflag:s30], $0x2000  }
0x43: {  	[sflag:s30] =	ssyncset.done $0x0  }
0x44: {  	[sflag:s30] =	ssyncadd.s32 $0xFFFFE000  }
0x45: {  	_ =	swait.ge [sflag:s30], $0x2000  }
0x46: {  	[sflag:s30] =	ssyncset.done $0x0  }
0x47: {  	[sflag:s30] =	ssyncadd.s32 $0xFFFFE000  }
0x48: {  	_ =	swait.ge [sflag:s30], $0x2000  }
0x49: {  	[sflag:s30] =	ssyncset.done $0x0  }
0x4a: {  	[sflag:s30] =	ssyncadd.s32 $0xFFFFE000  }
0x4b: {  	_ =	swait.ge [sflag:s30], $0x2000  }
0x4c: {  	[sflag:s30] =	ssyncset.done $0x0  }
0x4d: {  	[sflag:s30] =	ssyncadd.s32 $0xFFFFE000  }
0x4e: {  	_ =	swait.ge [sflag:s30], $0x2000  }
0x4f: {  	[sflag:s30] =	ssyncset.done $0x0  }
.Ltmp2:
0x50: {  	[sflag:s30] =	ssyncadd.s32 $0xFFFFE000;
	(pc) =	sbr.rel @p0 .LBB2_3-.Ltmp2, $4  }
0x51: {  	[hbm4b:s6+s31] =	stream.strided.scatter [tilespmem:s11], [sflag:$0x2], $0x14000, s10, s31, $0x38;
	[tilespmem:$0x14500] =	vst v63  }
0x52: {  	_ =	swait.ge [sflag:s2], $0x14000  }
0x53: {  	[sflag:s2] =	ssyncset.done $0x0  }
0x54: {  	[sflag:s2] =	ssyncadd.s32 $0xFFFEC000  }
0x55: {  	[tilespmem:s3], [sflag:$0x3] =	stream.linear.gather [hbm4b:s7+s3], $0x500, $0x38;
	[tilespmem:$0x14500] =	vst v63  }
0x56: {  	_ =	swait.ge [sflag:s9], $0x500  }
0x57: {  	[sflag:s9] =	ssyncset.done $0x0  }
0x58: {  	[sflag:s9] =	ssyncadd.s32 $0xFFFFFB00  }
0x59: {  	[tilespmem:s11], [sflag:$0x1] =	stream.indirect.gather [hbm4b:s1+s10], $0x40, s3, s10, $0xb8;
	[tilespmem:$0x14500] =	vst v63  }
0x5a: {  	_ = 	snop  }
0x5b: {  	[tilespmem:s12], [sflag:$0x1] =	stream.indirect.gather [hbm4b:s1+s10], $0x40, s10, s10, $0xb8;
	[tilespmem:$0x14500] =	vst v63  }
0x5c: {  	_ = 	snop  }
0x5d: {  	[tilespmem:s14], [sflag:$0x1] =	stream.indirect.gather [hbm4b:s1+s10], $0x40, s13, s10, $0xb8;
	[tilespmem:$0x14500] =	vst v63  }
0x5e: {  	_ = 	snop  }
0x5f: {  	[tilespmem:s16], [sflag:$0x1] =	stream.indirect.gather [hbm4b:s1+s10], $0x40, s15, s10, $0xb8;
	[tilespmem:$0x14500] =	vst v63  }
0x60: {  	_ = 	snop  }
0x61: {  	[tilespmem:s18], [sflag:$0x1] =	stream.indirect.gather [hbm4b:s1+s10], $0x40, s17, s10, $0xb8;
	[tilespmem:$0x14500] =	vst v63  }
0x62: {  	_ = 	snop  }
0x63: {  	[tilespmem:s20], [sflag:$0x1] =	stream.indirect.gather [hbm4b:s1+s10], $0x40, s19, s10, $0xb8;
	[tilespmem:$0x14500] =	vst v63  }
0x64: {  	_ = 	snop  }
0x65: {  	[tilespmem:s22], [sflag:$0x1] =	stream.indirect.gather [hbm4b:s1+s10], $0x40, s21, s10, $0xb8;
	[tilespmem:$0x14500] =	vst v63  }
0x66: {  	_ = 	snop  }
0x67: {  	[tilespmem:s24], [sflag:$0x1] =	stream.indirect.gather [hbm4b:s1+s10], $0x40, s23, s10, $0xb8;
	[tilespmem:$0x14500] =	vst v63  }
0x68: {  	_ = 	snop  }
0x69: {  	[tilespmem:s26], [sflag:$0x1] =	stream.indirect.gather [hbm4b:s1+s10], $0x40, s25, s10, $0xb8;
	[tilespmem:$0x14500] =	vst v63  }
0x6a: {  	_ = 	snop  }
0x6b: {  	[tilespmem:s29], [sflag:$0x1] =	stream.indirect.gather [hbm4b:s1+s10], $0x40, s28, s10, $0xb8;
	[tilespmem:$0x14500] =	vst v63  }
0x6c: {  	_ =	swait.ge [sflag:s30], $0x2000  }
0x6d: {  	[sflag:s30] =	ssyncset.done $0x0  }
0x6e: {  	[sflag:s30] =	ssyncadd.s32 $0xFFFFE000  }
0x6f: {  	_ =	swait.ge [sflag:s30], $0x2000  }
0x70: {  	[sflag:s30] =	ssyncset.done $0x0  }
0x71: {  	[sflag:s30] =	ssyncadd.s32 $0xFFFFE000  }
0x72: {  	_ =	swait.ge [sflag:s30], $0x2000  }
0x73: {  	[sflag:s30] =	ssyncset.done $0x0  }
0x74: {  	[sflag:s30] =	ssyncadd.s32 $0xFFFFE000  }
0x75: {  	_ =	swait.ge [sflag:s30], $0x2000  }
0x76: {  	[sflag:s30] =	ssyncset.done $0x0  }
0x77: {  	[sflag:s30] =	ssyncadd.s32 $0xFFFFE000  }
0x78: {  	_ =	swait.ge [sflag:s30], $0x2000  }
0x79: {  	[sflag:s30] =	ssyncset.done $0x0  }
0x7a: {  	[sflag:s30] =	ssyncadd.s32 $0xFFFFE000  }
0x7b: {  	_ =	swait.ge [sflag:s30], $0x2000  }
0x7c: {  	[sflag:s30] =	ssyncset.done $0x0  }
0x7d: {  	[sflag:s30] =	ssyncadd.s32 $0xFFFFE000  }
0x7e: {  	_ =	swait.ge [sflag:s30], $0x2000  }
0x7f: {  	[sflag:s30] =	ssyncset.done $0x0  }
0x80: {  	[sflag:s30] =	ssyncadd.s32 $0xFFFFE000  }
0x81: {  	_ =	swait.ge [sflag:s30], $0x2000  }
0x82: {  	[sflag:s30] =	ssyncset.done $0x0  }
0x83: {  	[sflag:s30] =	ssyncadd.s32 $0xFFFFE000  }
0x84: {  	_ =	swait.ge [sflag:s30], $0x2000  }
0x85: {  	[sflag:s30] =	ssyncset.done $0x0  }
0x86: {  	[sflag:s30] =	ssyncadd.s32 $0xFFFFE000  }
0x87: {  	_ =	swait.ge [sflag:s30], $0x2000  }
0x88: {  	[sflag:s30] =	ssyncset.done $0x0  }
.Ltmp3:
0x89: {  	[sflag:s30] =	ssyncadd.s32 $0xFFFFE000;
	(pc) =	sbr.rel .LBB2_3-.Ltmp3, $4  }
0x8a: {  	[hbm4b:s8+s31] =	stream.strided.scatter [tilespmem:s11], [sflag:$0x2], $0x14000, s10, s31, $0x38;
	[tilespmem:$0x14500] =	vst v63  }
0x8b: {  	_ =	swait.ge [sflag:s2], $0x14000  }
0x8c: {  	[sflag:s2] =	ssyncset.done $0x0  }
0x8d: {  	[sflag:s2] =	ssyncadd.s32 $0xFFFEC000  }
.LBB2_4:
0x8e: {  	_ =	sfence.sel $0x180000  }
0x8f: {  	[bflag:$0x0] =	sbarrier.arrive $0xFFFF  }
0x90: {  	_ =	strace $0x9000004A  }
0x91: {  	[bflag:$0x2] =	sbarrier.arrive $0xFFFF  }
0x92: {  	p0 =	sne.s32 s0, $0x0;
	s0 =	rddreg [dreg:$0x3]  }
0x93: {  	s0 =	sadd.s32 @!p0 $0x100000, s0  }
0x94: {  	[sflag:s0] =	ssyncadd.tile.s32 @!p0 $0x1;
	_ =	shalt  }
.Lfunc_end2:
_tile_overlayer_lowered:
.L_overlay_start_2:
0x95: {  	(tag) =	ssettag $0x2  }
0x96: {  	s0 =	rddreg [dreg:$0x0];
	s2 =	stileid.u32  }
0x97: {  	s1 =	rddreg [dreg:$0x1];
	p0 =	sne.s32 s2, $0x0  }
0x98: {  	s3 =	rddreg [dreg:$0x2];
	[bflag:$0x3] =	sbarrier.arrive $0xFFFF;
	s2 =	simm.s32 @!p0 $0x1C02  }
0x99: {  	[timem:s3], [sflag:s2] =	dma.local @!p0 [hbm:s0], s1  }
0x9a: {  	s0 =	simm.s32 @!p0 $0x2  }
0x9b: {  	_ =	swait.ge @!p0 [sflag:s0], s1  }
0x9c: {  	s1 =	ssub.s32 @!p0 $0x0, s1;
	[sflag:s0] =	ssyncset.done @!p0 $0x0  }
0x9d: {  	[sflag:s0] =	ssyncadd.s32 @!p0 s1  }
0x9e: {  	[bflag:$0x3] =	sbarrier.arrive $0xFFFF  }
0x9f: {  	_ =	shalt  }

// kernel: kernel.17.cloned.1.call-start
scs
__scs_entry_jumppad:
0x0: {  	(pc) =	sbr.rel $0x88, $3  }
0x1: {  	(tag) =	ssettag $0x0;
	lr =	simm.s32 $0x1  }
0x2: {  	[smem:$0x3F98] =	sst lr;
	_ =	strace $0xD0000000  }
0x3: {  	_ = 	snop  }
0x4: {  	_ = 	snop  }
0x5: {  	_ = 	snop  }
0x6: {  	_ = 	snop  }
0x7: {  	_ = 	snop  }
__scs_overlays_trampoline_lowered:
0x8: {  	[smem:$0x3FA7] =	sst s0  }
0x9: {  	[smem:$0x3FA8] =	sst s1  }
0xa: {  	[smem:$0x3FA9] =	sst s2  }
0xb: {  	[smem:$0x3FAA] =	sst s3  }
0xc: {  	[smem:$0x3FAB] =	sst s4  }
0xd: {  	[smem:$0x3FAC] =	sst s5  }
0xe: {  	[smem:$0x3FAD] =	sst s6  }
0xf: {  	[smem:$0x3FAE] =	sst s7  }
0x10: {  	[smem:$0x3FAF] =	sst s8  }
0x11: {  	[smem:$0x3FB0] =	sst s9;
	s0 =	simm.s32 @!p0 $0x0  }
0x12: {  	s1 =	sld [smem:$0x3F96];
	s0 =	simm.s32 @p0 $0x1  }
0x13: {  	[smem:$0x3FB1] =	sst s0;
	s0 =	simm.s32 @!p1 $0x0  }
0x14: {  	s2 =	sld [smem:$0x3F95];
	s0 =	simm.s32 @p1 $0x1  }
0x15: {  	[smem:$0x3FB2] =	sst s0;
	s0 =	simm.s32 @!p2 $0x0  }
0x16: {  	s3 =	sld [smem:$0x3FDB];
	s0 =	simm.s32 @p2 $0x1  }
0x17: {  	s4 =	simm.s32 $0x1BF5;
	[smem:$0x3FB4] =	sst s0  }
0x18: {  	s0 =	sld [smem:$0x3F97];
	_ =	swait.ge [sflag:s4], $0x0  }
0x19: {  	s7 =	sld [smem:$0x3F98]  }
0x1a: {  	s8 =	sadd.s32 $0xFFFFE003, lr  }
0x1b: {  	s9 =	sadd.s32 $0xFFFFFEF7, lr;
	s5 =	simm.s32 $0xFFFFFFFF;
	p2 =	slt.u32 s8, $0xFFFFF086  }
0x1c: {  	p1 =	slt.u32 s9, $0xF7A;
	s5 =	simm.s32 @!p2 $0x0  }
0x1d: {  	s5 =	simm.s32 @p1 $0x1;
	p0 =	seq.s32 s7, s2  }
0x1e: {  	s7 =	smul.u32 @!p0 $0xF7A, s2;
	p2 =	seq.s32 @!p0 s5, $0x0  }
0x1f: {  	s9 =	smul.u32 $0xF7A, s1;
	s8 =	simm.s32 @!p0 $0x1BF5;
	p2 =	por !p2, p0  }
0x20: {  	[sflag:s8] =	ssyncset.s32 @!p0 $0xFFFFF086;
	s6 =	sadd.s32 @!p0 s3, s7;
	s7 =	simm.s32 @!p0 $0x108  }
0x21: {  	s3 =	sadd.s32 s3, s9;
	s6 =	sadd.s32 @!p0 $0x88, s6;
	s7 =	simm.s32 @p2 $0x1082  }
0x22: {  	[simem:s7], [sflag:s8] =	dma.local @!p0 [hbm:s6], $0xF7A  }
0x23: {  	s9 =	sor.u32 $0xD0000000, s2;
	s6 =	simm.s32 $0x108;
	_ =	swait.ge @!p0 [sflag:s8], $0x0  }
0x24: {  	s3 =	sadd.s32 $0x88, s3;
	s6 =	simm.s32 @!p1 $0x1082;
	[sflag:s4] =	ssyncset.s32 $0xFFFFF086  }
0x25: {  	[simem:s6], [sflag:s4] =	dma.local [hbm:s3], $0xF7A  }
0x26: {  	[smem:$0x3F98] =	sst s1;
	(tag) =	ssettag s2;
	_ =	strace s9  }
0x27: {  	s1 =	sld [smem:$0x3FA8]  }
0x28: {  	s2 =	sld [smem:$0x3FA9]  }
0x29: {  	s4 =	sld [smem:$0x3FAB]  }
0x2a: {  	p0 =	seq.s32 s5, $0x0;
	s5 =	sld [smem:$0x3FAC]  }
0x2b: {  	s6 =	sld [smem:$0x3FAD]  }
0x2c: {  	s7 =	sld [smem:$0x3FAE]  }
0x2d: {  	s3 =	simm.s32 $0x108;
	s8 =	sld [smem:$0x3FAF]  }
0x2e: {  	s3 =	simm.s32 @!p0 $0x1082;
	s9 =	sld [smem:$0x3FB0]  }
0x2f: {  	lr =	sadd.s32 s0, s3;
	s0 =	sld [smem:$0x3FA7]  }
0x30: {  	s3 =	sld [smem:$0x3FAA]  }
0x31: {  	[smem:$0x3FB3] =	sst s10  }
0x32: {  	s10 =	sld [smem:$0x3FB1];
	_ =	sdelay $0x3  }
0x33: {  	p0 =	seq.s32 s10, $0x1;
	s10 =	sld [smem:$0x3FB3];
	_ =	sdelay $0x3  }
0x34: {  	[smem:$0x3FB3] =	sst s10  }
0x35: {  	s10 =	sld [smem:$0x3FB2];
	_ =	sdelay $0x3  }
0x36: {  	p1 =	seq.s32 s10, $0x1;
	s10 =	sld [smem:$0x3FB3];
	_ =	sdelay $0x3  }
0x37: {  	[smem:$0x3FB3] =	sst s10  }
0x38: {  	s10 =	sld [smem:$0x3FB4]  }
0x39: {  	_ = 	snop;
	(pc) =	sbr.ind lr, $3  }
0x3a: {  	_ = 	snop  }
0x3b: {  	_ = 	snop  }
0x3c: {  	p2 =	seq.s32 s10, $0x1;
	s10 =	sld [smem:$0x3FB3]  }
0x3d: {  	_ =	shalt  }
0x3e: {  	_ =	shalt  }
0x3f: {  	_ =	shalt  }
0x40: {  	_ =	shalt  }
0x41: {  	_ =	shalt  }
0x42: {  	_ =	shalt  }
0x43: {  	_ =	shalt  }
0x44: {  	_ =	shalt  }
0x45: {  	_ =	shalt  }
0x46: {  	_ =	shalt  }
0x47: {  	_ =	shalt  }
0x48: {  	_ =	shalt  }
0x49: {  	_ =	shalt  }
0x4a: {  	_ =	shalt  }
0x4b: {  	_ =	shalt  }
0x4c: {  	_ =	shalt  }
0x4d: {  	_ =	shalt  }
0x4e: {  	_ =	shalt  }
0x4f: {  	_ =	shalt  }
0x50: {  	_ =	shalt  }
0x51: {  	_ =	shalt  }
0x52: {  	_ =	shalt  }
0x53: {  	_ =	shalt  }
0x54: {  	_ =	shalt  }
0x55: {  	_ =	shalt  }
0x56: {  	_ =	shalt  }
0x57: {  	_ =	shalt  }
0x58: {  	_ =	shalt  }
0x59: {  	_ =	shalt  }
0x5a: {  	_ =	shalt  }
0x5b: {  	_ =	shalt  }
0x5c: {  	_ =	shalt  }
0x5d: {  	_ =	shalt  }
0x5e: {  	_ =	shalt  }
0x5f: {  	_ =	shalt  }
0x60: {  	_ =	shalt  }
0x61: {  	_ =	shalt  }
0x62: {  	_ =	shalt  }
0x63: {  	_ =	shalt  }
0x64: {  	_ =	shalt  }
0x65: {  	_ =	shalt  }
0x66: {  	_ =	shalt  }
0x67: {  	_ =	shalt  }
0x68: {  	_ =	shalt  }
0x69: {  	_ =	shalt  }
0x6a: {  	_ =	shalt  }
0x6b: {  	_ =	shalt  }
0x6c: {  	_ =	shalt  }
0x6d: {  	_ =	shalt  }
0x6e: {  	_ =	shalt  }
0x6f: {  	_ =	shalt  }
0x70: {  	_ =	shalt  }
0x71: {  	_ =	shalt  }
0x72: {  	_ =	shalt  }
0x73: {  	_ =	shalt  }
0x74: {  	_ =	shalt  }
0x75: {  	_ =	shalt  }
0x76: {  	_ =	shalt  }
0x77: {  	_ =	shalt  }
0x78: {  	_ =	shalt  }
0x79: {  	_ =	shalt  }
0x7a: {  	_ =	shalt  }
0x7b: {  	_ =	shalt  }
0x7c: {  	_ =	shalt  }
0x7d: {  	_ =	shalt  }
0x7e: {  	_ =	shalt  }
0x7f: {  	_ =	shalt  }
0x80: {  	_ =	shalt  }
0x81: {  	_ =	shalt  }
0x82: {  	_ =	shalt  }
0x83: {  	_ =	shalt  }
0x84: {  	_ =	shalt  }
0x85: {  	_ =	shalt  }
0x86: {  	_ =	shalt  }
0x87: {  	_ =	shalt  }
.Lfunc_end0:
.L_simem_size_0:
called_computation.2_lowered:
.L_overlay_start_0:
0x88: {  	s2 =	sld [smem:$0x3FD9]  }
0x89: {  	s3 =	sld [smem:$0x3FFE];
	_ =	sdelay $0x1  }
0x8a: {  	s1 =	srdreg.scid  }
0x8b: {  	s0 =	sand.u32 $0x1, s1  }
0x8c: {  	s17 =	sshll.u32 s0, $0xA;
	s2 =	sadd.s32 s3, s2  }
0x8d: {  	s2 =	sadd.s32 s2, s17  }
0x8e: {  	[smem:$0x3FBF] =	sst s2  }
0x8f: {  	_ = 	snop  }
0x90: {  	s18 =	sld [smem:$0x3FC6]  }
0x91: {  	s4 =	sld [smem:$0x3FD0];
	(tm) =	ssettm $0x1  }
0x92: {  	s19 =	sld [smem:$0x3FFB];
	_ =	sdelay $0x3  }
0x93: {  	_ =	strace s19  }
0x94: {  	s2 =	sld [smem:$0x3FFC];
	_ =	sdelay $0x3  }
0x95: {  	_ =	strace s2  }
0x96: {  	s2 =	sld [smem:$0x3FFD];
	_ =	sdelay $0x3  }
0x97: {  	_ =	strace s2  }
0x98: {  	_ =	strace $0x8FFFFFFF  }
0x99: {  	s20 =	sld [smem:$0x3FDB];
	_ =	sdelay $0x1  }
0x9a: {  	s5 =	simm.s32 $_scs_section_size  }
0x9b: {  	s6 =	simm.s32 $_size__tile_overlayer_lowered;
	s7 =	simm.s32 $_tile_overlayer_lowered  }
0x9c: {  	s8 =	simm.s32 $0x1BFF;
	s21 =	sshll.u32 s7, $0x1;
	s5 =	sadd.s32 s5, s20  }
0x9d: {  	s22 =	simm.s32 $0x0;
	s6 =	sshll.u32 s6, $0x1;
	s7 =	sadd.s32 s21, s5  }
0x9e: {  	[timem:s22], [sflag:s8] =	dma.local [hbm:s7], s6  }
0x9f: {  	_ =	swait.ge [sflag:s8], s6  }
0xa0: {  	s6 =	ssub.s32 $0x0, s6;
	[sflag:s8] =	ssyncset.done $0x0  }
0xa1: {  	[sflag:s8] =	ssyncadd.s32 s6;
	_ =	sdelay $0x1  }
0xa2: {  	s23 =	simm.s32 $0x1B8B  }
0xa3: {  	_ =	swait.ge [sflag:s23], $0x1  }
0xa4: {  	[sflag:s23] =	ssyncset.done $0x0  }
0xa5: {  	[sflag:s23] =	ssyncadd.s32 $0xFFFFFFFF  }
0xa6: {  	s6 =	sld [smem:$0x0]  }
0xa7: {  	s7 =	sand.u32 $0xFFFFFFFE, s1  }
0xa8: {  	p0 =	sne.s32 s1, s7  }
0xa9: {  	s7 =	sshll.u32 @p0 s7, $0xE  }
0xaa: {  	s7 =	sadd.s32 @p0 $0x11B8D, s7;
	s8 =	sshll.u32 @p0 s6, $0x11  }
0xab: {  	s7 =	sor.u32 @p0 s8, s7  }
0xac: {  	[sflag:s7] =	ssyncadd.remote.s32 @p0 $0x1;
	_ =	sdelay $0x1  }
0xad: {  	s7 =	simm.s32 @p0 $0x1B8D  }
0xae: {  	_ =	swait.eq @p0 [sflag:s7], $0x1  }
0xaf: {  	[sflag:s7] =	ssyncadd.s32 @p0 $0xFFFFFFFF  }
0xb0: {  	s8 =	sshll.u32 @!p0 s1, $0xE  }
0xb1: {  	s8 =	sor.u32 @!p0 $0x4000, s8;
	s7 =	simm.s32 @!p0 $0x1B8D  }
0xb2: {  	s6 =	sshll.u32 @!p0 s6, $0x11;
	s8 =	sadd.s32 @!p0 $0x11B8D, s8;
	_ =	swait.eq @!p0 [sflag:s7], $0x1  }
0xb3: {  	s6 =	sor.u32 @!p0 s6, s8;
	[sflag:s7] =	ssyncadd.s32 @!p0 $0xFFFFFFFF  }
0xb4: {  	s25 =	simm.s32 $0x1B8E;
	s24 =	sld [smem:$0x3FFE];
	[sflag:s6] =	ssyncadd.remote.s32 @!p0 $0x1  }
0xb5: {  	s26 =	simm.s32 $execute0_lowered;
	[smem:$0x3FD2] =	sst s25  }
0xb6: {  	s7 =	sshll.u32 s26, $0x1;
	_ =	strace $0x8000004C;
	[dreg:$0x1] =	wrdreg $0xFFFFFFFF  }
0xb7: {  	s28 =	simm.s32 $_size_execute0_lowered;
	s5 =	sadd.s32 s5, s7;
	[dreg:$0x0] =	wrdreg $0x0  }
0xb8: {  	s7 =	sshll.u32 s28, $0x1;
	[dreg:$0x2] =	wrdreg s5  }
0xb9: {  	[dreg:$0x3] =	wrdreg s7  }
0xba: {  	[dreg:$0x4] =	wrdreg $0xC0  }
0xbb: {  	_ =	task [dreg:s22], $0x5FFFF  }
0xbc: {  	[dreg:$0x1] =	wrdreg $0xFFFFFFFF  }
0xbd: {  	[dreg:$0x0] =	wrdreg $0x60  }
0xbe: {  	[dreg:$0x2] =	wrdreg s4  }
0xbf: {  	[dreg:$0x3] =	wrdreg s18  }
0xc0: {  	[dreg:$0x4] =	wrdreg s24  }
0xc1: {  	[dreg:$0x5] =	wrdreg $0xB  }
0xc2: {  	_ =	task.clear_ibuf [dreg:s22], $0x6FFFF;
	_ =	strace $0x9000004C  }
0xc3: {  	s29 =	simm.s32 $0xB;
	_ =	strace $0x8000004E  }
0xc4: {  	_ =	swait.ge [sflag:s29], $0x1  }
0xc5: {  	[sflag:s29] =	ssyncadd.s32 $0xFFFFFFFF  }
0xc6: {  	_ =	strace $0x9000004E  }
0xc7: {  	_ =	sfence  }
0xc8: {  	s30 =	sld [smem:$0x0];
	_ =	sdelay $0x2  }
0xc9: {  	s31 =	sshll.u32 s1, $0xD;
	s1 =	sshrl.u32 s1, $0x2  }
0xca: {  	s4 =	sand.u32 $0x4000, s31;
	s1 =	sadd.s32 s1, s30  }
0xcb: {  	s0 =	sor.u32 s4, s0;
	s1 =	sshll.u32 s1, $0x11  }
0xcc: {  	s0 =	sor.u32 s1, s0  }
0xcd: {  	s0 =	sadd.s32 $0x8F2B, s0  }
0xce: {  	[sflag:s0] =	ssyncadd.remote.s32 $0x1  }
0xcf: {  	_ =	sfence.sel $0xFFFF  }
0xd0: {  	[dreg:$0x0] =	wrdreg $0xFFFFFFFF;
	(pc) =	sbr.abs _section_cstart, $3  }
0xd1: {  	[dreg:$0x1] =	wrdreg $0xFFFFFFFF  }
0xd2: {  	_ =	task.clear_ibuf [dreg:s22], $0x2FFFF;
	_ =	strace $0x9FFFFFFF  }
0xd3: {  	(tm) =	ssettm $0x7FFFFFFF  }
tec
execute0_lowered:
.L_overlay_start_1:
0x0: {  	(tag) =	ssettag $0x1  }
0x1: {  	s1 =	rddreg [dreg:$0x0]  }
0x2: {  	s0 =	rddreg [dreg:$0x1]  }
0x3: {  	s2 =	rddreg [dreg:$0x2]  }
0x4: {  	s4 =	srdreg.scid;
	s8 =	stileid.u32  }
0x5: {  	s3 =	simm.s32 $0x0;
	s11 =	simm.s32 $0x80;
	s12 =	simm.s32 $0x500  }
0x6: {  	s16 =	simm.s32 $0x180;
	s17 =	simm.s32 $0x6500;
	s18 =	simm.s32 $0x200  }
0x7: {  	s19 =	simm.s32 $0x8500;
	s20 =	simm.s32 $0x280;
	s21 =	simm.s32 $0xA500  }
0x8: {  	s22 =	simm.s32 $0x300;
	s28 =	simm.s32 $0x10500;
	s29 =	simm.s32 $0x480  }
0x9: {  	s30 =	simm.s32 $0x12500;
	s31 =	simm.s32 $0x1;
	s4 =	sand.u32 $0x1, s4  }
0xa: {  	s5 =	sshll.u32 s8, $0x1;
	[smem:$0x7FF] =	sst s3;
	s6 =	sshll.u32 s8, $0x2  }
0xb: {  	p0 =	slt.u32 s8, $0xA;
	s8 =	simm.s32 $0x0;
	s5 =	sor.u32 s4, s5  }
0xc: {  	_ =	strace $0x8000004D;
	s7 =	ssub.s32 $0x2, s4;
	s5 =	smin.u32 s5, $0x14  }
0xd: {  	s23 =	sshll.u32 s4, $0x1;
	s4 =	sadd.s32 $0xBB200, s2;
	s5 =	sadd.s32 s6, s5  }
0xe: {  	s24 =	sshrl.u32 s7, $0x1;
	s6 =	simm.s32 $0x3;
	s5 =	sadd.s32 s23, s5  }
0xf: {  	s2 =	ssub.s32 s7, s24;
	s7 =	simm.s32 $0x3;
	s25 =	smul.u32 $0xA0, s5  }
.Ltmp0:
0x10: {  	s24 =	simm.s32 $0x380;
	s2 =	smax.u32 s2, $0x1;
	(pc) =	sbr.rel .LBB2_1-.Ltmp0, $4  }
0x11: {  	s6 =	simm.s32 @!p0 $0x2;
	s23 =	simm.s32 $0xC500;
	[dreg:$0x4] =	wrdreg s2  }
0x12: {  	s26 =	sshll.u32 s5, $0x6;
	s2 =	simm.s32 $0x2;
	s0 =	sadd.s32 s25, s0  }
0x13: {  	[dreg:$0x5] =	wrdreg s26;
	s26 =	simm.s32 $0x400;
	s0 =	sadd.s32 $0x2E40, s0  }
0x14: {  	s25 =	simm.s32 $0xE500;
	[dreg:$0x6] =	wrdreg s0;
	s0 =	simm.s32 $0x40  }
.LBB2_5:
0x15: {  	s8 =	sadd.s32 $0x1, s8;
	s9 =	rddreg [dreg:$0x4]  }
0x16: {  	p0 =	sne.s32 s8, s9  }
.Ltmp1:
0x17: {  	_ = 	snop;
	(pc) =	sbr.rel @!p0 .LBB2_6-.Ltmp1, $1  }
0x18: {  	_ =	sdelay $0x3  }
.LBB2_1:
.Ltmp2:
0x19: {  	(pc) =	sbr.rel .LBB2_2-.Ltmp2, $3  }
0x1a: {  	_ =	sdelay $0x1  }
0x1b: {  	s10 =	rddreg [dreg:$0x6]  }
0x1c: {  	s9 =	rddreg [dreg:$0x5];
	s13 =	simm.s32 $0x0  }
.LBB2_4:
0x1d: {  	s13 =	sadd.s32 $0x1, s13  }
0x1e: {  	p0 =	sne.s32 s13, $0x3  }
.Ltmp3:
0x1f: {  	_ = 	snop;
	(pc) =	sbr.rel @!p0 .LBB2_5-.Ltmp3, $2  }
0x20: {  	_ =	sdelay $0x2  }
0x21: {  	s9 =	sadd.s32 $0x40, s9;
	s10 =	sadd.s32 $0xA0, s10  }
.LBB2_2:
0x22: {  	p0 =	sge.u32 s13, s6  }
.Ltmp4:
0x23: {  	_ = 	snop;
	(pc) =	sbr.rel @p0 .LBB2_4-.Ltmp4, $1  }
0x24: {  	_ =	sdelay $0x3  }
0x25: {  	[tilespmem:s3], [sflag:$0x3] =	stream.linear.gather [hbm4b:s10+s3], $0x500, $0x38;
	[tilespmem:$0x14500] =	vst v63  }
0x26: {  	_ =	swait.ge [sflag:s7], $0x500  }
0x27: {  	[sflag:s7] =	ssyncset.done $0x0  }
0x28: {  	[sflag:s7] =	ssyncadd.s32 $0xFFFFFB00  }
0x29: {  	[tilespmem:s12], [sflag:$0x1] =	stream.indirect.gather [hbm4b:s1+s11], $0x40, s3, s11, $0xb8;
	[tilespmem:$0x14500] =	vst v63  }
0x2a: {  	s14 =	simm.s32 $0x2500  }
0x2b: {  	[tilespmem:s14], [sflag:$0x1] =	stream.indirect.gather [hbm4b:s1+s11], $0x40, s11, s11, $0xb8;
	[tilespmem:$0x14500] =	vst v63  }
0x2c: {  	s15 =	simm.s32 $0x4500;
	s14 =	simm.s32 $0x100  }
0x2d: {  	[tilespmem:s15], [sflag:$0x1] =	stream.indirect.gather [hbm4b:s1+s11], $0x40, s14, s11, $0xb8;
	[tilespmem:$0x14500] =	vst v63  }
0x2e: {  	_ = 	snop  }
0x2f: {  	[tilespmem:s17], [sflag:$0x1] =	stream.indirect.gather [hbm4b:s1+s11], $0x40, s16, s11, $0xb8;
	[tilespmem:$0x14500] =	vst v63  }
0x30: {  	_ = 	snop  }
0x31: {  	[tilespmem:s19], [sflag:$0x1] =	stream.indirect.gather [hbm4b:s1+s11], $0x40, s18, s11, $0xb8;
	[tilespmem:$0x14500] =	vst v63  }
0x32: {  	_ = 	snop  }
0x33: {  	[tilespmem:s21], [sflag:$0x1] =	stream.indirect.gather [hbm4b:s1+s11], $0x40, s20, s11, $0xb8;
	[tilespmem:$0x14500] =	vst v63  }
0x34: {  	_ = 	snop  }
0x35: {  	[tilespmem:s23], [sflag:$0x1] =	stream.indirect.gather [hbm4b:s1+s11], $0x40, s22, s11, $0xb8;
	[tilespmem:$0x14500] =	vst v63  }
0x36: {  	_ = 	snop  }
0x37: {  	[tilespmem:s25], [sflag:$0x1] =	stream.indirect.gather [hbm4b:s1+s11], $0x40, s24, s11, $0xb8;
	[tilespmem:$0x14500] =	vst v63  }
0x38: {  	_ = 	snop  }
0x39: {  	[tilespmem:s28], [sflag:$0x1] =	stream.indirect.gather [hbm4b:s1+s11], $0x40, s26, s11, $0xb8;
	[tilespmem:$0x14500] =	vst v63  }
0x3a: {  	_ = 	snop  }
0x3b: {  	[tilespmem:s30], [sflag:$0x1] =	stream.indirect.gather [hbm4b:s1+s11], $0x40, s29, s11, $0xb8;
	[tilespmem:$0x14500] =	vst v63  }
0x3c: {  	_ =	swait.ge [sflag:s31], $0x2000  }
0x3d: {  	[sflag:s31] =	ssyncset.done $0x0  }
0x3e: {  	[sflag:s31] =	ssyncadd.s32 $0xFFFFE000  }
0x3f: {  	_ =	swait.ge [sflag:s31], $0x2000  }
0x40: {  	[sflag:s31] =	ssyncset.done $0x0  }
0x41: {  	[sflag:s31] =	ssyncadd.s32 $0xFFFFE000  }
0x42: {  	_ =	swait.ge [sflag:s31], $0x2000  }
0x43: {  	[sflag:s31] =	ssyncset.done $0x0  }
0x44: {  	[sflag:s31] =	ssyncadd.s32 $0xFFFFE000  }
0x45: {  	_ =	swait.ge [sflag:s31], $0x2000  }
0x46: {  	[sflag:s31] =	ssyncset.done $0x0  }
0x47: {  	[sflag:s31] =	ssyncadd.s32 $0xFFFFE000  }
0x48: {  	_ =	swait.ge [sflag:s31], $0x2000  }
0x49: {  	[sflag:s31] =	ssyncset.done $0x0  }
0x4a: {  	[sflag:s31] =	ssyncadd.s32 $0xFFFFE000  }
0x4b: {  	_ =	swait.ge [sflag:s31], $0x2000  }
0x4c: {  	[sflag:s31] =	ssyncset.done $0x0  }
0x4d: {  	[sflag:s31] =	ssyncadd.s32 $0xFFFFE000  }
0x4e: {  	_ =	swait.ge [sflag:s31], $0x2000  }
0x4f: {  	[sflag:s31] =	ssyncset.done $0x0  }
0x50: {  	[sflag:s31] =	ssyncadd.s32 $0xFFFFE000  }
0x51: {  	_ =	swait.ge [sflag:s31], $0x2000  }
0x52: {  	[sflag:s31] =	ssyncset.done $0x0  }
0x53: {  	s15 =	sadd.s32 s13, s5;
	[sflag:s31] =	ssyncadd.s32 $0xFFFFE000  }
0x54: {  	s14 =	sshrl.u32 s15, $0x1;
	_ =	swait.ge [sflag:s31], $0x2000  }
0x55: {  	s14 =	smul.u32 $0x28000, s14;
	[sflag:s31] =	ssyncset.done $0x0  }
0x56: {  	s15 =	sand.u32 $0x40, s9;
	[sflag:s31] =	ssyncadd.s32 $0xFFFFE000  }
0x57: {  	s14 =	sor.u32 s15, s14;
	_ =	swait.ge [sflag:s31], $0x2000  }
0x58: {  	s14 =	sshrl.u32 s14, $0x3;
	[sflag:s31] =	ssyncset.done $0x0  }
.Ltmp5:
0x59: {  	s14 =	sadd.s32 s4, s14;
	[sflag:s31] =	ssyncadd.s32 $0xFFFFE000;
	(pc) =	sbr.rel .LBB2_4-.Ltmp5, $4  }
0x5a: {  	[hbm4b:s14+s0] =	stream.strided.scatter [tilespmem:s12], [sflag:$0x2], $0x14000, s11, s0, $0x38;
	[tilespmem:$0x14500] =	vst v63  }
0x5b: {  	_ =	swait.ge [sflag:s2], $0x14000  }
0x5c: {  	[sflag:s2] =	ssyncset.done $0x0  }
0x5d: {  	[sflag:s2] =	ssyncadd.s32 $0xFFFEC000  }
.LBB2_6:
0x5e: {  	_ =	sfence.sel $0x180000  }
0x5f: {  	[bflag:$0x0] =	sbarrier.arrive $0xFFFF  }
0x60: {  	_ =	strace $0x9000004D  }
0x61: {  	s0 =	stileid.u32;
	[bflag:$0x2] =	sbarrier.arrive $0xFFFF  }
0x62: {  	p0 =	sne.s32 s0, $0x0;
	s0 =	rddreg [dreg:$0x3]  }
0x63: {  	s0 =	sadd.s32 @!p0 $0x100000, s0  }
0x64: {  	[sflag:s0] =	ssyncadd.tile.s32 @!p0 $0x1;
	_ =	shalt  }
.Lfunc_end2:
_tile_overlayer_lowered:
.L_overlay_start_2:
0x65: {  	(tag) =	ssettag $0x2  }
0x66: {  	s0 =	rddreg [dreg:$0x0];
	s2 =	stileid.u32  }
0x67: {  	s1 =	rddreg [dreg:$0x1];
	p0 =	sne.s32 s2, $0x0  }
0x68: {  	s3 =	rddreg [dreg:$0x2];
	[bflag:$0x3] =	sbarrier.arrive $0xFFFF;
	s2 =	simm.s32 @!p0 $0x1C02  }
0x69: {  	[timem:s3], [sflag:s2] =	dma.local @!p0 [hbm:s0], s1  }
0x6a: {  	s0 =	simm.s32 @!p0 $0x2  }
0x6b: {  	_ =	swait.ge @!p0 [sflag:s0], s1  }
0x6c: {  	s1 =	ssub.s32 @!p0 $0x0, s1;
	[sflag:s0] =	ssyncset.done @!p0 $0x0  }
0x6d: {  	[sflag:s0] =	ssyncadd.s32 @!p0 s1  }
0x6e: {  	[bflag:$0x3] =	sbarrier.arrive $0xFFFF  }
0x6f: {  	_ =	shalt  }

// kernel: kernel.20.cloned.1.call-start
scs
__scs_entry_jumppad:
0x0: {  	(pc) =	sbr.rel $0x88, $3  }
0x1: {  	(tag) =	ssettag $0x0;
	lr =	simm.s32 $0x1  }
0x2: {  	[smem:$0x3F98] =	sst lr;
	_ =	strace $0xD0000000  }
0x3: {  	_ = 	snop  }
0x4: {  	_ = 	snop  }
0x5: {  	_ = 	snop  }
0x6: {  	_ = 	snop  }
0x7: {  	_ = 	snop  }
__scs_overlays_trampoline_lowered:
0x8: {  	[smem:$0x3FA7] =	sst s0  }
0x9: {  	[smem:$0x3FA8] =	sst s1  }
0xa: {  	[smem:$0x3FA9] =	sst s2  }
0xb: {  	[smem:$0x3FAA] =	sst s3  }
0xc: {  	[smem:$0x3FAB] =	sst s4  }
0xd: {  	[smem:$0x3FAC] =	sst s5  }
0xe: {  	[smem:$0x3FAD] =	sst s6  }
0xf: {  	[smem:$0x3FAE] =	sst s7  }
0x10: {  	[smem:$0x3FAF] =	sst s8  }
0x11: {  	[smem:$0x3FB0] =	sst s9;
	s0 =	simm.s32 @!p0 $0x0  }
0x12: {  	s1 =	sld [smem:$0x3F96];
	s0 =	simm.s32 @p0 $0x1  }
0x13: {  	[smem:$0x3FB1] =	sst s0;
	s0 =	simm.s32 @!p1 $0x0  }
0x14: {  	s2 =	sld [smem:$0x3F95];
	s0 =	simm.s32 @p1 $0x1  }
0x15: {  	[smem:$0x3FB2] =	sst s0;
	s0 =	simm.s32 @!p2 $0x0  }
0x16: {  	s3 =	sld [smem:$0x3FDB];
	s0 =	simm.s32 @p2 $0x1  }
0x17: {  	s4 =	simm.s32 $0x1BF5;
	[smem:$0x3FB4] =	sst s0  }
0x18: {  	s0 =	sld [smem:$0x3F97];
	_ =	swait.ge [sflag:s4], $0x0  }
0x19: {  	s7 =	sld [smem:$0x3F98]  }
0x1a: {  	s8 =	sadd.s32 $0xFFFFE003, lr  }
0x1b: {  	s9 =	sadd.s32 $0xFFFFFEF7, lr;
	s5 =	simm.s32 $0xFFFFFFFF;
	p2 =	slt.u32 s8, $0xFFFFF086  }
0x1c: {  	p1 =	slt.u32 s9, $0xF7A;
	s5 =	simm.s32 @!p2 $0x0  }
0x1d: {  	s5 =	simm.s32 @p1 $0x1;
	p0 =	seq.s32 s7, s2  }
0x1e: {  	s7 =	smul.u32 @!p0 $0xF7A, s2;
	p2 =	seq.s32 @!p0 s5, $0x0  }
0x1f: {  	s9 =	smul.u32 $0xF7A, s1;
	s8 =	simm.s32 @!p0 $0x1BF5;
	p2 =	por !p2, p0  }
0x20: {  	[sflag:s8] =	ssyncset.s32 @!p0 $0xFFFFF086;
	s6 =	sadd.s32 @!p0 s3, s7;
	s7 =	simm.s32 @!p0 $0x108  }
0x21: {  	s3 =	sadd.s32 s3, s9;
	s6 =	sadd.s32 @!p0 $0x88, s6;
	s7 =	simm.s32 @p2 $0x1082  }
0x22: {  	[simem:s7], [sflag:s8] =	dma.local @!p0 [hbm:s6], $0xF7A  }
0x23: {  	s9 =	sor.u32 $0xD0000000, s2;
	s6 =	simm.s32 $0x108;
	_ =	swait.ge @!p0 [sflag:s8], $0x0  }
0x24: {  	s3 =	sadd.s32 $0x88, s3;
	s6 =	simm.s32 @!p1 $0x1082;
	[sflag:s4] =	ssyncset.s32 $0xFFFFF086  }
0x25: {  	[simem:s6], [sflag:s4] =	dma.local [hbm:s3], $0xF7A  }
0x26: {  	[smem:$0x3F98] =	sst s1;
	(tag) =	ssettag s2;
	_ =	strace s9  }
0x27: {  	s1 =	sld [smem:$0x3FA8]  }
0x28: {  	s2 =	sld [smem:$0x3FA9]  }
0x29: {  	s4 =	sld [smem:$0x3FAB]  }
0x2a: {  	p0 =	seq.s32 s5, $0x0;
	s5 =	sld [smem:$0x3FAC]  }
0x2b: {  	s6 =	sld [smem:$0x3FAD]  }
0x2c: {  	s7 =	sld [smem:$0x3FAE]  }
0x2d: {  	s3 =	simm.s32 $0x108;
	s8 =	sld [smem:$0x3FAF]  }
0x2e: {  	s3 =	simm.s32 @!p0 $0x1082;
	s9 =	sld [smem:$0x3FB0]  }
0x2f: {  	lr =	sadd.s32 s0, s3;
	s0 =	sld [smem:$0x3FA7]  }
0x30: {  	s3 =	sld [smem:$0x3FAA]  }
0x31: {  	[smem:$0x3FB3] =	sst s10  }
0x32: {  	s10 =	sld [smem:$0x3FB1];
	_ =	sdelay $0x3  }
0x33: {  	p0 =	seq.s32 s10, $0x1;
	s10 =	sld [smem:$0x3FB3];
	_ =	sdelay $0x3  }
0x34: {  	[smem:$0x3FB3] =	sst s10  }
0x35: {  	s10 =	sld [smem:$0x3FB2];
	_ =	sdelay $0x3  }
0x36: {  	p1 =	seq.s32 s10, $0x1;
	s10 =	sld [smem:$0x3FB3];
	_ =	sdelay $0x3  }
0x37: {  	[smem:$0x3FB3] =	sst s10  }
0x38: {  	s10 =	sld [smem:$0x3FB4]  }
0x39: {  	_ = 	snop;
	(pc) =	sbr.ind lr, $3  }
0x3a: {  	_ = 	snop  }
0x3b: {  	_ = 	snop  }
0x3c: {  	p2 =	seq.s32 s10, $0x1;
	s10 =	sld [smem:$0x3FB3]  }
0x3d: {  	_ =	shalt  }
0x3e: {  	_ =	shalt  }
0x3f: {  	_ =	shalt  }
0x40: {  	_ =	shalt  }
0x41: {  	_ =	shalt  }
0x42: {  	_ =	shalt  }
0x43: {  	_ =	shalt  }
0x44: {  	_ =	shalt  }
0x45: {  	_ =	shalt  }
0x46: {  	_ =	shalt  }
0x47: {  	_ =	shalt  }
0x48: {  	_ =	shalt  }
0x49: {  	_ =	shalt  }
0x4a: {  	_ =	shalt  }
0x4b: {  	_ =	shalt  }
0x4c: {  	_ =	shalt  }
0x4d: {  	_ =	shalt  }
0x4e: {  	_ =	shalt  }
0x4f: {  	_ =	shalt  }
0x50: {  	_ =	shalt  }
0x51: {  	_ =	shalt  }
0x52: {  	_ =	shalt  }
0x53: {  	_ =	shalt  }
0x54: {  	_ =	shalt  }
0x55: {  	_ =	shalt  }
0x56: {  	_ =	shalt  }
0x57: {  	_ =	shalt  }
0x58: {  	_ =	shalt  }
0x59: {  	_ =	shalt  }
0x5a: {  	_ =	shalt  }
0x5b: {  	_ =	shalt  }
0x5c: {  	_ =	shalt  }
0x5d: {  	_ =	shalt  }
0x5e: {  	_ =	shalt  }
0x5f: {  	_ =	shalt  }
0x60: {  	_ =	shalt  }
0x61: {  	_ =	shalt  }
0x62: {  	_ =	shalt  }
0x63: {  	_ =	shalt  }
0x64: {  	_ =	shalt  }
0x65: {  	_ =	shalt  }
0x66: {  	_ =	shalt  }
0x67: {  	_ =	shalt  }
0x68: {  	_ =	shalt  }
0x69: {  	_ =	shalt  }
0x6a: {  	_ =	shalt  }
0x6b: {  	_ =	shalt  }
0x6c: {  	_ =	shalt  }
0x6d: {  	_ =	shalt  }
0x6e: {  	_ =	shalt  }
0x6f: {  	_ =	shalt  }
0x70: {  	_ =	shalt  }
0x71: {  	_ =	shalt  }
0x72: {  	_ =	shalt  }
0x73: {  	_ =	shalt  }
0x74: {  	_ =	shalt  }
0x75: {  	_ =	shalt  }
0x76: {  	_ =	shalt  }
0x77: {  	_ =	shalt  }
0x78: {  	_ =	shalt  }
0x79: {  	_ =	shalt  }
0x7a: {  	_ =	shalt  }
0x7b: {  	_ =	shalt  }
0x7c: {  	_ =	shalt  }
0x7d: {  	_ =	shalt  }
0x7e: {  	_ =	shalt  }
0x7f: {  	_ =	shalt  }
0x80: {  	_ =	shalt  }
0x81: {  	_ =	shalt  }
0x82: {  	_ =	shalt  }
0x83: {  	_ =	shalt  }
0x84: {  	_ =	shalt  }
0x85: {  	_ =	shalt  }
0x86: {  	_ =	shalt  }
0x87: {  	_ =	shalt  }
.Lfunc_end0:
.L_simem_size_0:
called_computation.3_lowered:
.L_overlay_start_0:
0x88: {  	s2 =	sld [smem:$0x3FD9]  }
0x89: {  	s3 =	sld [smem:$0x3FFE];
	_ =	sdelay $0x1  }
0x8a: {  	s1 =	srdreg.scid  }
0x8b: {  	s0 =	sand.u32 $0x1, s1  }
0x8c: {  	s17 =	sshll.u32 s0, $0xA;
	s2 =	sadd.s32 s3, s2  }
0x8d: {  	s2 =	sadd.s32 s2, s17  }
0x8e: {  	[smem:$0x3FBF] =	sst s2  }
0x8f: {  	_ = 	snop  }
0x90: {  	s18 =	sld [smem:$0x3FC6]  }
0x91: {  	s4 =	sld [smem:$0x3FD0];
	(tm) =	ssettm $0x1  }
0x92: {  	s19 =	sld [smem:$0x3FFB];
	_ =	sdelay $0x3  }
0x93: {  	_ =	strace s19  }
0x94: {  	s2 =	sld [smem:$0x3FFC];
	_ =	sdelay $0x3  }
0x95: {  	_ =	strace s2  }
0x96: {  	s2 =	sld [smem:$0x3FFD];
	_ =	sdelay $0x3  }
0x97: {  	_ =	strace s2  }
0x98: {  	_ =	strace $0x8FFFFFFF  }
0x99: {  	s20 =	sld [smem:$0x3FDB];
	_ =	sdelay $0x1  }
0x9a: {  	s5 =	simm.s32 $_scs_section_size  }
0x9b: {  	s6 =	simm.s32 $_size__tile_overlayer_lowered;
	s7 =	simm.s32 $_tile_overlayer_lowered  }
0x9c: {  	s8 =	simm.s32 $0x1BFF;
	s21 =	sshll.u32 s7, $0x1;
	s5 =	sadd.s32 s5, s20  }
0x9d: {  	s22 =	simm.s32 $0x0;
	s6 =	sshll.u32 s6, $0x1;
	s7 =	sadd.s32 s21, s5  }
0x9e: {  	[timem:s22], [sflag:s8] =	dma.local [hbm:s7], s6  }
0x9f: {  	_ =	swait.ge [sflag:s8], s6  }
0xa0: {  	s6 =	ssub.s32 $0x0, s6;
	[sflag:s8] =	ssyncset.done $0x0  }
0xa1: {  	[sflag:s8] =	ssyncadd.s32 s6;
	_ =	sdelay $0x1  }
0xa2: {  	s23 =	simm.s32 $0x1B8B  }
0xa3: {  	_ =	swait.ge [sflag:s23], $0x1  }
0xa4: {  	[sflag:s23] =	ssyncset.done $0x0  }
0xa5: {  	[sflag:s23] =	ssyncadd.s32 $0xFFFFFFFF  }
0xa6: {  	s6 =	sld [smem:$0x0]  }
0xa7: {  	s7 =	sand.u32 $0xFFFFFFFE, s1  }
0xa8: {  	p0 =	sne.s32 s1, s7  }
0xa9: {  	s7 =	sshll.u32 @p0 s7, $0xE  }
0xaa: {  	s7 =	sadd.s32 @p0 $0x11B8D, s7;
	s8 =	sshll.u32 @p0 s6, $0x11  }
0xab: {  	s7 =	sor.u32 @p0 s8, s7  }
0xac: {  	[sflag:s7] =	ssyncadd.remote.s32 @p0 $0x1;
	_ =	sdelay $0x1  }
0xad: {  	s7 =	simm.s32 @p0 $0x1B8D  }
0xae: {  	_ =	swait.eq @p0 [sflag:s7], $0x1  }
0xaf: {  	[sflag:s7] =	ssyncadd.s32 @p0 $0xFFFFFFFF  }
0xb0: {  	s8 =	sshll.u32 @!p0 s1, $0xE  }
0xb1: {  	s8 =	sor.u32 @!p0 $0x4000, s8;
	s7 =	simm.s32 @!p0 $0x1B8D  }
0xb2: {  	s6 =	sshll.u32 @!p0 s6, $0x11;
	s8 =	sadd.s32 @!p0 $0x11B8D, s8;
	_ =	swait.eq @!p0 [sflag:s7], $0x1  }
0xb3: {  	s6 =	sor.u32 @!p0 s6, s8;
	[sflag:s7] =	ssyncadd.s32 @!p0 $0xFFFFFFFF  }
0xb4: {  	s25 =	simm.s32 $0x1B8E;
	s24 =	sld [smem:$0x3FFE];
	[sflag:s6] =	ssyncadd.remote.s32 @!p0 $0x1  }
0xb5: {  	s26 =	simm.s32 $execute0_lowered;
	[smem:$0x3FD2] =	sst s25  }
0xb6: {  	s7 =	sshll.u32 s26, $0x1;
	_ =	strace $0x8000004F;
	[dreg:$0x1] =	wrdreg $0xFFFFFFFF  }
0xb7: {  	s28 =	simm.s32 $_size_execute0_lowered;
	s5 =	sadd.s32 s5, s7;
	[dreg:$0x0] =	wrdreg $0x0  }
0xb8: {  	s7 =	sshll.u32 s28, $0x1;
	[dreg:$0x2] =	wrdreg s5  }
0xb9: {  	[dreg:$0x3] =	wrdreg s7  }
0xba: {  	[dreg:$0x4] =	wrdreg $0xC0  }
0xbb: {  	_ =	task [dreg:s22], $0x5FFFF  }
0xbc: {  	[dreg:$0x1] =	wrdreg $0xFFFFFFFF  }
0xbd: {  	[dreg:$0x0] =	wrdreg $0x60  }
0xbe: {  	[dreg:$0x2] =	wrdreg s4  }
0xbf: {  	[dreg:$0x3] =	wrdreg s18  }
0xc0: {  	[dreg:$0x4] =	wrdreg s24  }
0xc1: {  	[dreg:$0x5] =	wrdreg $0xC  }
0xc2: {  	_ =	task.clear_ibuf [dreg:s22], $0x6FFFF;
	_ =	strace $0x9000004F  }
0xc3: {  	s29 =	simm.s32 $0xC;
	_ =	strace $0x80000051  }
0xc4: {  	_ =	swait.ge [sflag:s29], $0x1  }
0xc5: {  	[sflag:s29] =	ssyncadd.s32 $0xFFFFFFFF  }
0xc6: {  	_ =	strace $0x90000051  }
0xc7: {  	_ =	sfence  }
0xc8: {  	s30 =	sld [smem:$0x0];
	_ =	sdelay $0x2  }
0xc9: {  	s31 =	sshll.u32 s1, $0xD;
	s1 =	sshrl.u32 s1, $0x2  }
0xca: {  	s4 =	sand.u32 $0x4000, s31;
	s1 =	sadd.s32 s1, s30  }
0xcb: {  	s0 =	sor.u32 s4, s0;
	s1 =	sshll.u32 s1, $0x11  }
0xcc: {  	s0 =	sor.u32 s1, s0  }
0xcd: {  	s0 =	sadd.s32 $0x8F2B, s0  }
0xce: {  	[sflag:s0] =	ssyncadd.remote.s32 $0x1  }
0xcf: {  	_ =	sfence.sel $0xFFFF  }
0xd0: {  	[dreg:$0x0] =	wrdreg $0xFFFFFFFF;
	(pc) =	sbr.abs _section_cstart, $3  }
0xd1: {  	[dreg:$0x1] =	wrdreg $0xFFFFFFFF  }
0xd2: {  	_ =	task.clear_ibuf [dreg:s22], $0x2FFFF;
	_ =	strace $0x9FFFFFFF  }
0xd3: {  	(tm) =	ssettm $0x7FFFFFFF  }
tec
execute0_lowered:
.L_overlay_start_1:
0x0: {  	(tag) =	ssettag $0x1  }
0x1: {  	s1 =	rddreg [dreg:$0x0]  }
0x2: {  	s0 =	rddreg [dreg:$0x1]  }
0x3: {  	s2 =	rddreg [dreg:$0x2]  }
0x4: {  	s4 =	srdreg.scid;
	s8 =	stileid.u32  }
0x5: {  	s3 =	simm.s32 $0x0;
	s11 =	simm.s32 $0x80;
	s12 =	simm.s32 $0x500  }
0x6: {  	s16 =	simm.s32 $0x180;
	s17 =	simm.s32 $0x6500;
	s18 =	simm.s32 $0x200  }
0x7: {  	s19 =	simm.s32 $0x8500;
	s20 =	simm.s32 $0x280;
	s21 =	simm.s32 $0xA500  }
0x8: {  	s22 =	simm.s32 $0x300;
	s28 =	simm.s32 $0x10500;
	s29 =	simm.s32 $0x480  }
0x9: {  	s30 =	simm.s32 $0x12500;
	s31 =	simm.s32 $0x1;
	s4 =	sand.u32 $0x1, s4  }
0xa: {  	s5 =	sshll.u32 s8, $0x1;
	[smem:$0x7FF] =	sst s3;
	s6 =	sshll.u32 s8, $0x2  }
0xb: {  	p0 =	slt.u32 s8, $0xE;
	s8 =	simm.s32 $0x0;
	s5 =	sor.u32 s4, s5  }
0xc: {  	_ =	strace $0x80000050;
	s7 =	ssub.s32 $0x2, s4;
	s5 =	smin.u32 s5, $0x1C  }
0xd: {  	s23 =	sshll.u32 s4, $0x1;
	s4 =	sadd.s32 $0x18D200, s2;
	s5 =	sadd.s32 s6, s5  }
0xe: {  	s24 =	sshrl.u32 s7, $0x1;
	s6 =	simm.s32 $0x3;
	s5 =	sadd.s32 s23, s5  }
0xf: {  	s2 =	ssub.s32 s7, s24;
	s7 =	simm.s32 $0x3;
	s25 =	smul.u32 $0xA0, s5  }
.Ltmp0:
0x10: {  	s24 =	simm.s32 $0x380;
	s2 =	smax.u32 s2, $0x1;
	(pc) =	sbr.rel .LBB2_1-.Ltmp0, $4  }
0x11: {  	s6 =	simm.s32 @!p0 $0x2;
	s23 =	simm.s32 $0xC500;
	[dreg:$0x4] =	wrdreg s2  }
0x12: {  	s26 =	sshll.u32 s5, $0x6;
	s2 =	simm.s32 $0x2;
	s0 =	sadd.s32 s25, s0  }
0x13: {  	[dreg:$0x5] =	wrdreg s26;
	s26 =	simm.s32 $0x400;
	s0 =	sadd.s32 $0x62C0, s0  }
0x14: {  	s25 =	simm.s32 $0xE500;
	[dreg:$0x6] =	wrdreg s0;
	s0 =	simm.s32 $0x40  }
.LBB2_5:
0x15: {  	s8 =	sadd.s32 $0x1, s8;
	s9 =	rddreg [dreg:$0x4]  }
0x16: {  	p0 =	sne.s32 s8, s9  }
.Ltmp1:
0x17: {  	_ = 	snop;
	(pc) =	sbr.rel @!p0 .LBB2_6-.Ltmp1, $1  }
0x18: {  	_ =	sdelay $0x3  }
.LBB2_1:
.Ltmp2:
0x19: {  	(pc) =	sbr.rel .LBB2_2-.Ltmp2, $3  }
0x1a: {  	_ =	sdelay $0x1  }
0x1b: {  	s10 =	rddreg [dreg:$0x6]  }
0x1c: {  	s9 =	rddreg [dreg:$0x5];
	s13 =	simm.s32 $0x0  }
.LBB2_4:
0x1d: {  	s13 =	sadd.s32 $0x1, s13  }
0x1e: {  	p0 =	sne.s32 s13, $0x3  }
.Ltmp3:
0x1f: {  	_ = 	snop;
	(pc) =	sbr.rel @!p0 .LBB2_5-.Ltmp3, $2  }
0x20: {  	_ =	sdelay $0x2  }
0x21: {  	s9 =	sadd.s32 $0x40, s9;
	s10 =	sadd.s32 $0xA0, s10  }
.LBB2_2:
0x22: {  	p0 =	sge.u32 s13, s6  }
.Ltmp4:
0x23: {  	_ = 	snop;
	(pc) =	sbr.rel @p0 .LBB2_4-.Ltmp4, $1  }
0x24: {  	_ =	sdelay $0x3  }
0x25: {  	[tilespmem:s3], [sflag:$0x3] =	stream.linear.gather [hbm4b:s10+s3], $0x500, $0x38;
	[tilespmem:$0x14500] =	vst v63  }
0x26: {  	_ =	swait.ge [sflag:s7], $0x500  }
0x27: {  	[sflag:s7] =	ssyncset.done $0x0  }
0x28: {  	[sflag:s7] =	ssyncadd.s32 $0xFFFFFB00  }
0x29: {  	[tilespmem:s12], [sflag:$0x1] =	stream.indirect.gather [hbm4b:s1+s11], $0x40, s3, s11, $0xb8;
	[tilespmem:$0x14500] =	vst v63  }
0x2a: {  	s14 =	simm.s32 $0x2500  }
0x2b: {  	[tilespmem:s14], [sflag:$0x1] =	stream.indirect.gather [hbm4b:s1+s11], $0x40, s11, s11, $0xb8;
	[tilespmem:$0x14500] =	vst v63  }
0x2c: {  	s15 =	simm.s32 $0x4500;
	s14 =	simm.s32 $0x100  }
0x2d: {  	[tilespmem:s15], [sflag:$0x1] =	stream.indirect.gather [hbm4b:s1+s11], $0x40, s14, s11, $0xb8;
	[tilespmem:$0x14500] =	vst v63  }
0x2e: {  	_ = 	snop  }
0x2f: {  	[tilespmem:s17], [sflag:$0x1] =	stream.indirect.gather [hbm4b:s1+s11], $0x40, s16, s11, $0xb8;
	[tilespmem:$0x14500] =	vst v63  }
0x30: {  	_ = 	snop  }
0x31: {  	[tilespmem:s19], [sflag:$0x1] =	stream.indirect.gather [hbm4b:s1+s11], $0x40, s18, s11, $0xb8;
	[tilespmem:$0x14500] =	vst v63  }
0x32: {  	_ = 	snop  }
0x33: {  	[tilespmem:s21], [sflag:$0x1] =	stream.indirect.gather [hbm4b:s1+s11], $0x40, s20, s11, $0xb8;
	[tilespmem:$0x14500] =	vst v63  }
0x34: {  	_ = 	snop  }
0x35: {  	[tilespmem:s23], [sflag:$0x1] =	stream.indirect.gather [hbm4b:s1+s11], $0x40, s22, s11, $0xb8;
	[tilespmem:$0x14500] =	vst v63  }
0x36: {  	_ = 	snop  }
0x37: {  	[tilespmem:s25], [sflag:$0x1] =	stream.indirect.gather [hbm4b:s1+s11], $0x40, s24, s11, $0xb8;
	[tilespmem:$0x14500] =	vst v63  }
0x38: {  	_ = 	snop  }
0x39: {  	[tilespmem:s28], [sflag:$0x1] =	stream.indirect.gather [hbm4b:s1+s11], $0x40, s26, s11, $0xb8;
	[tilespmem:$0x14500] =	vst v63  }
0x3a: {  	_ = 	snop  }
0x3b: {  	[tilespmem:s30], [sflag:$0x1] =	stream.indirect.gather [hbm4b:s1+s11], $0x40, s29, s11, $0xb8;
	[tilespmem:$0x14500] =	vst v63  }
0x3c: {  	_ =	swait.ge [sflag:s31], $0x2000  }
0x3d: {  	[sflag:s31] =	ssyncset.done $0x0  }
0x3e: {  	[sflag:s31] =	ssyncadd.s32 $0xFFFFE000  }
0x3f: {  	_ =	swait.ge [sflag:s31], $0x2000  }
0x40: {  	[sflag:s31] =	ssyncset.done $0x0  }
0x41: {  	[sflag:s31] =	ssyncadd.s32 $0xFFFFE000  }
0x42: {  	_ =	swait.ge [sflag:s31], $0x2000  }
0x43: {  	[sflag:s31] =	ssyncset.done $0x0  }
0x44: {  	[sflag:s31] =	ssyncadd.s32 $0xFFFFE000  }
0x45: {  	_ =	swait.ge [sflag:s31], $0x2000  }
0x46: {  	[sflag:s31] =	ssyncset.done $0x0  }
0x47: {  	[sflag:s31] =	ssyncadd.s32 $0xFFFFE000  }
0x48: {  	_ =	swait.ge [sflag:s31], $0x2000  }
0x49: {  	[sflag:s31] =	ssyncset.done $0x0  }
0x4a: {  	[sflag:s31] =	ssyncadd.s32 $0xFFFFE000  }
0x4b: {  	_ =	swait.ge [sflag:s31], $0x2000  }
0x4c: {  	[sflag:s31] =	ssyncset.done $0x0  }
0x4d: {  	[sflag:s31] =	ssyncadd.s32 $0xFFFFE000  }
0x4e: {  	_ =	swait.ge [sflag:s31], $0x2000  }
0x4f: {  	[sflag:s31] =	ssyncset.done $0x0  }
0x50: {  	[sflag:s31] =	ssyncadd.s32 $0xFFFFE000  }
0x51: {  	_ =	swait.ge [sflag:s31], $0x2000  }
0x52: {  	[sflag:s31] =	ssyncset.done $0x0  }
0x53: {  	s15 =	sadd.s32 s13, s5;
	[sflag:s31] =	ssyncadd.s32 $0xFFFFE000  }
0x54: {  	s14 =	sshrl.u32 s15, $0x1;
	_ =	swait.ge [sflag:s31], $0x2000  }
0x55: {  	s14 =	smul.u32 $0x28000, s14;
	[sflag:s31] =	ssyncset.done $0x0  }
0x56: {  	s15 =	sand.u32 $0x40, s9;
	[sflag:s31] =	ssyncadd.s32 $0xFFFFE000  }
0x57: {  	s14 =	sor.u32 s15, s14;
	_ =	swait.ge [sflag:s31], $0x2000  }
0x58: {  	s14 =	sshrl.u32 s14, $0x3;
	[sflag:s31] =	ssyncset.done $0x0  }
.Ltmp5:
0x59: {  	s14 =	sadd.s32 s4, s14;
	[sflag:s31] =	ssyncadd.s32 $0xFFFFE000;
	(pc) =	sbr.rel .LBB2_4-.Ltmp5, $4  }
0x5a: {  	[hbm4b:s14+s0] =	stream.strided.scatter [tilespmem:s12], [sflag:$0x2], $0x14000, s11, s0, $0x38;
	[tilespmem:$0x14500] =	vst v63  }
0x5b: {  	_ =	swait.ge [sflag:s2], $0x14000  }
0x5c: {  	[sflag:s2] =	ssyncset.done $0x0  }
0x5d: {  	[sflag:s2] =	ssyncadd.s32 $0xFFFEC000  }
.LBB2_6:
0x5e: {  	_ =	sfence.sel $0x180000  }
0x5f: {  	[bflag:$0x0] =	sbarrier.arrive $0xFFFF  }
0x60: {  	_ =	strace $0x90000050  }
0x61: {  	s0 =	stileid.u32;
	[bflag:$0x2] =	sbarrier.arrive $0xFFFF  }
0x62: {  	p0 =	sne.s32 s0, $0x0;
	s0 =	rddreg [dreg:$0x3]  }
0x63: {  	s0 =	sadd.s32 @!p0 $0x100000, s0  }
0x64: {  	[sflag:s0] =	ssyncadd.tile.s32 @!p0 $0x1;
	_ =	shalt  }
.Lfunc_end2:
_tile_overlayer_lowered:
.L_overlay_start_2:
0x65: {  	(tag) =	ssettag $0x2  }
0x66: {  	s0 =	rddreg [dreg:$0x0];
	s2 =	stileid.u32  }
0x67: {  	s1 =	rddreg [dreg:$0x1];
	p0 =	sne.s32 s2, $0x0  }
0x68: {  	s3 =	rddreg [dreg:$0x2];
	[bflag:$0x3] =	sbarrier.arrive $0xFFFF;
	s2 =	simm.s32 @!p0 $0x1C02  }
0x69: {  	[timem:s3], [sflag:s2] =	dma.local @!p0 [hbm:s0], s1  }
0x6a: {  	s0 =	simm.s32 @!p0 $0x2  }
0x6b: {  	_ =	swait.ge @!p0 [sflag:s0], s1  }
0x6c: {  	s1 =	ssub.s32 @!p0 $0x0, s1;
	[sflag:s0] =	ssyncset.done @!p0 $0x0  }
0x6d: {  	[sflag:s0] =	ssyncadd.s32 @!p0 s1  }
0x6e: {  	[bflag:$0x3] =	sbarrier.arrive $0xFFFF  }
0x6f: {  	_ =	shalt  }

</sc_bundles>
